<compile_context>
chip_gen: v7x
topology: tpu7x:2x2x1
jax: 0.10.2.dev20260603
libtpu: 0.0.44.dev20260713+nightly
codegen_flags: <defaults>
</compile_context>

<pallas_src>
import functools

import jax
import jax.numpy as jnp
from jax import lax
from jax.experimental import pallas as pl
from jax.experimental.pallas import tpu as pltpu
from jax.experimental.pallas import tpu_sc as plsc

LANES = 16
NUM_CORES = 2
NUM_SUBCORES = 16
NW = NUM_CORES * NUM_SUBCORES
NBUF = 4


def kernel(x, token_table, pos_table):
    batch, seq = x.shape
    dim = token_table.shape[1]
    n_local = batch // NW

    mesh = plsc.VectorSubcoreMesh(core_axis_name="c", subcore_axis_name="s")

    @functools.partial(
        pl.kernel,
        mesh=mesh,
        out_type=jax.ShapeDtypeStruct((batch * seq, dim), jnp.float32),
        scratch_types=[
            pltpu.VMEM((n_local, seq), jnp.int32),
            pltpu.VMEM((seq, dim), jnp.float32),
        ]
        + [pltpu.VMEM((seq, dim), jnp.float32) for _ in range(NBUF)]
        + [pltpu.SemaphoreType.DMA for _ in range(2 * NBUF)],
        compiler_params=pltpu.CompilerParams(use_tc_tiling_on_sc=False),
    )
    def emb(x_hbm, tok_hbm, pos_hbm, out_hbm, idx_all, pos_v, *bufs_and_sems):
        bufs = bufs_and_sems[:NBUF]
        gsems = bufs_and_sems[NBUF : 2 * NBUF]
        osems = bufs_and_sems[2 * NBUF : 3 * NBUF]

        wid = lax.axis_index("s") * NUM_CORES + lax.axis_index("c")
        base = wid * n_local
        pltpu.sync_copy(x_hbm.at[pl.ds(base, n_local)], idx_all)
        pltpu.sync_copy(pos_hbm.at[pl.ds(0, seq)], pos_v)

        def issue_gather(j, buf, sem):
            pltpu.async_copy(
                tok_hbm.at[idx_all.at[j, pl.ds(0, 128)]], buf.at[pl.ds(0, 128)], sem
            )
            pltpu.async_copy(
                tok_hbm.at[idx_all.at[j, pl.ds(128, seq - 128)]],
                buf.at[pl.ds(128, seq - 128)],
                sem,
            )

        def drain_gather(buf, sem):
            pltpu.make_async_copy(tok_hbm.at[pl.ds(0, seq)], buf, sem).wait()

        def drain_out(buf, sem):
            pltpu.make_async_copy(buf, out_hbm.at[pl.ds(0, seq)], sem).wait()

        for b in range(NBUF):
            issue_gather(b, bufs[b], gsems[b])

        @pl.loop(0, n_local, step=NBUF)
        def _(g):
            for b in range(NBUF):
                j = g + b
                sb = (b - 2) % NBUF

                @pl.when(jnp.logical_and(j >= 2, j + 2 < n_local))
                def _():
                    drain_out(bufs[sb], osems[sb])
                    issue_gather(j + 2, bufs[sb], gsems[sb])

                drain_gather(bufs[b], gsems[b])

                @pl.loop(0, seq, step=8)
                def _(r):
                    for rr in range(8):
                        for c in range(dim // LANES):
                            sl = (r + rr, pl.ds(c * LANES, LANES))
                            plsc.addupdate(bufs[b].at[sl], pos_v[sl])

                pltpu.async_copy(
                    bufs[b], out_hbm.at[pl.ds((base + j) * seq, seq)], osems[b]
                )

        for b in range(NBUF):
            drain_out(bufs[b], osems[b])

    out = emb(x.astype(jnp.int32), token_table, pos_table)
    return out.reshape(batch, seq, dim)

# --- scband reference (transcript-rebuilt; emitter-appended) ---
"""Pipeline reference for scband-embeddings-17686675325443 (READ-ONLY COPY).

The authoritative reference and input builder live on the scoring server;
editing this copy changes nothing except your own understanding.
"""

import jax, jax.numpy as jnp
import numpy as np

VOCAB = 1000000
DIM = 64
MAX_LEN = 256
BATCH = 4096
SEQ = 200

def setup_inputs(seed: int = 0) -> dict:
    key = jax.random.key(seed)
    k1, k2, k3 = jax.random.split(key, 3)
    x = jax.random.randint(k1, (BATCH, SEQ), 0, VOCAB, dtype=jnp.int64 if jax.config.jax_enable_x64 else jnp.int32)
    token_table = jax.random.normal(k2, (VOCAB, DIM), dtype=jnp.float32)
    pos_table = jax.random.normal(k3, (MAX_LEN, DIM), dtype=jnp.float32)
    return {"x": x, "token_table": token_table, "pos_table": pos_table}

def reference(x, token_table, pos_table):
    # seq_len from input, positions broadcast over batch
    seq_len = x.shape[1]
    positions = jnp.arange(seq_len)[None, :]
    tok = jnp.take(token_table, x, axis=0)          # [B, S, D] gather
    pos = jnp.take(pos_table, positions, axis=0)    # [1, S, D] gather
    out = tok + pos
    # dropout is identity in eval mode (deterministic reference)
    return out

if __name__ == "__main__":
    import jax
    _d = setup_inputs()
    print(jax.jit(kernel)(*tuple(_d.values())))

</pallas_src>

<mosaic_0001>
#map = affine_map<(d0, d1) -> (0, 0)>
module attributes {stable_mosaic.version = 14 : i64} {
  func.func @emb(%arg0: i32, %arg1: i32, %arg2: memref<4096x200xi32, #tpu.memory_space<hbm>>, %arg3: memref<1000000x64xf32, #tpu.memory_space<hbm>>, %arg4: memref<256x64xf32, #tpu.memory_space<hbm>>, %arg5: memref<819200x64xf32, #tpu.memory_space<hbm>>, %arg6: memref<128x200xi32, #tpu.memory_space<vmem>>, %arg7: memref<200x64xf32, #tpu.memory_space<vmem>>, %arg8: memref<200x64xf32, #tpu.memory_space<vmem>>, %arg9: memref<200x64xf32, #tpu.memory_space<vmem>>, %arg10: memref<200x64xf32, #tpu.memory_space<vmem>>, %arg11: memref<200x64xf32, #tpu.memory_space<vmem>>, %arg12: memref<!tpu.dma_semaphore, #tpu.memory_space<semaphore_mem>>, %arg13: memref<!tpu.dma_semaphore, #tpu.memory_space<semaphore_mem>>, %arg14: memref<!tpu.dma_semaphore, #tpu.memory_space<semaphore_mem>>, %arg15: memref<!tpu.dma_semaphore, #tpu.memory_space<semaphore_mem>>, %arg16: memref<!tpu.dma_semaphore, #tpu.memory_space<semaphore_mem>>, %arg17: memref<!tpu.dma_semaphore, #tpu.memory_space<semaphore_mem>>, %arg18: memref<!tpu.dma_semaphore, #tpu.memory_space<semaphore_mem>>, %arg19: memref<!tpu.dma_semaphore, #tpu.memory_space<semaphore_mem>>) attributes {dimension_semantics = [#tpu.dimension_semantics<core_parallel>, #tpu.dimension_semantics<subcore_parallel>], iteration_bounds = array<i64: 2, 16>, scalar_prefetch = 0 : i64, scratch_operands = 14 : i64, tpu.core_type = #tpu.core_type<sc_vector_subcore>, window_params = [{transform_indices = #map}, {transform_indices = #map}, {transform_indices = #map}, {transform_indices = #map}]} {
    %mul3A = arith.constant 2 : i32
    %mul3A_0 = arith.muli %arg1, %mul3A : i32
    %add3A = arith.addi %mul3A_0, %arg0 : i32
    %mul3A_1 = arith.constant 128 : i32
    %mul3A_2 = arith.muli %add3A, %mul3A_1 : i32
    "tpu.region"() ({
      %run_scoped3A = tpu.sem_alloc : memref<!tpu.dma_semaphore, #tpu.memory_space<semaphore_mem>>
      %dma_start3A_109 = arith.constant 0 : i32
      %dma_start3A_110 = tpu.memref_slice %arg2[%mul3A_2, %dma_start3A_109] : memref<4096x200xi32, #tpu.memory_space<hbm>> -> memref<128x200xi32, #tpu.memory_space<hbm>>
      %dma_start3A_111 = arith.constant 0 : i32
      %dma_start3A_112 = tpu.memref_slice %arg2[%mul3A_2, %dma_start3A_111] : memref<4096x200xi32, #tpu.memory_space<hbm>> -> memref<128x200xi32, #tpu.memory_space<hbm>>
      tpu.enqueue_dma source(%dma_start3A_112 : memref<128x200xi32, #tpu.memory_space<hbm>>) target(%arg6 : memref<128x200xi32, #tpu.memory_space<vmem>>) target_semaphore(%run_scoped3A : memref<!tpu.dma_semaphore, #tpu.memory_space<semaphore_mem>>)
      %dma_wait3A_113 = arith.constant 0 : i32
      %dma_wait3A_114 = tpu.memref_slice %arg2[%mul3A_2, %dma_wait3A_113] : memref<4096x200xi32, #tpu.memory_space<hbm>> -> memref<128x200xi32, #tpu.memory_space<hbm>>
      %dma_wait3A_115 = arith.constant 0 : i32
      %dma_wait3A_116 = tpu.memref_slice %arg2[%mul3A_2, %dma_wait3A_115] : memref<4096x200xi32, #tpu.memory_space<hbm>> -> memref<128x200xi32, #tpu.memory_space<hbm>>
      tpu.wait_dma2 semaphore(%run_scoped3A : memref<!tpu.dma_semaphore, #tpu.memory_space<semaphore_mem>>) src(%dma_wait3A_116 : memref<128x200xi32, #tpu.memory_space<hbm>>) dst(%arg6 : memref<128x200xi32, #tpu.memory_space<vmem>>)
      tpu.yield
    }) : () -> ()
    "tpu.region"() ({
      %run_scoped3A = tpu.sem_alloc : memref<!tpu.dma_semaphore, #tpu.memory_space<semaphore_mem>>
      %dma_start3A_109 = arith.constant 0 : i32
      %dma_start3A_110 = arith.constant 0 : i32
      %dma_start3A_111 = tpu.memref_slice %arg4[%dma_start3A_109, %dma_start3A_110] : memref<256x64xf32, #tpu.memory_space<hbm>> -> memref<200x64xf32, #tpu.memory_space<hbm>>
      %dma_start3A_112 = arith.constant 0 : i32
      %dma_start3A_113 = arith.constant 0 : i32
      %dma_start3A_114 = tpu.memref_slice %arg4[%dma_start3A_112, %dma_start3A_113] : memref<256x64xf32, #tpu.memory_space<hbm>> -> memref<200x64xf32, #tpu.memory_space<hbm>>
      tpu.enqueue_dma source(%dma_start3A_114 : memref<200x64xf32, #tpu.memory_space<hbm>>) target(%arg7 : memref<200x64xf32, #tpu.memory_space<vmem>>) target_semaphore(%run_scoped3A : memref<!tpu.dma_semaphore, #tpu.memory_space<semaphore_mem>>)
      %dma_wait3A_115 = arith.constant 0 : i32
      %dma_wait3A_116 = arith.constant 0 : i32
      %dma_wait3A_117 = tpu.memref_slice %arg4[%dma_wait3A_115, %dma_wait3A_116] : memref<256x64xf32, #tpu.memory_space<hbm>> -> memref<200x64xf32, #tpu.memory_space<hbm>>
      %dma_wait3A_118 = arith.constant 0 : i32
      %dma_wait3A_119 = arith.constant 0 : i32
      %dma_wait3A_120 = tpu.memref_slice %arg4[%dma_wait3A_118, %dma_wait3A_119] : memref<256x64xf32, #tpu.memory_space<hbm>> -> memref<200x64xf32, #tpu.memory_space<hbm>>
      tpu.wait_dma2 semaphore(%run_scoped3A : memref<!tpu.dma_semaphore, #tpu.memory_space<semaphore_mem>>) src(%dma_wait3A_120 : memref<200x64xf32, #tpu.memory_space<hbm>>) dst(%arg7 : memref<200x64xf32, #tpu.memory_space<vmem>>)
      tpu.yield
    }) : () -> ()
    %dma_start3A = arith.constant 0 : i32
    %dma_start3A_3 = arith.constant 0 : i32
    %dma_start3A_4 = arith.constant 0 : i32
    %dma_start3A_5 = tpu.memref_slice %arg8[%dma_start3A_3, %dma_start3A_4] : memref<200x64xf32, #tpu.memory_space<vmem>> -> memref<128x64xf32, #tpu.memory_space<vmem>>
    %dma_start3A_6 = arith.constant 0 : i32
    %dma_start3A_7 = tpu.memref_slice %arg6[%dma_start3A, %dma_start3A_6] : memref<128x200xi32, #tpu.memory_space<vmem>> -> memref<1x128xi32, #tpu.memory_space<vmem>>
    %dma_start3A_8 = tpu.memref_squeeze %dma_start3A_7 : memref<1x128xi32, #tpu.memory_space<vmem>> -> memref<128xi32, #tpu.memory_space<vmem>>
    %dma_start3A_9 = arith.constant 0 : i32
    %dma_start3A_10 = arith.constant 0 : i32
    %dma_start3A_11 = tpu.memref_slice %arg3[%dma_start3A_9, %dma_start3A_10] : memref<1000000x64xf32, #tpu.memory_space<hbm>> -> memref<1000000x64xf32, #tpu.memory_space<hbm>>
    tpu.enqueue_indirect_dma source(%dma_start3A_11 : memref<1000000x64xf32, #tpu.memory_space<hbm>>) target(%dma_start3A_5 : memref<128x64xf32, #tpu.memory_space<vmem>>) offsets(%dma_start3A_8 : memref<128xi32, #tpu.memory_space<vmem>>) semaphore(%arg12 : memref<!tpu.dma_semaphore, #tpu.memory_space<semaphore_mem>>)
    %dma_start3A_12 = arith.constant 0 : i32
    %dma_start3A_13 = arith.constant 128 : i32
    %dma_start3A_14 = arith.constant 0 : i32
    %dma_start3A_15 = tpu.memref_slice %arg8[%dma_start3A_13, %dma_start3A_14] : memref<200x64xf32, #tpu.memory_space<vmem>> -> memref<72x64xf32, #tpu.memory_space<vmem>>
    %dma_start3A_16 = arith.constant 128 : i32
    %dma_start3A_17 = tpu.memref_slice %arg6[%dma_start3A_12, %dma_start3A_16] : memref<128x200xi32, #tpu.memory_space<vmem>> -> memref<1x72xi32, #tpu.memory_space<vmem>>
    %dma_start3A_18 = tpu.memref_squeeze %dma_start3A_17 : memref<1x72xi32, #tpu.memory_space<vmem>> -> memref<72xi32, #tpu.memory_space<vmem>>
    %dma_start3A_19 = arith.constant 0 : i32
    %dma_start3A_20 = arith.constant 0 : i32
    %dma_start3A_21 = tpu.memref_slice %arg3[%dma_start3A_19, %dma_start3A_20] : memref<1000000x64xf32, #tpu.memory_space<hbm>> -> memref<1000000x64xf32, #tpu.memory_space<hbm>>
    tpu.enqueue_indirect_dma source(%dma_start3A_21 : memref<1000000x64xf32, #tpu.memory_space<hbm>>) target(%dma_start3A_15 : memref<72x64xf32, #tpu.memory_space<vmem>>) offsets(%dma_start3A_18 : memref<72xi32, #tpu.memory_space<vmem>>) semaphore(%arg12 : memref<!tpu.dma_semaphore, #tpu.memory_space<semaphore_mem>>)
    %dma_start3A_22 = arith.constant 1 : i32
    %dma_start3A_23 = arith.constant 0 : i32
    %dma_start3A_24 = arith.constant 0 : i32
    %dma_start3A_25 = tpu.memref_slice %arg9[%dma_start3A_23, %dma_start3A_24] : memref<200x64xf32, #tpu.memory_space<vmem>> -> memref<128x64xf32, #tpu.memory_space<vmem>>
    %dma_start3A_26 = arith.constant 0 : i32
    %dma_start3A_27 = tpu.memref_slice %arg6[%dma_start3A_22, %dma_start3A_26] : memref<128x200xi32, #tpu.memory_space<vmem>> -> memref<1x128xi32, #tpu.memory_space<vmem>>
    %dma_start3A_28 = tpu.memref_squeeze %dma_start3A_27 : memref<1x128xi32, #tpu.memory_space<vmem>> -> memref<128xi32, #tpu.memory_space<vmem>>
    %dma_start3A_29 = arith.constant 0 : i32
    %dma_start3A_30 = arith.constant 0 : i32
    %dma_start3A_31 = tpu.memref_slice %arg3[%dma_start3A_29, %dma_start3A_30] : memref<1000000x64xf32, #tpu.memory_space<hbm>> -> memref<1000000x64xf32, #tpu.memory_space<hbm>>
    tpu.enqueue_indirect_dma source(%dma_start3A_31 : memref<1000000x64xf32, #tpu.memory_space<hbm>>) target(%dma_start3A_25 : memref<128x64xf32, #tpu.memory_space<vmem>>) offsets(%dma_start3A_28 : memref<128xi32, #tpu.memory_space<vmem>>) semaphore(%arg13 : memref<!tpu.dma_semaphore, #tpu.memory_space<semaphore_mem>>)
    %dma_start3A_32 = arith.constant 1 : i32
    %dma_start3A_33 = arith.constant 128 : i32
    %dma_start3A_34 = arith.constant 0 : i32
    %dma_start3A_35 = tpu.memref_slice %arg9[%dma_start3A_33, %dma_start3A_34] : memref<200x64xf32, #tpu.memory_space<vmem>> -> memref<72x64xf32, #tpu.memory_space<vmem>>
    %dma_start3A_36 = arith.constant 128 : i32
    %dma_start3A_37 = tpu.memref_slice %arg6[%dma_start3A_32, %dma_start3A_36] : memref<128x200xi32, #tpu.memory_space<vmem>> -> memref<1x72xi32, #tpu.memory_space<vmem>>
    %dma_start3A_38 = tpu.memref_squeeze %dma_start3A_37 : memref<1x72xi32, #tpu.memory_space<vmem>> -> memref<72xi32, #tpu.memory_space<vmem>>
    %dma_start3A_39 = arith.constant 0 : i32
    %dma_start3A_40 = arith.constant 0 : i32
    %dma_start3A_41 = tpu.memref_slice %arg3[%dma_start3A_39, %dma_start3A_40] : memref<1000000x64xf32, #tpu.memory_space<hbm>> -> memref<1000000x64xf32, #tpu.memory_space<hbm>>
    tpu.enqueue_indirect_dma source(%dma_start3A_41 : memref<1000000x64xf32, #tpu.memory_space<hbm>>) target(%dma_start3A_35 : memref<72x64xf32, #tpu.memory_space<vmem>>) offsets(%dma_start3A_38 : memref<72xi32, #tpu.memory_space<vmem>>) semaphore(%arg13 : memref<!tpu.dma_semaphore, #tpu.memory_space<semaphore_mem>>)
    %dma_start3A_42 = arith.constant 2 : i32
    %dma_start3A_43 = arith.constant 0 : i32
    %dma_start3A_44 = arith.constant 0 : i32
    %dma_start3A_45 = tpu.memref_slice %arg10[%dma_start3A_43, %dma_start3A_44] : memref<200x64xf32, #tpu.memory_space<vmem>> -> memref<128x64xf32, #tpu.memory_space<vmem>>
    %dma_start3A_46 = arith.constant 0 : i32
    %dma_start3A_47 = tpu.memref_slice %arg6[%dma_start3A_42, %dma_start3A_46] : memref<128x200xi32, #tpu.memory_space<vmem>> -> memref<1x128xi32, #tpu.memory_space<vmem>>
    %dma_start3A_48 = tpu.memref_squeeze %dma_start3A_47 : memref<1x128xi32, #tpu.memory_space<vmem>> -> memref<128xi32, #tpu.memory_space<vmem>>
    %dma_start3A_49 = arith.constant 0 : i32
    %dma_start3A_50 = arith.constant 0 : i32
    %dma_start3A_51 = tpu.memref_slice %arg3[%dma_start3A_49, %dma_start3A_50] : memref<1000000x64xf32, #tpu.memory_space<hbm>> -> memref<1000000x64xf32, #tpu.memory_space<hbm>>
    tpu.enqueue_indirect_dma source(%dma_start3A_51 : memref<1000000x64xf32, #tpu.memory_space<hbm>>) target(%dma_start3A_45 : memref<128x64xf32, #tpu.memory_space<vmem>>) offsets(%dma_start3A_48 : memref<128xi32, #tpu.memory_space<vmem>>) semaphore(%arg14 : memref<!tpu.dma_semaphore, #tpu.memory_space<semaphore_mem>>)
    %dma_start3A_52 = arith.constant 2 : i32
    %dma_start3A_53 = arith.constant 128 : i32
    %dma_start3A_54 = arith.constant 0 : i32
    %dma_start3A_55 = tpu.memref_slice %arg10[%dma_start3A_53, %dma_start3A_54] : memref<200x64xf32, #tpu.memory_space<vmem>> -> memref<72x64xf32, #tpu.memory_space<vmem>>
    %dma_start3A_56 = arith.constant 128 : i32
    %dma_start3A_57 = tpu.memref_slice %arg6[%dma_start3A_52, %dma_start3A_56] : memref<128x200xi32, #tpu.memory_space<vmem>> -> memref<1x72xi32, #tpu.memory_space<vmem>>
    %dma_start3A_58 = tpu.memref_squeeze %dma_start3A_57 : memref<1x72xi32, #tpu.memory_space<vmem>> -> memref<72xi32, #tpu.memory_space<vmem>>
    %dma_start3A_59 = arith.constant 0 : i32
    %dma_start3A_60 = arith.constant 0 : i32
    %dma_start3A_61 = tpu.memref_slice %arg3[%dma_start3A_59, %dma_start3A_60] : memref<1000000x64xf32, #tpu.memory_space<hbm>> -> memref<1000000x64xf32, #tpu.memory_space<hbm>>
    tpu.enqueue_indirect_dma source(%dma_start3A_61 : memref<1000000x64xf32, #tpu.memory_space<hbm>>) target(%dma_start3A_55 : memref<72x64xf32, #tpu.memory_space<vmem>>) offsets(%dma_start3A_58 : memref<72xi32, #tpu.memory_space<vmem>>) semaphore(%arg14 : memref<!tpu.dma_semaphore, #tpu.memory_space<semaphore_mem>>)
    %dma_start3A_62 = arith.constant 3 : i32
    %dma_start3A_63 = arith.constant 0 : i32
    %dma_start3A_64 = arith.constant 0 : i32
    %dma_start3A_65 = tpu.memref_slice %arg11[%dma_start3A_63, %dma_start3A_64] : memref<200x64xf32, #tpu.memory_space<vmem>> -> memref<128x64xf32, #tpu.memory_space<vmem>>
    %dma_start3A_66 = arith.constant 0 : i32
    %dma_start3A_67 = tpu.memref_slice %arg6[%dma_start3A_62, %dma_start3A_66] : memref<128x200xi32, #tpu.memory_space<vmem>> -> memref<1x128xi32, #tpu.memory_space<vmem>>
    %dma_start3A_68 = tpu.memref_squeeze %dma_start3A_67 : memref<1x128xi32, #tpu.memory_space<vmem>> -> memref<128xi32, #tpu.memory_space<vmem>>
    %dma_start3A_69 = arith.constant 0 : i32
    %dma_start3A_70 = arith.constant 0 : i32
    %dma_start3A_71 = tpu.memref_slice %arg3[%dma_start3A_69, %dma_start3A_70] : memref<1000000x64xf32, #tpu.memory_space<hbm>> -> memref<1000000x64xf32, #tpu.memory_space<hbm>>
    tpu.enqueue_indirect_dma source(%dma_start3A_71 : memref<1000000x64xf32, #tpu.memory_space<hbm>>) target(%dma_start3A_65 : memref<128x64xf32, #tpu.memory_space<vmem>>) offsets(%dma_start3A_68 : memref<128xi32, #tpu.memory_space<vmem>>) semaphore(%arg15 : memref<!tpu.dma_semaphore, #tpu.memory_space<semaphore_mem>>)
    %dma_start3A_72 = arith.constant 3 : i32
    %dma_start3A_73 = arith.constant 128 : i32
    %dma_start3A_74 = arith.constant 0 : i32
    %dma_start3A_75 = tpu.memref_slice %arg11[%dma_start3A_73, %dma_start3A_74] : memref<200x64xf32, #tpu.memory_space<vmem>> -> memref<72x64xf32, #tpu.memory_space<vmem>>
    %dma_start3A_76 = arith.constant 128 : i32
    %dma_start3A_77 = tpu.memref_slice %arg6[%dma_start3A_72, %dma_start3A_76] : memref<128x200xi32, #tpu.memory_space<vmem>> -> memref<1x72xi32, #tpu.memory_space<vmem>>
    %dma_start3A_78 = tpu.memref_squeeze %dma_start3A_77 : memref<1x72xi32, #tpu.memory_space<vmem>> -> memref<72xi32, #tpu.memory_space<vmem>>
    %dma_start3A_79 = arith.constant 0 : i32
    %dma_start3A_80 = arith.constant 0 : i32
    %dma_start3A_81 = tpu.memref_slice %arg3[%dma_start3A_79, %dma_start3A_80] : memref<1000000x64xf32, #tpu.memory_space<hbm>> -> memref<1000000x64xf32, #tpu.memory_space<hbm>>
    tpu.enqueue_indirect_dma source(%dma_start3A_81 : memref<1000000x64xf32, #tpu.memory_space<hbm>>) target(%dma_start3A_75 : memref<72x64xf32, #tpu.memory_space<vmem>>) offsets(%dma_start3A_78 : memref<72xi32, #tpu.memory_space<vmem>>) semaphore(%arg15 : memref<!tpu.dma_semaphore, #tpu.memory_space<semaphore_mem>>)
    %scan3A = arith.constant 0 : i32
    %scan3A_82 = arith.constant 32 : i32
    %scan3A_83 = arith.addi %scan3A, %scan3A_82 : i32
    %scan3A_84 = arith.constant 1 : i32
    scf.for %scan3A_109 = %scan3A to %scan3A_83 step %scan3A_84  : i32 {
      %mul3A_110 = arith.constant 4 : i32
      %mul3A_111 = arith.muli %scan3A_109, %mul3A_110 : i32
      %add3A_112 = arith.constant 0 : i32
      %add3A_113 = arith.addi %add3A_112, %mul3A_111 : i32
      %add3A_114 = arith.constant 0 : i32
      %add3A_115 = arith.addi %add3A_113, %add3A_114 : i32
      %ge3A = arith.constant 2 : i32
      %ge3A_116 = arith.cmpi sge, %add3A_115, %ge3A : i32
      %add3A_117 = arith.constant 2 : i32
      %add3A_118 = arith.addi %add3A_115, %add3A_117 : i32
      %lt3A = arith.constant 128 : i32
      %lt3A_119 = arith.cmpi slt, %add3A_118, %lt3A : i32
      %and3A = arith.andi %ge3A_116, %lt3A_119 : i1
      %convert_element_type3A = arith.extui %and3A : i1 to i32
      %cond3A = arith.constant 0 : i32
      %cond3A_120 = arith.cmpi ne, %convert_element_type3A, %cond3A : i32
      scf.if %cond3A_120 {
        %dma_wait3A_229 = arith.constant 0 : i32
        %dma_wait3A_230 = arith.constant 0 : i32
        %dma_wait3A_231 = tpu.memref_slice %arg5[%dma_wait3A_229, %dma_wait3A_230] : memref<819200x64xf32, #tpu.memory_space<hbm>> -> memref<200x64xf32, #tpu.memory_space<hbm>>
        %dma_wait3A_232 = arith.constant 0 : i32
        %dma_wait3A_233 = arith.constant 0 : i32
        %dma_wait3A_234 = tpu.memref_slice %arg5[%dma_wait3A_232, %dma_wait3A_233] : memref<819200x64xf32, #tpu.memory_space<hbm>> -> memref<200x64xf32, #tpu.memory_space<hbm>>
        tpu.wait_dma2 semaphore(%arg18 : memref<!tpu.dma_semaphore, #tpu.memory_space<semaphore_mem>>) src(%arg10 : memref<200x64xf32, #tpu.memory_space<vmem>>) dst(%dma_wait3A_234 : memref<200x64xf32, #tpu.memory_space<hbm>>)
        %add3A_235 = arith.constant 2 : i32
        %add3A_236 = arith.addi %add3A_115, %add3A_235 : i32
        %dma_start3A_237 = arith.constant 0 : i32
        %dma_start3A_238 = arith.constant 0 : i32
        %dma_start3A_239 = tpu.memref_slice %arg10[%dma_start3A_237, %dma_start3A_238] : memref<200x64xf32, #tpu.memory_space<vmem>> -> memref<128x64xf32, #tpu.memory_space<vmem>>
        %dma_start3A_240 = arith.constant 0 : i32
        %dma_start3A_241 = tpu.memref_slice %arg6[%add3A_236, %dma_start3A_240] : memref<128x200xi32, #tpu.memory_space<vmem>> -> memref<1x128xi32, #tpu.memory_space<vmem>>
        %dma_start3A_242 = tpu.memref_squeeze %dma_start3A_241 : memref<1x128xi32, #tpu.memory_space<vmem>> -> memref<128xi32, #tpu.memory_space<vmem>>
        %dma_start3A_243 = arith.constant 0 : i32
        %dma_start3A_244 = arith.constant 0 : i32
        %dma_start3A_245 = tpu.memref_slice %arg3[%dma_start3A_243, %dma_start3A_244] : memref<1000000x64xf32, #tpu.memory_space<hbm>> -> memref<1000000x64xf32, #tpu.memory_space<hbm>>
        tpu.enqueue_indirect_dma source(%dma_start3A_245 : memref<1000000x64xf32, #tpu.memory_space<hbm>>) target(%dma_start3A_239 : memref<128x64xf32, #tpu.memory_space<vmem>>) offsets(%dma_start3A_242 : memref<128xi32, #tpu.memory_space<vmem>>) semaphore(%arg14 : memref<!tpu.dma_semaphore, #tpu.memory_space<semaphore_mem>>)
        %dma_start3A_246 = arith.constant 128 : i32
        %dma_start3A_247 = arith.constant 0 : i32
        %dma_start3A_248 = tpu.memref_slice %arg10[%dma_start3A_246, %dma_start3A_247] : memref<200x64xf32, #tpu.memory_space<vmem>> -> memref<72x64xf32, #tpu.memory_space<vmem>>
        %dma_start3A_249 = arith.constant 128 : i32
        %dma_start3A_250 = tpu.memref_slice %arg6[%add3A_236, %dma_start3A_249] : memref<128x200xi32, #tpu.memory_space<vmem>> -> memref<1x72xi32, #tpu.memory_space<vmem>>
        %dma_start3A_251 = tpu.memref_squeeze %dma_start3A_250 : memref<1x72xi32, #tpu.memory_space<vmem>> -> memref<72xi32, #tpu.memory_space<vmem>>
        %dma_start3A_252 = arith.constant 0 : i32
        %dma_start3A_253 = arith.constant 0 : i32
        %dma_start3A_254 = tpu.memref_slice %arg3[%dma_start3A_252, %dma_start3A_253] : memref<1000000x64xf32, #tpu.memory_space<hbm>> -> memref<1000000x64xf32, #tpu.memory_space<hbm>>
        tpu.enqueue_indirect_dma source(%dma_start3A_254 : memref<1000000x64xf32, #tpu.memory_space<hbm>>) target(%dma_start3A_248 : memref<72x64xf32, #tpu.memory_space<vmem>>) offsets(%dma_start3A_251 : memref<72xi32, #tpu.memory_space<vmem>>) semaphore(%arg14 : memref<!tpu.dma_semaphore, #tpu.memory_space<semaphore_mem>>)
      } else {
      }
      %dma_wait3A_121 = arith.constant 0 : i32
      %dma_wait3A_122 = arith.constant 0 : i32
      %dma_wait3A_123 = tpu.memref_slice %arg3[%dma_wait3A_121, %dma_wait3A_122] : memref<1000000x64xf32, #tpu.memory_space<hbm>> -> memref<200x64xf32, #tpu.memory_space<hbm>>
      %dma_wait3A_124 = arith.constant 0 : i32
      %dma_wait3A_125 = arith.constant 0 : i32
      %dma_wait3A_126 = tpu.memref_slice %arg3[%dma_wait3A_124, %dma_wait3A_125] : memref<1000000x64xf32, #tpu.memory_space<hbm>> -> memref<200x64xf32, #tpu.memory_space<hbm>>
      tpu.wait_dma2 semaphore(%arg12 : memref<!tpu.dma_semaphore, #tpu.memory_space<semaphore_mem>>) src(%dma_wait3A_126 : memref<200x64xf32, #tpu.memory_space<hbm>>) dst(%arg8 : memref<200x64xf32, #tpu.memory_space<vmem>>)
      %scan3A_127 = arith.constant 0 : i32
      %scan3A_128 = arith.constant 25 : i32
      %scan3A_129 = arith.addi %scan3A_127, %scan3A_128 : i32
      %scan3A_130 = arith.constant 1 : i32
      scf.for %scan3A_229 = %scan3A_127 to %scan3A_129 step %scan3A_130  : i32 {
        %mul3A_230 = arith.constant 8 : i32
        %mul3A_231 = arith.muli %scan3A_229, %mul3A_230 : i32
        %add3A_232 = arith.constant 0 : i32
        %add3A_233 = arith.addi %add3A_232, %mul3A_231 : i32
        %add3A_234 = arith.constant 0 : i32
        %add3A_235 = arith.addi %add3A_233, %add3A_234 : i32
        %get3A = arith.index_cast %add3A_235 : i32 to index
        %get3A_236 = arith.constant 0 : index
        %get3A_237 = tpu.vector_load %arg7[%get3A, %get3A_236] {strides = array<i32>} : memref<200x64xf32, #tpu.memory_space<vmem>>, vector<1x16xf32>,
        %get3A_238 = vector.shape_cast %get3A_237 : vector<1x16xf32> to vector<16xf32>
        %swap3A = arith.index_cast %add3A_235 : i32 to index
        %swap3A_239 = arith.constant 0 : index
        %swap3A_240 = tpu.vector_load %arg8[%swap3A, %swap3A_239] {strides = array<i32>} : memref<200x64xf32, #tpu.memory_space<vmem>>, vector<1x16xf32>,
        %swap3A_241 = vector.shape_cast %swap3A_240 : vector<1x16xf32> to vector<16xf32>
        %swap3A_242 = vector.shape_cast %get3A_238 : vector<16xf32> to vector<1x16xf32>
        tpu.vector_store %arg8[%swap3A, %swap3A_239], %swap3A_242 {add = true, strides = array<i32>} : memref<200x64xf32, #tpu.memory_space<vmem>>, vector<1x16xf32>,
        %add3A_243 = arith.constant 0 : i32
        %add3A_244 = arith.addi %add3A_233, %add3A_243 : i32
        %get3A_245 = arith.index_cast %add3A_244 : i32 to index
        %get3A_246 = arith.constant 16 : index
        %get3A_247 = tpu.vector_load %arg7[%get3A_245, %get3A_246] {strides = array<i32>} : memref<200x64xf32, #tpu.memory_space<vmem>>, vector<1x16xf32>,
        %get3A_248 = vector.shape_cast %get3A_247 : vector<1x16xf32> to vector<16xf32>
        %swap3A_249 = arith.index_cast %add3A_244 : i32 to index
        %swap3A_250 = arith.constant 16 : index
        %swap3A_251 = tpu.vector_load %arg8[%swap3A_249, %swap3A_250] {strides = array<i32>} : memref<200x64xf32, #tpu.memory_space<vmem>>, vector<1x16xf32>,
        %swap3A_252 = vector.shape_cast %swap3A_251 : vector<1x16xf32> to vector<16xf32>
        %swap3A_253 = vector.shape_cast %get3A_248 : vector<16xf32> to vector<1x16xf32>
        tpu.vector_store %arg8[%swap3A_249, %swap3A_250], %swap3A_253 {add = true, strides = array<i32>} : memref<200x64xf32, #tpu.memory_space<vmem>>, vector<1x16xf32>,
        %add3A_254 = arith.constant 0 : i32
        %add3A_255 = arith.addi %add3A_233, %add3A_254 : i32
        %get3A_256 = arith.index_cast %add3A_255 : i32 to index
        %get3A_257 = arith.constant 32 : index
        %get3A_258 = tpu.vector_load %arg7[%get3A_256, %get3A_257] {strides = array<i32>} : memref<200x64xf32, #tpu.memory_space<vmem>>, vector<1x16xf32>,
        %get3A_259 = vector.shape_cast %get3A_258 : vector<1x16xf32> to vector<16xf32>
        %swap3A_260 = arith.index_cast %add3A_255 : i32 to index
        %swap3A_261 = arith.constant 32 : index
        %swap3A_262 = tpu.vector_load %arg8[%swap3A_260, %swap3A_261] {strides = array<i32>} : memref<200x64xf32, #tpu.memory_space<vmem>>, vector<1x16xf32>,
        %swap3A_263 = vector.shape_cast %swap3A_262 : vector<1x16xf32> to vector<16xf32>
        %swap3A_264 = vector.shape_cast %get3A_259 : vector<16xf32> to vector<1x16xf32>
        tpu.vector_store %arg8[%swap3A_260, %swap3A_261], %swap3A_264 {add = true, strides = array<i32>} : memref<200x64xf32, #tpu.memory_space<vmem>>, vector<1x16xf32>,
        %add3A_265 = arith.constant 0 : i32
        %add3A_266 = arith.addi %add3A_233, %add3A_265 : i32
        %get3A_267 = arith.index_cast %add3A_266 : i32 to index
        %get3A_268 = arith.constant 48 : index
        %get3A_269 = tpu.vector_load %arg7[%get3A_267, %get3A_268] {strides = array<i32>} : memref<200x64xf32, #tpu.memory_space<vmem>>, vector<1x16xf32>,
        %get3A_270 = vector.shape_cast %get3A_269 : vector<1x16xf32> to vector<16xf32>
        %swap3A_271 = arith.index_cast %add3A_266 : i32 to index
        %swap3A_272 = arith.constant 48 : index
        %swap3A_273 = tpu.vector_load %arg8[%swap3A_271, %swap3A_272] {strides = array<i32>} : memref<200x64xf32, #tpu.memory_space<vmem>>, vector<1x16xf32>,
        %swap3A_274 = vector.shape_cast %swap3A_273 : vector<1x16xf32> to vector<16xf32>
        %swap3A_275 = vector.shape_cast %get3A_270 : vector<16xf32> to vector<1x16xf32>
        tpu.vector_store %arg8[%swap3A_271, %swap3A_272], %swap3A_275 {add = true, strides = array<i32>} : memref<200x64xf32, #tpu.memory_space<vmem>>, vector<1x16xf32>,
        %add3A_276 = arith.constant 1 : i32
        %add3A_277 = arith.addi %add3A_233, %add3A_276 : i32
        %get3A_278 = arith.index_cast %add3A_277 : i32 to index
        %get3A_279 = arith.constant 0 : index
        %get3A_280 = tpu.vector_load %arg7[%get3A_278, %get3A_279] {strides = array<i32>} : memref<200x64xf32, #tpu.memory_space<vmem>>, vector<1x16xf32>,
        %get3A_281 = vector.shape_cast %get3A_280 : vector<1x16xf32> to vector<16xf32>
        %swap3A_282 = arith.index_cast %add3A_277 : i32 to index
        %swap3A_283 = arith.constant 0 : index
        %swap3A_284 = tpu.vector_load %arg8[%swap3A_282, %swap3A_283] {strides = array<i32>} : memref<200x64xf32, #tpu.memory_space<vmem>>, vector<1x16xf32>,
        %swap3A_285 = vector.shape_cast %swap3A_284 : vector<1x16xf32> to vector<16xf32>
        %swap3A_286 = vector.shape_cast %get3A_281 : vector<16xf32> to vector<1x16xf32>
        tpu.vector_store %arg8[%swap3A_282, %swap3A_283], %swap3A_286 {add = true, strides = array<i32>} : memref<200x64xf32, #tpu.memory_space<vmem>>, vector<1x16xf32>,
        %add3A_287 = arith.constant 1 : i32
        %add3A_288 = arith.addi %add3A_233, %add3A_287 : i32
        %get3A_289 = arith.index_cast %add3A_288 : i32 to index
        %get3A_290 = arith.constant 16 : index
        %get3A_291 = tpu.vector_load %arg7[%get3A_289, %get3A_290] {strides = array<i32>} : memref<200x64xf32, #tpu.memory_space<vmem>>, vector<1x16xf32>,
        %get3A_292 = vector.shape_cast %get3A_291 : vector<1x16xf32> to vector<16xf32>
        %swap3A_293 = arith.index_cast %add3A_288 : i32 to index
        %swap3A_294 = arith.constant 16 : index
        %swap3A_295 = tpu.vector_load %arg8[%swap3A_293, %swap3A_294] {strides = array<i32>} : memref<200x64xf32, #tpu.memory_space<vmem>>, vector<1x16xf32>,
        %swap3A_296 = vector.shape_cast %swap3A_295 : vector<1x16xf32> to vector<16xf32>
        %swap3A_297 = vector.shape_cast %get3A_292 : vector<16xf32> to vector<1x16xf32>
        tpu.vector_store %arg8[%swap3A_293, %swap3A_294], %swap3A_297 {add = true, strides = array<i32>} : memref<200x64xf32, #tpu.memory_space<vmem>>, vector<1x16xf32>,
        %add3A_298 = arith.constant 1 : i32
        %add3A_299 = arith.addi %add3A_233, %add3A_298 : i32
        %get3A_300 = arith.index_cast %add3A_299 : i32 to index
        %get3A_301 = arith.constant 32 : index
        %get3A_302 = tpu.vector_load %arg7[%get3A_300, %get3A_301] {strides = array<i32>} : memref<200x64xf32, #tpu.memory_space<vmem>>, vector<1x16xf32>,
        %get3A_303 = vector.shape_cast %get3A_302 : vector<1x16xf32> to vector<16xf32>
        %swap3A_304 = arith.index_cast %add3A_299 : i32 to index
        %swap3A_305 = arith.constant 32 : index
        %swap3A_306 = tpu.vector_load %arg8[%swap3A_304, %swap3A_305] {strides = array<i32>} : memref<200x64xf32, #tpu.memory_space<vmem>>, vector<1x16xf32>,
        %swap3A_307 = vector.shape_cast %swap3A_306 : vector<1x16xf32> to vector<16xf32>
        %swap3A_308 = vector.shape_cast %get3A_303 : vector<16xf32> to vector<1x16xf32>
        tpu.vector_store %arg8[%swap3A_304, %swap3A_305], %swap3A_308 {add = true, strides = array<i32>} : memref<200x64xf32, #tpu.memory_space<vmem>>, vector<1x16xf32>,
        %add3A_309 = arith.constant 1 : i32
        %add3A_310 = arith.addi %add3A_233, %add3A_309 : i32
        %get3A_311 = arith.index_cast %add3A_310 : i32 to index
        %get3A_312 = arith.constant 48 : index
        %get3A_313 = tpu.vector_load %arg7[%get3A_311, %get3A_312] {strides = array<i32>} : memref<200x64xf32, #tpu.memory_space<vmem>>, vector<1x16xf32>,
        %get3A_314 = vector.shape_cast %get3A_313 : vector<1x16xf32> to vector<16xf32>
        %swap3A_315 = arith.index_cast %add3A_310 : i32 to index
        %swap3A_316 = arith.constant 48 : index
        %swap3A_317 = tpu.vector_load %arg8[%swap3A_315, %swap3A_316] {strides = array<i32>} : memref<200x64xf32, #tpu.memory_space<vmem>>, vector<1x16xf32>,
        %swap3A_318 = vector.shape_cast %swap3A_317 : vector<1x16xf32> to vector<16xf32>
        %swap3A_319 = vector.shape_cast %get3A_314 : vector<16xf32> to vector<1x16xf32>
        tpu.vector_store %arg8[%swap3A_315, %swap3A_316], %swap3A_319 {add = true, strides = array<i32>} : memref<200x64xf32, #tpu.memory_space<vmem>>, vector<1x16xf32>,
        %add3A_320 = arith.constant 2 : i32
        %add3A_321 = arith.addi %add3A_233, %add3A_320 : i32
        %get3A_322 = arith.index_cast %add3A_321 : i32 to index
        %get3A_323 = arith.constant 0 : index
        %get3A_324 = tpu.vector_load %arg7[%get3A_322, %get3A_323] {strides = array<i32>} : memref<200x64xf32, #tpu.memory_space<vmem>>, vector<1x16xf32>,
        %get3A_325 = vector.shape_cast %get3A_324 : vector<1x16xf32> to vector<16xf32>
        %swap3A_326 = arith.index_cast %add3A_321 : i32 to index
        %swap3A_327 = arith.constant 0 : index
        %swap3A_328 = tpu.vector_load %arg8[%swap3A_326, %swap3A_327] {strides = array<i32>} : memref<200x64xf32, #tpu.memory_space<vmem>>, vector<1x16xf32>,
        %swap3A_329 = vector.shape_cast %swap3A_328 : vector<1x16xf32> to vector<16xf32>
        %swap3A_330 = vector.shape_cast %get3A_325 : vector<16xf32> to vector<1x16xf32>
        tpu.vector_store %arg8[%swap3A_326, %swap3A_327], %swap3A_330 {add = true, strides = array<i32>} : memref<200x64xf32, #tpu.memory_space<vmem>>, vector<1x16xf32>,
        %add3A_331 = arith.constant 2 : i32
        %add3A_332 = arith.addi %add3A_233, %add3A_331 : i32
        %get3A_333 = arith.index_cast %add3A_332 : i32 to index
        %get3A_334 = arith.constant 16 : index
        %get3A_335 = tpu.vector_load %arg7[%get3A_333, %get3A_334] {strides = array<i32>} : memref<200x64xf32, #tpu.memory_space<vmem>>, vector<1x16xf32>,
        %get3A_336 = vector.shape_cast %get3A_335 : vector<1x16xf32> to vector<16xf32>
        %swap3A_337 = arith.index_cast %add3A_332 : i32 to index
        %swap3A_338 = arith.constant 16 : index
        %swap3A_339 = tpu.vector_load %arg8[%swap3A_337, %swap3A_338] {strides = array<i32>} : memref<200x64xf32, #tpu.memory_space<vmem>>, vector<1x16xf32>,
        %swap3A_340 = vector.shape_cast %swap3A_339 : vector<1x16xf32> to vector<16xf32>
        %swap3A_341 = vector.shape_cast %get3A_336 : vector<16xf32> to vector<1x16xf32>
        tpu.vector_store %arg8[%swap3A_337, %swap3A_338], %swap3A_341 {add = true, strides = array<i32>} : memref<200x64xf32, #tpu.memory_space<vmem>>, vector<1x16xf32>,
        %add3A_342 = arith.constant 2 : i32
        %add3A_343 = arith.addi %add3A_233, %add3A_342 : i32
        %get3A_344 = arith.index_cast %add3A_343 : i32 to index
        %get3A_345 = arith.constant 32 : index
        %get3A_346 = tpu.vector_load %arg7[%get3A_344, %get3A_345] {strides = array<i32>} : memref<200x64xf32, #tpu.memory_space<vmem>>, vector<1x16xf32>,
        %get3A_347 = vector.shape_cast %get3A_346 : vector<1x16xf32> to vector<16xf32>
        %swap3A_348 = arith.index_cast %add3A_343 : i32 to index
        %swap3A_349 = arith.constant 32 : index
        %swap3A_350 = tpu.vector_load %arg8[%swap3A_348, %swap3A_349] {strides = array<i32>} : memref<200x64xf32, #tpu.memory_space<vmem>>, vector<1x16xf32>,
        %swap3A_351 = vector.shape_cast %swap3A_350 : vector<1x16xf32> to vector<16xf32>
        %swap3A_352 = vector.shape_cast %get3A_347 : vector<16xf32> to vector<1x16xf32>
        tpu.vector_store %arg8[%swap3A_348, %swap3A_349], %swap3A_352 {add = true, strides = array<i32>} : memref<200x64xf32, #tpu.memory_space<vmem>>, vector<1x16xf32>,
        %add3A_353 = arith.constant 2 : i32
        %add3A_354 = arith.addi %add3A_233, %add3A_353 : i32
        %get3A_355 = arith.index_cast %add3A_354 : i32 to index
        %get3A_356 = arith.constant 48 : index
        %get3A_357 = tpu.vector_load %arg7[%get3A_355, %get3A_356] {strides = array<i32>} : memref<200x64xf32, #tpu.memory_space<vmem>>, vector<1x16xf32>,
        %get3A_358 = vector.shape_cast %get3A_357 : vector<1x16xf32> to vector<16xf32>
        %swap3A_359 = arith.index_cast %add3A_354 : i32 to index
        %swap3A_360 = arith.constant 48 : index
        %swap3A_361 = tpu.vector_load %arg8[%swap3A_359, %swap3A_360] {strides = array<i32>} : memref<200x64xf32, #tpu.memory_space<vmem>>, vector<1x16xf32>,
        %swap3A_362 = vector.shape_cast %swap3A_361 : vector<1x16xf32> to vector<16xf32>
        %swap3A_363 = vector.shape_cast %get3A_358 : vector<16xf32> to vector<1x16xf32>
        tpu.vector_store %arg8[%swap3A_359, %swap3A_360], %swap3A_363 {add = true, strides = array<i32>} : memref<200x64xf32, #tpu.memory_space<vmem>>, vector<1x16xf32>,
        %add3A_364 = arith.constant 3 : i32
        %add3A_365 = arith.addi %add3A_233, %add3A_364 : i32
        %get3A_366 = arith.index_cast %add3A_365 : i32 to index
        %get3A_367 = arith.constant 0 : index
        %get3A_368 = tpu.vector_load %arg7[%get3A_366, %get3A_367] {strides = array<i32>} : memref<200x64xf32, #tpu.memory_space<vmem>>, vector<1x16xf32>,
        %get3A_369 = vector.shape_cast %get3A_368 : vector<1x16xf32> to vector<16xf32>
        %swap3A_370 = arith.index_cast %add3A_365 : i32 to index
        %swap3A_371 = arith.constant 0 : index
        %swap3A_372 = tpu.vector_load %arg8[%swap3A_370, %swap3A_371] {strides = array<i32>} : memref<200x64xf32, #tpu.memory_space<vmem>>, vector<1x16xf32>,
        %swap3A_373 = vector.shape_cast %swap3A_372 : vector<1x16xf32> to vector<16xf32>
        %swap3A_374 = vector.shape_cast %get3A_369 : vector<16xf32> to vector<1x16xf32>
        tpu.vector_store %arg8[%swap3A_370, %swap3A_371], %swap3A_374 {add = true, strides = array<i32>} : memref<200x64xf32, #tpu.memory_space<vmem>>, vector<1x16xf32>,
        %add3A_375 = arith.constant 3 : i32
        %add3A_376 = arith.addi %add3A_233, %add3A_375 : i32
        %get3A_377 = arith.index_cast %add3A_376 : i32 to index
        %get3A_378 = arith.constant 16 : index
        %get3A_379 = tpu.vector_load %arg7[%get3A_377, %get3A_378] {strides = array<i32>} : memref<200x64xf32, #tpu.memory_space<vmem>>, vector<1x16xf32>,
        %get3A_380 = vector.shape_cast %get3A_379 : vector<1x16xf32> to vector<16xf32>
        %swap3A_381 = arith.index_cast %add3A_376 : i32 to index
        %swap3A_382 = arith.constant 16 : index
        %swap3A_383 = tpu.vector_load %arg8[%swap3A_381, %swap3A_382] {strides = array<i32>} : memref<200x64xf32, #tpu.memory_space<vmem>>, vector<1x16xf32>,
        %swap3A_384 = vector.shape_cast %swap3A_383 : vector<1x16xf32> to vector<16xf32>
        %swap3A_385 = vector.shape_cast %get3A_380 : vector<16xf32> to vector<1x16xf32>
        tpu.vector_store %arg8[%swap3A_381, %swap3A_382], %swap3A_385 {add = true, strides = array<i32>} : memref<200x64xf32, #tpu.memory_space<vmem>>, vector<1x16xf32>,
        %add3A_386 = arith.constant 3 : i32
        %add3A_387 = arith.addi %add3A_233, %add3A_386 : i32
        %get3A_388 = arith.index_cast %add3A_387 : i32 to index
        %get3A_389 = arith.constant 32 : index
        %get3A_390 = tpu.vector_load %arg7[%get3A_388, %get3A_389] {strides = array<i32>} : memref<200x64xf32, #tpu.memory_space<vmem>>, vector<1x16xf32>,
        %get3A_391 = vector.shape_cast %get3A_390 : vector<1x16xf32> to vector<16xf32>
        %swap3A_392 = arith.index_cast %add3A_387 : i32 to index
        %swap3A_393 = arith.constant 32 : index
        %swap3A_394 = tpu.vector_load %arg8[%swap3A_392, %swap3A_393] {strides = array<i32>} : memref<200x64xf32, #tpu.memory_space<vmem>>, vector<1x16xf32>,
        %swap3A_395 = vector.shape_cast %swap3A_394 : vector<1x16xf32> to vector<16xf32>
        %swap3A_396 = vector.shape_cast %get3A_391 : vector<16xf32> to vector<1x16xf32>
        tpu.vector_store %arg8[%swap3A_392, %swap3A_393], %swap3A_396 {add = true, strides = array<i32>} : memref<200x64xf32, #tpu.memory_space<vmem>>, vector<1x16xf32>,
        %add3A_397 = arith.constant 3 : i32
        %add3A_398 = arith.addi %add3A_233, %add3A_397 : i32
        %get3A_399 = arith.index_cast %add3A_398 : i32 to index
        %get3A_400 = arith.constant 48 : index
        %get3A_401 = tpu.vector_load %arg7[%get3A_399, %get3A_400] {strides = array<i32>} : memref<200x64xf32, #tpu.memory_space<vmem>>, vector<1x16xf32>,
        %get3A_402 = vector.shape_cast %get3A_401 : vector<1x16xf32> to vector<16xf32>
        %swap3A_403 = arith.index_cast %add3A_398 : i32 to index
        %swap3A_404 = arith.constant 48 : index
        %swap3A_405 = tpu.vector_load %arg8[%swap3A_403, %swap3A_404] {strides = array<i32>} : memref<200x64xf32, #tpu.memory_space<vmem>>, vector<1x16xf32>,
        %swap3A_406 = vector.shape_cast %swap3A_405 : vector<1x16xf32> to vector<16xf32>
        %swap3A_407 = vector.shape_cast %get3A_402 : vector<16xf32> to vector<1x16xf32>
        tpu.vector_store %arg8[%swap3A_403, %swap3A_404], %swap3A_407 {add = true, strides = array<i32>} : memref<200x64xf32, #tpu.memory_space<vmem>>, vector<1x16xf32>,
        %add3A_408 = arith.constant 4 : i32
        %add3A_409 = arith.addi %add3A_233, %add3A_408 : i32
        %get3A_410 = arith.index_cast %add3A_409 : i32 to index
        %get3A_411 = arith.constant 0 : index
        %get3A_412 = tpu.vector_load %arg7[%get3A_410, %get3A_411] {strides = array<i32>} : memref<200x64xf32, #tpu.memory_space<vmem>>, vector<1x16xf32>,
        %get3A_413 = vector.shape_cast %get3A_412 : vector<1x16xf32> to vector<16xf32>
        %swap3A_414 = arith.index_cast %add3A_409 : i32 to index
        %swap3A_415 = arith.constant 0 : index
        %swap3A_416 = tpu.vector_load %arg8[%swap3A_414, %swap3A_415] {strides = array<i32>} : memref<200x64xf32, #tpu.memory_space<vmem>>, vector<1x16xf32>,
        %swap3A_417 = vector.shape_cast %swap3A_416 : vector<1x16xf32> to vector<16xf32>
        %swap3A_418 = vector.shape_cast %get3A_413 : vector<16xf32> to vector<1x16xf32>
        tpu.vector_store %arg8[%swap3A_414, %swap3A_415], %swap3A_418 {add = true, strides = array<i32>} : memref<200x64xf32, #tpu.memory_space<vmem>>, vector<1x16xf32>,
        %add3A_419 = arith.constant 4 : i32
        %add3A_420 = arith.addi %add3A_233, %add3A_419 : i32
        %get3A_421 = arith.index_cast %add3A_420 : i32 to index
        %get3A_422 = arith.constant 16 : index
        %get3A_423 = tpu.vector_load %arg7[%get3A_421, %get3A_422] {strides = array<i32>} : memref<200x64xf32, #tpu.memory_space<vmem>>, vector<1x16xf32>,
        %get3A_424 = vector.shape_cast %get3A_423 : vector<1x16xf32> to vector<16xf32>
        %swap3A_425 = arith.index_cast %add3A_420 : i32 to index
        %swap3A_426 = arith.constant 16 : index
        %swap3A_427 = tpu.vector_load %arg8[%swap3A_425, %swap3A_426] {strides = array<i32>} : memref<200x64xf32, #tpu.memory_space<vmem>>, vector<1x16xf32>,
        %swap3A_428 = vector.shape_cast %swap3A_427 : vector<1x16xf32> to vector<16xf32>
        %swap3A_429 = vector.shape_cast %get3A_424 : vector<16xf32> to vector<1x16xf32>
        tpu.vector_store %arg8[%swap3A_425, %swap3A_426], %swap3A_429 {add = true, strides = array<i32>} : memref<200x64xf32, #tpu.memory_space<vmem>>, vector<1x16xf32>,
        %add3A_430 = arith.constant 4 : i32
        %add3A_431 = arith.addi %add3A_233, %add3A_430 : i32
        %get3A_432 = arith.index_cast %add3A_431 : i32 to index
        %get3A_433 = arith.constant 32 : index
        %get3A_434 = tpu.vector_load %arg7[%get3A_432, %get3A_433] {strides = array<i32>} : memref<200x64xf32, #tpu.memory_space<vmem>>, vector<1x16xf32>,
        %get3A_435 = vector.shape_cast %get3A_434 : vector<1x16xf32> to vector<16xf32>
        %swap3A_436 = arith.index_cast %add3A_431 : i32 to index
        %swap3A_437 = arith.constant 32 : index
        %swap3A_438 = tpu.vector_load %arg8[%swap3A_436, %swap3A_437] {strides = array<i32>} : memref<200x64xf32, #tpu.memory_space<vmem>>, vector<1x16xf32>,
        %swap3A_439 = vector.shape_cast %swap3A_438 : vector<1x16xf32> to vector<16xf32>
        %swap3A_440 = vector.shape_cast %get3A_435 : vector<16xf32> to vector<1x16xf32>
        tpu.vector_store %arg8[%swap3A_436, %swap3A_437], %swap3A_440 {add = true, strides = array<i32>} : memref<200x64xf32, #tpu.memory_space<vmem>>, vector<1x16xf32>,
        %add3A_441 = arith.constant 4 : i32
        %add3A_442 = arith.addi %add3A_233, %add3A_441 : i32
        %get3A_443 = arith.index_cast %add3A_442 : i32 to index
        %get3A_444 = arith.constant 48 : index
        %get3A_445 = tpu.vector_load %arg7[%get3A_443, %get3A_444] {strides = array<i32>} : memref<200x64xf32, #tpu.memory_space<vmem>>, vector<1x16xf32>,
        %get3A_446 = vector.shape_cast %get3A_445 : vector<1x16xf32> to vector<16xf32>
        %swap3A_447 = arith.index_cast %add3A_442 : i32 to index
        %swap3A_448 = arith.constant 48 : index
        %swap3A_449 = tpu.vector_load %arg8[%swap3A_447, %swap3A_448] {strides = array<i32>} : memref<200x64xf32, #tpu.memory_space<vmem>>, vector<1x16xf32>,
        %swap3A_450 = vector.shape_cast %swap3A_449 : vector<1x16xf32> to vector<16xf32>
        %swap3A_451 = vector.shape_cast %get3A_446 : vector<16xf32> to vector<1x16xf32>
        tpu.vector_store %arg8[%swap3A_447, %swap3A_448], %swap3A_451 {add = true, strides = array<i32>} : memref<200x64xf32, #tpu.memory_space<vmem>>, vector<1x16xf32>,
        %add3A_452 = arith.constant 5 : i32
        %add3A_453 = arith.addi %add3A_233, %add3A_452 : i32
        %get3A_454 = arith.index_cast %add3A_453 : i32 to index
        %get3A_455 = arith.constant 0 : index
        %get3A_456 = tpu.vector_load %arg7[%get3A_454, %get3A_455] {strides = array<i32>} : memref<200x64xf32, #tpu.memory_space<vmem>>, vector<1x16xf32>,
        %get3A_457 = vector.shape_cast %get3A_456 : vector<1x16xf32> to vector<16xf32>
        %swap3A_458 = arith.index_cast %add3A_453 : i32 to index
        %swap3A_459 = arith.constant 0 : index
        %swap3A_460 = tpu.vector_load %arg8[%swap3A_458, %swap3A_459] {strides = array<i32>} : memref<200x64xf32, #tpu.memory_space<vmem>>, vector<1x16xf32>,
        %swap3A_461 = vector.shape_cast %swap3A_460 : vector<1x16xf32> to vector<16xf32>
        %swap3A_462 = vector.shape_cast %get3A_457 : vector<16xf32> to vector<1x16xf32>
        tpu.vector_store %arg8[%swap3A_458, %swap3A_459], %swap3A_462 {add = true, strides = array<i32>} : memref<200x64xf32, #tpu.memory_space<vmem>>, vector<1x16xf32>,
        %add3A_463 = arith.constant 5 : i32
        %add3A_464 = arith.addi %add3A_233, %add3A_463 : i32
        %get3A_465 = arith.index_cast %add3A_464 : i32 to index
        %get3A_466 = arith.constant 16 : index
        %get3A_467 = tpu.vector_load %arg7[%get3A_465, %get3A_466] {strides = array<i32>} : memref<200x64xf32, #tpu.memory_space<vmem>>, vector<1x16xf32>,
        %get3A_468 = vector.shape_cast %get3A_467 : vector<1x16xf32> to vector<16xf32>
        %swap3A_469 = arith.index_cast %add3A_464 : i32 to index
        %swap3A_470 = arith.constant 16 : index
        %swap3A_471 = tpu.vector_load %arg8[%swap3A_469, %swap3A_470] {strides = array<i32>} : memref<200x64xf32, #tpu.memory_space<vmem>>, vector<1x16xf32>,
        %swap3A_472 = vector.shape_cast %swap3A_471 : vector<1x16xf32> to vector<16xf32>
        %swap3A_473 = vector.shape_cast %get3A_468 : vector<16xf32> to vector<1x16xf32>
        tpu.vector_store %arg8[%swap3A_469, %swap3A_470], %swap3A_473 {add = true, strides = array<i32>} : memref<200x64xf32, #tpu.memory_space<vmem>>, vector<1x16xf32>,
        %add3A_474 = arith.constant 5 : i32
        %add3A_475 = arith.addi %add3A_233, %add3A_474 : i32
        %get3A_476 = arith.index_cast %add3A_475 : i32 to index
        %get3A_477 = arith.constant 32 : index
        %get3A_478 = tpu.vector_load %arg7[%get3A_476, %get3A_477] {strides = array<i32>} : memref<200x64xf32, #tpu.memory_space<vmem>>, vector<1x16xf32>,
        %get3A_479 = vector.shape_cast %get3A_478 : vector<1x16xf32> to vector<16xf32>
        %swap3A_480 = arith.index_cast %add3A_475 : i32 to index
        %swap3A_481 = arith.constant 32 : index
        %swap3A_482 = tpu.vector_load %arg8[%swap3A_480, %swap3A_481] {strides = array<i32>} : memref<200x64xf32, #tpu.memory_space<vmem>>, vector<1x16xf32>,
        %swap3A_483 = vector.shape_cast %swap3A_482 : vector<1x16xf32> to vector<16xf32>
        %swap3A_484 = vector.shape_cast %get3A_479 : vector<16xf32> to vector<1x16xf32>
        tpu.vector_store %arg8[%swap3A_480, %swap3A_481], %swap3A_484 {add = true, strides = array<i32>} : memref<200x64xf32, #tpu.memory_space<vmem>>, vector<1x16xf32>,
        %add3A_485 = arith.constant 5 : i32
        %add3A_486 = arith.addi %add3A_233, %add3A_485 : i32
        %get3A_487 = arith.index_cast %add3A_486 : i32 to index
        %get3A_488 = arith.constant 48 : index
        %get3A_489 = tpu.vector_load %arg7[%get3A_487, %get3A_488] {strides = array<i32>} : memref<200x64xf32, #tpu.memory_space<vmem>>, vector<1x16xf32>,
        %get3A_490 = vector.shape_cast %get3A_489 : vector<1x16xf32> to vector<16xf32>
        %swap3A_491 = arith.index_cast %add3A_486 : i32 to index
        %swap3A_492 = arith.constant 48 : index
        %swap3A_493 = tpu.vector_load %arg8[%swap3A_491, %swap3A_492] {strides = array<i32>} : memref<200x64xf32, #tpu.memory_space<vmem>>, vector<1x16xf32>,
        %swap3A_494 = vector.shape_cast %swap3A_493 : vector<1x16xf32> to vector<16xf32>
        %swap3A_495 = vector.shape_cast %get3A_490 : vector<16xf32> to vector<1x16xf32>
        tpu.vector_store %arg8[%swap3A_491, %swap3A_492], %swap3A_495 {add = true, strides = array<i32>} : memref<200x64xf32, #tpu.memory_space<vmem>>, vector<1x16xf32>,
        %add3A_496 = arith.constant 6 : i32
        %add3A_497 = arith.addi %add3A_233, %add3A_496 : i32
        %get3A_498 = arith.index_cast %add3A_497 : i32 to index
        %get3A_499 = arith.constant 0 : index
        %get3A_500 = tpu.vector_load %arg7[%get3A_498, %get3A_499] {strides = array<i32>} : memref<200x64xf32, #tpu.memory_space<vmem>>, vector<1x16xf32>,
        %get3A_501 = vector.shape_cast %get3A_500 : vector<1x16xf32> to vector<16xf32>
        %swap3A_502 = arith.index_cast %add3A_497 : i32 to index
        %swap3A_503 = arith.constant 0 : index
        %swap3A_504 = tpu.vector_load %arg8[%swap3A_502, %swap3A_503] {strides = array<i32>} : memref<200x64xf32, #tpu.memory_space<vmem>>, vector<1x16xf32>,
        %swap3A_505 = vector.shape_cast %swap3A_504 : vector<1x16xf32> to vector<16xf32>
        %swap3A_506 = vector.shape_cast %get3A_501 : vector<16xf32> to vector<1x16xf32>
        tpu.vector_store %arg8[%swap3A_502, %swap3A_503], %swap3A_506 {add = true, strides = array<i32>} : memref<200x64xf32, #tpu.memory_space<vmem>>, vector<1x16xf32>,
        %add3A_507 = arith.constant 6 : i32
        %add3A_508 = arith.addi %add3A_233, %add3A_507 : i32
        %get3A_509 = arith.index_cast %add3A_508 : i32 to index
        %get3A_510 = arith.constant 16 : index
        %get3A_511 = tpu.vector_load %arg7[%get3A_509, %get3A_510] {strides = array<i32>} : memref<200x64xf32, #tpu.memory_space<vmem>>, vector<1x16xf32>,
        %get3A_512 = vector.shape_cast %get3A_511 : vector<1x16xf32> to vector<16xf32>
        %swap3A_513 = arith.index_cast %add3A_508 : i32 to index
        %swap3A_514 = arith.constant 16 : index
        %swap3A_515 = tpu.vector_load %arg8[%swap3A_513, %swap3A_514] {strides = array<i32>} : memref<200x64xf32, #tpu.memory_space<vmem>>, vector<1x16xf32>,
        %swap3A_516 = vector.shape_cast %swap3A_515 : vector<1x16xf32> to vector<16xf32>
        %swap3A_517 = vector.shape_cast %get3A_512 : vector<16xf32> to vector<1x16xf32>
        tpu.vector_store %arg8[%swap3A_513, %swap3A_514], %swap3A_517 {add = true, strides = array<i32>} : memref<200x64xf32, #tpu.memory_space<vmem>>, vector<1x16xf32>,
        %add3A_518 = arith.constant 6 : i32
        %add3A_519 = arith.addi %add3A_233, %add3A_518 : i32
        %get3A_520 = arith.index_cast %add3A_519 : i32 to index
        %get3A_521 = arith.constant 32 : index
        %get3A_522 = tpu.vector_load %arg7[%get3A_520, %get3A_521] {strides = array<i32>} : memref<200x64xf32, #tpu.memory_space<vmem>>, vector<1x16xf32>,
        %get3A_523 = vector.shape_cast %get3A_522 : vector<1x16xf32> to vector<16xf32>
        %swap3A_524 = arith.index_cast %add3A_519 : i32 to index
        %swap3A_525 = arith.constant 32 : index
        %swap3A_526 = tpu.vector_load %arg8[%swap3A_524, %swap3A_525] {strides = array<i32>} : memref<200x64xf32, #tpu.memory_space<vmem>>, vector<1x16xf32>,
        %swap3A_527 = vector.shape_cast %swap3A_526 : vector<1x16xf32> to vector<16xf32>
        %swap3A_528 = vector.shape_cast %get3A_523 : vector<16xf32> to vector<1x16xf32>
        tpu.vector_store %arg8[%swap3A_524, %swap3A_525], %swap3A_528 {add = true, strides = array<i32>} : memref<200x64xf32, #tpu.memory_space<vmem>>, vector<1x16xf32>,
        %add3A_529 = arith.constant 6 : i32
        %add3A_530 = arith.addi %add3A_233, %add3A_529 : i32
        %get3A_531 = arith.index_cast %add3A_530 : i32 to index
        %get3A_532 = arith.constant 48 : index
        %get3A_533 = tpu.vector_load %arg7[%get3A_531, %get3A_532] {strides = array<i32>} : memref<200x64xf32, #tpu.memory_space<vmem>>, vector<1x16xf32>,
        %get3A_534 = vector.shape_cast %get3A_533 : vector<1x16xf32> to vector<16xf32>
        %swap3A_535 = arith.index_cast %add3A_530 : i32 to index
        %swap3A_536 = arith.constant 48 : index
        %swap3A_537 = tpu.vector_load %arg8[%swap3A_535, %swap3A_536] {strides = array<i32>} : memref<200x64xf32, #tpu.memory_space<vmem>>, vector<1x16xf32>,
        %swap3A_538 = vector.shape_cast %swap3A_537 : vector<1x16xf32> to vector<16xf32>
        %swap3A_539 = vector.shape_cast %get3A_534 : vector<16xf32> to vector<1x16xf32>
        tpu.vector_store %arg8[%swap3A_535, %swap3A_536], %swap3A_539 {add = true, strides = array<i32>} : memref<200x64xf32, #tpu.memory_space<vmem>>, vector<1x16xf32>,
        %add3A_540 = arith.constant 7 : i32
        %add3A_541 = arith.addi %add3A_233, %add3A_540 : i32
        %get3A_542 = arith.index_cast %add3A_541 : i32 to index
        %get3A_543 = arith.constant 0 : index
        %get3A_544 = tpu.vector_load %arg7[%get3A_542, %get3A_543] {strides = array<i32>} : memref<200x64xf32, #tpu.memory_space<vmem>>, vector<1x16xf32>,
        %get3A_545 = vector.shape_cast %get3A_544 : vector<1x16xf32> to vector<16xf32>
        %swap3A_546 = arith.index_cast %add3A_541 : i32 to index
        %swap3A_547 = arith.constant 0 : index
        %swap3A_548 = tpu.vector_load %arg8[%swap3A_546, %swap3A_547] {strides = array<i32>} : memref<200x64xf32, #tpu.memory_space<vmem>>, vector<1x16xf32>,
        %swap3A_549 = vector.shape_cast %swap3A_548 : vector<1x16xf32> to vector<16xf32>
        %swap3A_550 = vector.shape_cast %get3A_545 : vector<16xf32> to vector<1x16xf32>
        tpu.vector_store %arg8[%swap3A_546, %swap3A_547], %swap3A_550 {add = true, strides = array<i32>} : memref<200x64xf32, #tpu.memory_space<vmem>>, vector<1x16xf32>,
        %add3A_551 = arith.constant 7 : i32
        %add3A_552 = arith.addi %add3A_233, %add3A_551 : i32
        %get3A_553 = arith.index_cast %add3A_552 : i32 to index
        %get3A_554 = arith.constant 16 : index
        %get3A_555 = tpu.vector_load %arg7[%get3A_553, %get3A_554] {strides = array<i32>} : memref<200x64xf32, #tpu.memory_space<vmem>>, vector<1x16xf32>,
        %get3A_556 = vector.shape_cast %get3A_555 : vector<1x16xf32> to vector<16xf32>
        %swap3A_557 = arith.index_cast %add3A_552 : i32 to index
        %swap3A_558 = arith.constant 16 : index
        %swap3A_559 = tpu.vector_load %arg8[%swap3A_557, %swap3A_558] {strides = array<i32>} : memref<200x64xf32, #tpu.memory_space<vmem>>, vector<1x16xf32>,
        %swap3A_560 = vector.shape_cast %swap3A_559 : vector<1x16xf32> to vector<16xf32>
        %swap3A_561 = vector.shape_cast %get3A_556 : vector<16xf32> to vector<1x16xf32>
        tpu.vector_store %arg8[%swap3A_557, %swap3A_558], %swap3A_561 {add = true, strides = array<i32>} : memref<200x64xf32, #tpu.memory_space<vmem>>, vector<1x16xf32>,
        %add3A_562 = arith.constant 7 : i32
        %add3A_563 = arith.addi %add3A_233, %add3A_562 : i32
        %get3A_564 = arith.index_cast %add3A_563 : i32 to index
        %get3A_565 = arith.constant 32 : index
        %get3A_566 = tpu.vector_load %arg7[%get3A_564, %get3A_565] {strides = array<i32>} : memref<200x64xf32, #tpu.memory_space<vmem>>, vector<1x16xf32>,
        %get3A_567 = vector.shape_cast %get3A_566 : vector<1x16xf32> to vector<16xf32>
        %swap3A_568 = arith.index_cast %add3A_563 : i32 to index
        %swap3A_569 = arith.constant 32 : index
        %swap3A_570 = tpu.vector_load %arg8[%swap3A_568, %swap3A_569] {strides = array<i32>} : memref<200x64xf32, #tpu.memory_space<vmem>>, vector<1x16xf32>,
        %swap3A_571 = vector.shape_cast %swap3A_570 : vector<1x16xf32> to vector<16xf32>
        %swap3A_572 = vector.shape_cast %get3A_567 : vector<16xf32> to vector<1x16xf32>
        tpu.vector_store %arg8[%swap3A_568, %swap3A_569], %swap3A_572 {add = true, strides = array<i32>} : memref<200x64xf32, #tpu.memory_space<vmem>>, vector<1x16xf32>,
        %add3A_573 = arith.constant 7 : i32
        %add3A_574 = arith.addi %add3A_233, %add3A_573 : i32
        %get3A_575 = arith.index_cast %add3A_574 : i32 to index
        %get3A_576 = arith.constant 48 : index
        %get3A_577 = tpu.vector_load %arg7[%get3A_575, %get3A_576] {strides = array<i32>} : memref<200x64xf32, #tpu.memory_space<vmem>>, vector<1x16xf32>,
        %get3A_578 = vector.shape_cast %get3A_577 : vector<1x16xf32> to vector<16xf32>
        %swap3A_579 = arith.index_cast %add3A_574 : i32 to index
        %swap3A_580 = arith.constant 48 : index
        %swap3A_581 = tpu.vector_load %arg8[%swap3A_579, %swap3A_580] {strides = array<i32>} : memref<200x64xf32, #tpu.memory_space<vmem>>, vector<1x16xf32>,
        %swap3A_582 = vector.shape_cast %swap3A_581 : vector<1x16xf32> to vector<16xf32>
        %swap3A_583 = vector.shape_cast %get3A_578 : vector<16xf32> to vector<1x16xf32>
        tpu.vector_store %arg8[%swap3A_579, %swap3A_580], %swap3A_583 {add = true, strides = array<i32>} : memref<200x64xf32, #tpu.memory_space<vmem>>, vector<1x16xf32>,
      }
      %scan3A_131 = arith.constant 25 : i32
      %add3A_132 = arith.addi %mul3A_2, %add3A_115 : i32
      %mul3A_133 = arith.constant 200 : i32
      %mul3A_134 = arith.muli %add3A_132, %mul3A_133 : i32
      %dma_start3A_135 = arith.constant 0 : i32
      %dma_start3A_136 = tpu.memref_slice %arg5[%mul3A_134, %dma_start3A_135] : memref<819200x64xf32, #tpu.memory_space<hbm>> -> memref<200x64xf32, #tpu.memory_space<hbm>>
      %dma_start3A_137 = arith.constant 0 : i32
      %dma_start3A_138 = tpu.memref_slice %arg5[%mul3A_134, %dma_start3A_137] : memref<819200x64xf32, #tpu.memory_space<hbm>> -> memref<200x64xf32, #tpu.memory_space<hbm>>
      tpu.enqueue_dma source(%arg8 : memref<200x64xf32, #tpu.memory_space<vmem>>) target(%dma_start3A_138 : memref<200x64xf32, #tpu.memory_space<hbm>>) target_semaphore(%arg16 : memref<!tpu.dma_semaphore, #tpu.memory_space<semaphore_mem>>)
      %add3A_139 = arith.constant 1 : i32
      %add3A_140 = arith.addi %add3A_113, %add3A_139 : i32
      %ge3A_141 = arith.constant 2 : i32
      %ge3A_142 = arith.cmpi sge, %add3A_140, %ge3A_141 : i32
      %add3A_143 = arith.constant 2 : i32
      %add3A_144 = arith.addi %add3A_140, %add3A_143 : i32
      %lt3A_145 = arith.constant 128 : i32
      %lt3A_146 = arith.cmpi slt, %add3A_144, %lt3A_145 : i32
      %and3A_147 = arith.andi %ge3A_142, %lt3A_146 : i1
      %convert_element_type3A_148 = arith.extui %and3A_147 : i1 to i32
      %cond3A_149 = arith.constant 0 : i32
      %cond3A_150 = arith.cmpi ne, %convert_element_type3A_148, %cond3A_149 : i32
      scf.if %cond3A_150 {
        %dma_wait3A_229 = arith.constant 0 : i32
        %dma_wait3A_230 = arith.constant 0 : i32
        %dma_wait3A_231 = tpu.memref_slice %arg5[%dma_wait3A_229, %dma_wait3A_230] : memref<819200x64xf32, #tpu.memory_space<hbm>> -> memref<200x64xf32, #tpu.memory_space<hbm>>
        %dma_wait3A_232 = arith.constant 0 : i32
        %dma_wait3A_233 = arith.constant 0 : i32
        %dma_wait3A_234 = tpu.memref_slice %arg5[%dma_wait3A_232, %dma_wait3A_233] : memref<819200x64xf32, #tpu.memory_space<hbm>> -> memref<200x64xf32, #tpu.memory_space<hbm>>
        tpu.wait_dma2 semaphore(%arg19 : memref<!tpu.dma_semaphore, #tpu.memory_space<semaphore_mem>>) src(%arg11 : memref<200x64xf32, #tpu.memory_space<vmem>>) dst(%dma_wait3A_234 : memref<200x64xf32, #tpu.memory_space<hbm>>)
        %add3A_235 = arith.constant 2 : i32
        %add3A_236 = arith.addi %add3A_140, %add3A_235 : i32
        %dma_start3A_237 = arith.constant 0 : i32
        %dma_start3A_238 = arith.constant 0 : i32
        %dma_start3A_239 = tpu.memref_slice %arg11[%dma_start3A_237, %dma_start3A_238] : memref<200x64xf32, #tpu.memory_space<vmem>> -> memref<128x64xf32, #tpu.memory_space<vmem>>
        %dma_start3A_240 = arith.constant 0 : i32
        %dma_start3A_241 = tpu.memref_slice %arg6[%add3A_236, %dma_start3A_240] : memref<128x200xi32, #tpu.memory_space<vmem>> -> memref<1x128xi32, #tpu.memory_space<vmem>>
        %dma_start3A_242 = tpu.memref_squeeze %dma_start3A_241 : memref<1x128xi32, #tpu.memory_space<vmem>> -> memref<128xi32, #tpu.memory_space<vmem>>
        %dma_start3A_243 = arith.constant 0 : i32
        %dma_start3A_244 = arith.constant 0 : i32
        %dma_start3A_245 = tpu.memref_slice %arg3[%dma_start3A_243, %dma_start3A_244] : memref<1000000x64xf32, #tpu.memory_space<hbm>> -> memref<1000000x64xf32, #tpu.memory_space<hbm>>
        tpu.enqueue_indirect_dma source(%dma_start3A_245 : memref<1000000x64xf32, #tpu.memory_space<hbm>>) target(%dma_start3A_239 : memref<128x64xf32, #tpu.memory_space<vmem>>) offsets(%dma_start3A_242 : memref<128xi32, #tpu.memory_space<vmem>>) semaphore(%arg15 : memref<!tpu.dma_semaphore, #tpu.memory_space<semaphore_mem>>)
        %dma_start3A_246 = arith.constant 128 : i32
        %dma_start3A_247 = arith.constant 0 : i32
        %dma_start3A_248 = tpu.memref_slice %arg11[%dma_start3A_246, %dma_start3A_247] : memref<200x64xf32, #tpu.memory_space<vmem>> -> memref<72x64xf32, #tpu.memory_space<vmem>>
        %dma_start3A_249 = arith.constant 128 : i32
        %dma_start3A_250 = tpu.memref_slice %arg6[%add3A_236, %dma_start3A_249] : memref<128x200xi32, #tpu.memory_space<vmem>> -> memref<1x72xi32, #tpu.memory_space<vmem>>
        %dma_start3A_251 = tpu.memref_squeeze %dma_start3A_250 : memref<1x72xi32, #tpu.memory_space<vmem>> -> memref<72xi32, #tpu.memory_space<vmem>>
        %dma_start3A_252 = arith.constant 0 : i32
        %dma_start3A_253 = arith.constant 0 : i32
        %dma_start3A_254 = tpu.memref_slice %arg3[%dma_start3A_252, %dma_start3A_253] : memref<1000000x64xf32, #tpu.memory_space<hbm>> -> memref<1000000x64xf32, #tpu.memory_space<hbm>>
        tpu.enqueue_indirect_dma source(%dma_start3A_254 : memref<1000000x64xf32, #tpu.memory_space<hbm>>) target(%dma_start3A_248 : memref<72x64xf32, #tpu.memory_space<vmem>>) offsets(%dma_start3A_251 : memref<72xi32, #tpu.memory_space<vmem>>) semaphore(%arg15 : memref<!tpu.dma_semaphore, #tpu.memory_space<semaphore_mem>>)
      } else {
      }
      %dma_wait3A_151 = arith.constant 0 : i32
      %dma_wait3A_152 = arith.constant 0 : i32
      %dma_wait3A_153 = tpu.memref_slice %arg3[%dma_wait3A_151, %dma_wait3A_152] : memref<1000000x64xf32, #tpu.memory_space<hbm>> -> memref<200x64xf32, #tpu.memory_space<hbm>>
      %dma_wait3A_154 = arith.constant 0 : i32
      %dma_wait3A_155 = arith.constant 0 : i32
      %dma_wait3A_156 = tpu.memref_slice %arg3[%dma_wait3A_154, %dma_wait3A_155] : memref<1000000x64xf32, #tpu.memory_space<hbm>> -> memref<200x64xf32, #tpu.memory_space<hbm>>
      tpu.wait_dma2 semaphore(%arg13 : memref<!tpu.dma_semaphore, #tpu.memory_space<semaphore_mem>>) src(%dma_wait3A_156 : memref<200x64xf32, #tpu.memory_space<hbm>>) dst(%arg9 : memref<200x64xf32, #tpu.memory_space<vmem>>)
      %scan3A_157 = arith.constant 0 : i32
      %scan3A_158 = arith.constant 25 : i32
      %scan3A_159 = arith.addi %scan3A_157, %scan3A_158 : i32
      %scan3A_160 = arith.constant 1 : i32
      scf.for %scan3A_229 = %scan3A_157 to %scan3A_159 step %scan3A_160  : i32 {
        %mul3A_230 = arith.constant 8 : i32
        %mul3A_231 = arith.muli %scan3A_229, %mul3A_230 : i32
        %add3A_232 = arith.constant 0 : i32
        %add3A_233 = arith.addi %add3A_232, %mul3A_231 : i32
        %add3A_234 = arith.constant 0 : i32
        %add3A_235 = arith.addi %add3A_233, %add3A_234 : i32
        %get3A = arith.index_cast %add3A_235 : i32 to index
        %get3A_236 = arith.constant 0 : index
        %get3A_237 = tpu.vector_load %arg7[%get3A, %get3A_236] {strides = array<i32>} : memref<200x64xf32, #tpu.memory_space<vmem>>, vector<1x16xf32>,
        %get3A_238 = vector.shape_cast %get3A_237 : vector<1x16xf32> to vector<16xf32>
        %swap3A = arith.index_cast %add3A_235 : i32 to index
        %swap3A_239 = arith.constant 0 : index
        %swap3A_240 = tpu.vector_load %arg9[%swap3A, %swap3A_239] {strides = array<i32>} : memref<200x64xf32, #tpu.memory_space<vmem>>, vector<1x16xf32>,
        %swap3A_241 = vector.shape_cast %swap3A_240 : vector<1x16xf32> to vector<16xf32>
        %swap3A_242 = vector.shape_cast %get3A_238 : vector<16xf32> to vector<1x16xf32>
        tpu.vector_store %arg9[%swap3A, %swap3A_239], %swap3A_242 {add = true, strides = array<i32>} : memref<200x64xf32, #tpu.memory_space<vmem>>, vector<1x16xf32>,
        %add3A_243 = arith.constant 0 : i32
        %add3A_244 = arith.addi %add3A_233, %add3A_243 : i32
        %get3A_245 = arith.index_cast %add3A_244 : i32 to index
        %get3A_246 = arith.constant 16 : index
        %get3A_247 = tpu.vector_load %arg7[%get3A_245, %get3A_246] {strides = array<i32>} : memref<200x64xf32, #tpu.memory_space<vmem>>, vector<1x16xf32>,
        %get3A_248 = vector.shape_cast %get3A_247 : vector<1x16xf32> to vector<16xf32>
        %swap3A_249 = arith.index_cast %add3A_244 : i32 to index
        %swap3A_250 = arith.constant 16 : index
        %swap3A_251 = tpu.vector_load %arg9[%swap3A_249, %swap3A_250] {strides = array<i32>} : memref<200x64xf32, #tpu.memory_space<vmem>>, vector<1x16xf32>,
        %swap3A_252 = vector.shape_cast %swap3A_251 : vector<1x16xf32> to vector<16xf32>
        %swap3A_253 = vector.shape_cast %get3A_248 : vector<16xf32> to vector<1x16xf32>
        tpu.vector_store %arg9[%swap3A_249, %swap3A_250], %swap3A_253 {add = true, strides = array<i32>} : memref<200x64xf32, #tpu.memory_space<vmem>>, vector<1x16xf32>,
        %add3A_254 = arith.constant 0 : i32
        %add3A_255 = arith.addi %add3A_233, %add3A_254 : i32
        %get3A_256 = arith.index_cast %add3A_255 : i32 to index
        %get3A_257 = arith.constant 32 : index
        %get3A_258 = tpu.vector_load %arg7[%get3A_256, %get3A_257] {strides = array<i32>} : memref<200x64xf32, #tpu.memory_space<vmem>>, vector<1x16xf32>,
        %get3A_259 = vector.shape_cast %get3A_258 : vector<1x16xf32> to vector<16xf32>
        %swap3A_260 = arith.index_cast %add3A_255 : i32 to index
        %swap3A_261 = arith.constant 32 : index
        %swap3A_262 = tpu.vector_load %arg9[%swap3A_260, %swap3A_261] {strides = array<i32>} : memref<200x64xf32, #tpu.memory_space<vmem>>, vector<1x16xf32>,
        %swap3A_263 = vector.shape_cast %swap3A_262 : vector<1x16xf32> to vector<16xf32>
        %swap3A_264 = vector.shape_cast %get3A_259 : vector<16xf32> to vector<1x16xf32>
        tpu.vector_store %arg9[%swap3A_260, %swap3A_261], %swap3A_264 {add = true, strides = array<i32>} : memref<200x64xf32, #tpu.memory_space<vmem>>, vector<1x16xf32>,
        %add3A_265 = arith.constant 0 : i32
        %add3A_266 = arith.addi %add3A_233, %add3A_265 : i32
        %get3A_267 = arith.index_cast %add3A_266 : i32 to index
        %get3A_268 = arith.constant 48 : index
        %get3A_269 = tpu.vector_load %arg7[%get3A_267, %get3A_268] {strides = array<i32>} : memref<200x64xf32, #tpu.memory_space<vmem>>, vector<1x16xf32>,
        %get3A_270 = vector.shape_cast %get3A_269 : vector<1x16xf32> to vector<16xf32>
        %swap3A_271 = arith.index_cast %add3A_266 : i32 to index
        %swap3A_272 = arith.constant 48 : index
        %swap3A_273 = tpu.vector_load %arg9[%swap3A_271, %swap3A_272] {strides = array<i32>} : memref<200x64xf32, #tpu.memory_space<vmem>>, vector<1x16xf32>,
        %swap3A_274 = vector.shape_cast %swap3A_273 : vector<1x16xf32> to vector<16xf32>
        %swap3A_275 = vector.shape_cast %get3A_270 : vector<16xf32> to vector<1x16xf32>
        tpu.vector_store %arg9[%swap3A_271, %swap3A_272], %swap3A_275 {add = true, strides = array<i32>} : memref<200x64xf32, #tpu.memory_space<vmem>>, vector<1x16xf32>,
        %add3A_276 = arith.constant 1 : i32
        %add3A_277 = arith.addi %add3A_233, %add3A_276 : i32
        %get3A_278 = arith.index_cast %add3A_277 : i32 to index
        %get3A_279 = arith.constant 0 : index
        %get3A_280 = tpu.vector_load %arg7[%get3A_278, %get3A_279] {strides = array<i32>} : memref<200x64xf32, #tpu.memory_space<vmem>>, vector<1x16xf32>,
        %get3A_281 = vector.shape_cast %get3A_280 : vector<1x16xf32> to vector<16xf32>
        %swap3A_282 = arith.index_cast %add3A_277 : i32 to index
        %swap3A_283 = arith.constant 0 : index
        %swap3A_284 = tpu.vector_load %arg9[%swap3A_282, %swap3A_283] {strides = array<i32>} : memref<200x64xf32, #tpu.memory_space<vmem>>, vector<1x16xf32>,
        %swap3A_285 = vector.shape_cast %swap3A_284 : vector<1x16xf32> to vector<16xf32>
        %swap3A_286 = vector.shape_cast %get3A_281 : vector<16xf32> to vector<1x16xf32>
        tpu.vector_store %arg9[%swap3A_282, %swap3A_283], %swap3A_286 {add = true, strides = array<i32>} : memref<200x64xf32, #tpu.memory_space<vmem>>, vector<1x16xf32>,
        %add3A_287 = arith.constant 1 : i32
        %add3A_288 = arith.addi %add3A_233, %add3A_287 : i32
        %get3A_289 = arith.index_cast %add3A_288 : i32 to index
        %get3A_290 = arith.constant 16 : index
        %get3A_291 = tpu.vector_load %arg7[%get3A_289, %get3A_290] {strides = array<i32>} : memref<200x64xf32, #tpu.memory_space<vmem>>, vector<1x16xf32>,
        %get3A_292 = vector.shape_cast %get3A_291 : vector<1x16xf32> to vector<16xf32>
        %swap3A_293 = arith.index_cast %add3A_288 : i32 to index
        %swap3A_294 = arith.constant 16 : index
        %swap3A_295 = tpu.vector_load %arg9[%swap3A_293, %swap3A_294] {strides = array<i32>} : memref<200x64xf32, #tpu.memory_space<vmem>>, vector<1x16xf32>,
        %swap3A_296 = vector.shape_cast %swap3A_295 : vector<1x16xf32> to vector<16xf32>
        %swap3A_297 = vector.shape_cast %get3A_292 : vector<16xf32> to vector<1x16xf32>
        tpu.vector_store %arg9[%swap3A_293, %swap3A_294], %swap3A_297 {add = true, strides = array<i32>} : memref<200x64xf32, #tpu.memory_space<vmem>>, vector<1x16xf32>,
        %add3A_298 = arith.constant 1 : i32
        %add3A_299 = arith.addi %add3A_233, %add3A_298 : i32
        %get3A_300 = arith.index_cast %add3A_299 : i32 to index
        %get3A_301 = arith.constant 32 : index
        %get3A_302 = tpu.vector_load %arg7[%get3A_300, %get3A_301] {strides = array<i32>} : memref<200x64xf32, #tpu.memory_space<vmem>>, vector<1x16xf32>,
        %get3A_303 = vector.shape_cast %get3A_302 : vector<1x16xf32> to vector<16xf32>
        %swap3A_304 = arith.index_cast %add3A_299 : i32 to index
        %swap3A_305 = arith.constant 32 : index
        %swap3A_306 = tpu.vector_load %arg9[%swap3A_304, %swap3A_305] {strides = array<i32>} : memref<200x64xf32, #tpu.memory_space<vmem>>, vector<1x16xf32>,
        %swap3A_307 = vector.shape_cast %swap3A_306 : vector<1x16xf32> to vector<16xf32>
        %swap3A_308 = vector.shape_cast %get3A_303 : vector<16xf32> to vector<1x16xf32>
        tpu.vector_store %arg9[%swap3A_304, %swap3A_305], %swap3A_308 {add = true, strides = array<i32>} : memref<200x64xf32, #tpu.memory_space<vmem>>, vector<1x16xf32>,
        %add3A_309 = arith.constant 1 : i32
        %add3A_310 = arith.addi %add3A_233, %add3A_309 : i32
        %get3A_311 = arith.index_cast %add3A_310 : i32 to index
        %get3A_312 = arith.constant 48 : index
        %get3A_313 = tpu.vector_load %arg7[%get3A_311, %get3A_312] {strides = array<i32>} : memref<200x64xf32, #tpu.memory_space<vmem>>, vector<1x16xf32>,
        %get3A_314 = vector.shape_cast %get3A_313 : vector<1x16xf32> to vector<16xf32>
        %swap3A_315 = arith.index_cast %add3A_310 : i32 to index
        %swap3A_316 = arith.constant 48 : index
        %swap3A_317 = tpu.vector_load %arg9[%swap3A_315, %swap3A_316] {strides = array<i32>} : memref<200x64xf32, #tpu.memory_space<vmem>>, vector<1x16xf32>,
        %swap3A_318 = vector.shape_cast %swap3A_317 : vector<1x16xf32> to vector<16xf32>
        %swap3A_319 = vector.shape_cast %get3A_314 : vector<16xf32> to vector<1x16xf32>
        tpu.vector_store %arg9[%swap3A_315, %swap3A_316], %swap3A_319 {add = true, strides = array<i32>} : memref<200x64xf32, #tpu.memory_space<vmem>>, vector<1x16xf32>,
        %add3A_320 = arith.constant 2 : i32
        %add3A_321 = arith.addi %add3A_233, %add3A_320 : i32
        %get3A_322 = arith.index_cast %add3A_321 : i32 to index
        %get3A_323 = arith.constant 0 : index
        %get3A_324 = tpu.vector_load %arg7[%get3A_322, %get3A_323] {strides = array<i32>} : memref<200x64xf32, #tpu.memory_space<vmem>>, vector<1x16xf32>,
        %get3A_325 = vector.shape_cast %get3A_324 : vector<1x16xf32> to vector<16xf32>
        %swap3A_326 = arith.index_cast %add3A_321 : i32 to index
        %swap3A_327 = arith.constant 0 : index
        %swap3A_328 = tpu.vector_load %arg9[%swap3A_326, %swap3A_327] {strides = array<i32>} : memref<200x64xf32, #tpu.memory_space<vmem>>, vector<1x16xf32>,
        %swap3A_329 = vector.shape_cast %swap3A_328 : vector<1x16xf32> to vector<16xf32>
        %swap3A_330 = vector.shape_cast %get3A_325 : vector<16xf32> to vector<1x16xf32>
        tpu.vector_store %arg9[%swap3A_326, %swap3A_327], %swap3A_330 {add = true, strides = array<i32>} : memref<200x64xf32, #tpu.memory_space<vmem>>, vector<1x16xf32>,
        %add3A_331 = arith.constant 2 : i32
        %add3A_332 = arith.addi %add3A_233, %add3A_331 : i32
        %get3A_333 = arith.index_cast %add3A_332 : i32 to index
        %get3A_334 = arith.constant 16 : index
        %get3A_335 = tpu.vector_load %arg7[%get3A_333, %get3A_334] {strides = array<i32>} : memref<200x64xf32, #tpu.memory_space<vmem>>, vector<1x16xf32>,
        %get3A_336 = vector.shape_cast %get3A_335 : vector<1x16xf32> to vector<16xf32>
        %swap3A_337 = arith.index_cast %add3A_332 : i32 to index
        %swap3A_338 = arith.constant 16 : index
        %swap3A_339 = tpu.vector_load %arg9[%swap3A_337, %swap3A_338] {strides = array<i32>} : memref<200x64xf32, #tpu.memory_space<vmem>>, vector<1x16xf32>,
        %swap3A_340 = vector.shape_cast %swap3A_339 : vector<1x16xf32> to vector<16xf32>
        %swap3A_341 = vector.shape_cast %get3A_336 : vector<16xf32> to vector<1x16xf32>
        tpu.vector_store %arg9[%swap3A_337, %swap3A_338], %swap3A_341 {add = true, strides = array<i32>} : memref<200x64xf32, #tpu.memory_space<vmem>>, vector<1x16xf32>,
        %add3A_342 = arith.constant 2 : i32
        %add3A_343 = arith.addi %add3A_233, %add3A_342 : i32
        %get3A_344 = arith.index_cast %add3A_343 : i32 to index
        %get3A_345 = arith.constant 32 : index
        %get3A_346 = tpu.vector_load %arg7[%get3A_344, %get3A_345] {strides = array<i32>} : memref<200x64xf32, #tpu.memory_space<vmem>>, vector<1x16xf32>,
        %get3A_347 = vector.shape_cast %get3A_346 : vector<1x16xf32> to vector<16xf32>
        %swap3A_348 = arith.index_cast %add3A_343 : i32 to index
        %swap3A_349 = arith.constant 32 : index
        %swap3A_350 = tpu.vector_load %arg9[%swap3A_348, %swap3A_349] {strides = array<i32>} : memref<200x64xf32, #tpu.memory_space<vmem>>, vector<1x16xf32>,
        %swap3A_351 = vector.shape_cast %swap3A_350 : vector<1x16xf32> to vector<16xf32>
        %swap3A_352 = vector.shape_cast %get3A_347 : vector<16xf32> to vector<1x16xf32>
        tpu.vector_store %arg9[%swap3A_348, %swap3A_349], %swap3A_352 {add = true, strides = array<i32>} : memref<200x64xf32, #tpu.memory_space<vmem>>, vector<1x16xf32>,
        %add3A_353 = arith.constant 2 : i32
        %add3A_354 = arith.addi %add3A_233, %add3A_353 : i32
        %get3A_355 = arith.index_cast %add3A_354 : i32 to index
        %get3A_356 = arith.constant 48 : index
        %get3A_357 = tpu.vector_load %arg7[%get3A_355, %get3A_356] {strides = array<i32>} : memref<200x64xf32, #tpu.memory_space<vmem>>, vector<1x16xf32>,
        %get3A_358 = vector.shape_cast %get3A_357 : vector<1x16xf32> to vector<16xf32>
        %swap3A_359 = arith.index_cast %add3A_354 : i32 to index
        %swap3A_360 = arith.constant 48 : index
        %swap3A_361 = tpu.vector_load %arg9[%swap3A_359, %swap3A_360] {strides = array<i32>} : memref<200x64xf32, #tpu.memory_space<vmem>>, vector<1x16xf32>,
        %swap3A_362 = vector.shape_cast %swap3A_361 : vector<1x16xf32> to vector<16xf32>
        %swap3A_363 = vector.shape_cast %get3A_358 : vector<16xf32> to vector<1x16xf32>
        tpu.vector_store %arg9[%swap3A_359, %swap3A_360], %swap3A_363 {add = true, strides = array<i32>} : memref<200x64xf32, #tpu.memory_space<vmem>>, vector<1x16xf32>,
        %add3A_364 = arith.constant 3 : i32
        %add3A_365 = arith.addi %add3A_233, %add3A_364 : i32
        %get3A_366 = arith.index_cast %add3A_365 : i32 to index
        %get3A_367 = arith.constant 0 : index
        %get3A_368 = tpu.vector_load %arg7[%get3A_366, %get3A_367] {strides = array<i32>} : memref<200x64xf32, #tpu.memory_space<vmem>>, vector<1x16xf32>,
        %get3A_369 = vector.shape_cast %get3A_368 : vector<1x16xf32> to vector<16xf32>
        %swap3A_370 = arith.index_cast %add3A_365 : i32 to index
        %swap3A_371 = arith.constant 0 : index
        %swap3A_372 = tpu.vector_load %arg9[%swap3A_370, %swap3A_371] {strides = array<i32>} : memref<200x64xf32, #tpu.memory_space<vmem>>, vector<1x16xf32>,
        %swap3A_373 = vector.shape_cast %swap3A_372 : vector<1x16xf32> to vector<16xf32>
        %swap3A_374 = vector.shape_cast %get3A_369 : vector<16xf32> to vector<1x16xf32>
        tpu.vector_store %arg9[%swap3A_370, %swap3A_371], %swap3A_374 {add = true, strides = array<i32>} : memref<200x64xf32, #tpu.memory_space<vmem>>, vector<1x16xf32>,
        %add3A_375 = arith.constant 3 : i32
        %add3A_376 = arith.addi %add3A_233, %add3A_375 : i32
        %get3A_377 = arith.index_cast %add3A_376 : i32 to index
        %get3A_378 = arith.constant 16 : index
        %get3A_379 = tpu.vector_load %arg7[%get3A_377, %get3A_378] {strides = array<i32>} : memref<200x64xf32, #tpu.memory_space<vmem>>, vector<1x16xf32>,
        %get3A_380 = vector.shape_cast %get3A_379 : vector<1x16xf32> to vector<16xf32>
        %swap3A_381 = arith.index_cast %add3A_376 : i32 to index
        %swap3A_382 = arith.constant 16 : index
        %swap3A_383 = tpu.vector_load %arg9[%swap3A_381, %swap3A_382] {strides = array<i32>} : memref<200x64xf32, #tpu.memory_space<vmem>>, vector<1x16xf32>,
        %swap3A_384 = vector.shape_cast %swap3A_383 : vector<1x16xf32> to vector<16xf32>
        %swap3A_385 = vector.shape_cast %get3A_380 : vector<16xf32> to vector<1x16xf32>
        tpu.vector_store %arg9[%swap3A_381, %swap3A_382], %swap3A_385 {add = true, strides = array<i32>} : memref<200x64xf32, #tpu.memory_space<vmem>>, vector<1x16xf32>,
        %add3A_386 = arith.constant 3 : i32
        %add3A_387 = arith.addi %add3A_233, %add3A_386 : i32
        %get3A_388 = arith.index_cast %add3A_387 : i32 to index
        %get3A_389 = arith.constant 32 : index
        %get3A_390 = tpu.vector_load %arg7[%get3A_388, %get3A_389] {strides = array<i32>} : memref<200x64xf32, #tpu.memory_space<vmem>>, vector<1x16xf32>,
        %get3A_391 = vector.shape_cast %get3A_390 : vector<1x16xf32> to vector<16xf32>
        %swap3A_392 = arith.index_cast %add3A_387 : i32 to index
        %swap3A_393 = arith.constant 32 : index
        %swap3A_394 = tpu.vector_load %arg9[%swap3A_392, %swap3A_393] {strides = array<i32>} : memref<200x64xf32, #tpu.memory_space<vmem>>, vector<1x16xf32>,
        %swap3A_395 = vector.shape_cast %swap3A_394 : vector<1x16xf32> to vector<16xf32>
        %swap3A_396 = vector.shape_cast %get3A_391 : vector<16xf32> to vector<1x16xf32>
        tpu.vector_store %arg9[%swap3A_392, %swap3A_393], %swap3A_396 {add = true, strides = array<i32>} : memref<200x64xf32, #tpu.memory_space<vmem>>, vector<1x16xf32>,
        %add3A_397 = arith.constant 3 : i32
        %add3A_398 = arith.addi %add3A_233, %add3A_397 : i32
        %get3A_399 = arith.index_cast %add3A_398 : i32 to index
        %get3A_400 = arith.constant 48 : index
        %get3A_401 = tpu.vector_load %arg7[%get3A_399, %get3A_400] {strides = array<i32>} : memref<200x64xf32, #tpu.memory_space<vmem>>, vector<1x16xf32>,
        %get3A_402 = vector.shape_cast %get3A_401 : vector<1x16xf32> to vector<16xf32>
        %swap3A_403 = arith.index_cast %add3A_398 : i32 to index
        %swap3A_404 = arith.constant 48 : index
        %swap3A_405 = tpu.vector_load %arg9[%swap3A_403, %swap3A_404] {strides = array<i32>} : memref<200x64xf32, #tpu.memory_space<vmem>>, vector<1x16xf32>,
        %swap3A_406 = vector.shape_cast %swap3A_405 : vector<1x16xf32> to vector<16xf32>
        %swap3A_407 = vector.shape_cast %get3A_402 : vector<16xf32> to vector<1x16xf32>
        tpu.vector_store %arg9[%swap3A_403, %swap3A_404], %swap3A_407 {add = true, strides = array<i32>} : memref<200x64xf32, #tpu.memory_space<vmem>>, vector<1x16xf32>,
        %add3A_408 = arith.constant 4 : i32
        %add3A_409 = arith.addi %add3A_233, %add3A_408 : i32
        %get3A_410 = arith.index_cast %add3A_409 : i32 to index
        %get3A_411 = arith.constant 0 : index
        %get3A_412 = tpu.vector_load %arg7[%get3A_410, %get3A_411] {strides = array<i32>} : memref<200x64xf32, #tpu.memory_space<vmem>>, vector<1x16xf32>,
        %get3A_413 = vector.shape_cast %get3A_412 : vector<1x16xf32> to vector<16xf32>
        %swap3A_414 = arith.index_cast %add3A_409 : i32 to index
        %swap3A_415 = arith.constant 0 : index
        %swap3A_416 = tpu.vector_load %arg9[%swap3A_414, %swap3A_415] {strides = array<i32>} : memref<200x64xf32, #tpu.memory_space<vmem>>, vector<1x16xf32>,
        %swap3A_417 = vector.shape_cast %swap3A_416 : vector<1x16xf32> to vector<16xf32>
        %swap3A_418 = vector.shape_cast %get3A_413 : vector<16xf32> to vector<1x16xf32>
        tpu.vector_store %arg9[%swap3A_414, %swap3A_415], %swap3A_418 {add = true, strides = array<i32>} : memref<200x64xf32, #tpu.memory_space<vmem>>, vector<1x16xf32>,
        %add3A_419 = arith.constant 4 : i32
        %add3A_420 = arith.addi %add3A_233, %add3A_419 : i32
        %get3A_421 = arith.index_cast %add3A_420 : i32 to index
        %get3A_422 = arith.constant 16 : index
        %get3A_423 = tpu.vector_load %arg7[%get3A_421, %get3A_422] {strides = array<i32>} : memref<200x64xf32, #tpu.memory_space<vmem>>, vector<1x16xf32>,
        %get3A_424 = vector.shape_cast %get3A_423 : vector<1x16xf32> to vector<16xf32>
        %swap3A_425 = arith.index_cast %add3A_420 : i32 to index
        %swap3A_426 = arith.constant 16 : index
        %swap3A_427 = tpu.vector_load %arg9[%swap3A_425, %swap3A_426] {strides = array<i32>} : memref<200x64xf32, #tpu.memory_space<vmem>>, vector<1x16xf32>,
        %swap3A_428 = vector.shape_cast %swap3A_427 : vector<1x16xf32> to vector<16xf32>
        %swap3A_429 = vector.shape_cast %get3A_424 : vector<16xf32> to vector<1x16xf32>
        tpu.vector_store %arg9[%swap3A_425, %swap3A_426], %swap3A_429 {add = true, strides = array<i32>} : memref<200x64xf32, #tpu.memory_space<vmem>>, vector<1x16xf32>,
        %add3A_430 = arith.constant 4 : i32
        %add3A_431 = arith.addi %add3A_233, %add3A_430 : i32
        %get3A_432 = arith.index_cast %add3A_431 : i32 to index
        %get3A_433 = arith.constant 32 : index
        %get3A_434 = tpu.vector_load %arg7[%get3A_432, %get3A_433] {strides = array<i32>} : memref<200x64xf32, #tpu.memory_space<vmem>>, vector<1x16xf32>,
        %get3A_435 = vector.shape_cast %get3A_434 : vector<1x16xf32> to vector<16xf32>
        %swap3A_436 = arith.index_cast %add3A_431 : i32 to index
        %swap3A_437 = arith.constant 32 : index
        %swap3A_438 = tpu.vector_load %arg9[%swap3A_436, %swap3A_437] {strides = array<i32>} : memref<200x64xf32, #tpu.memory_space<vmem>>, vector<1x16xf32>,
        %swap3A_439 = vector.shape_cast %swap3A_438 : vector<1x16xf32> to vector<16xf32>
        %swap3A_440 = vector.shape_cast %get3A_435 : vector<16xf32> to vector<1x16xf32>
        tpu.vector_store %arg9[%swap3A_436, %swap3A_437], %swap3A_440 {add = true, strides = array<i32>} : memref<200x64xf32, #tpu.memory_space<vmem>>, vector<1x16xf32>,
        %add3A_441 = arith.constant 4 : i32
        %add3A_442 = arith.addi %add3A_233, %add3A_441 : i32
        %get3A_443 = arith.index_cast %add3A_442 : i32 to index
        %get3A_444 = arith.constant 48 : index
        %get3A_445 = tpu.vector_load %arg7[%get3A_443, %get3A_444] {strides = array<i32>} : memref<200x64xf32, #tpu.memory_space<vmem>>, vector<1x16xf32>,
        %get3A_446 = vector.shape_cast %get3A_445 : vector<1x16xf32> to vector<16xf32>
        %swap3A_447 = arith.index_cast %add3A_442 : i32 to index
        %swap3A_448 = arith.constant 48 : index
        %swap3A_449 = tpu.vector_load %arg9[%swap3A_447, %swap3A_448] {strides = array<i32>} : memref<200x64xf32, #tpu.memory_space<vmem>>, vector<1x16xf32>,
        %swap3A_450 = vector.shape_cast %swap3A_449 : vector<1x16xf32> to vector<16xf32>
        %swap3A_451 = vector.shape_cast %get3A_446 : vector<16xf32> to vector<1x16xf32>
        tpu.vector_store %arg9[%swap3A_447, %swap3A_448], %swap3A_451 {add = true, strides = array<i32>} : memref<200x64xf32, #tpu.memory_space<vmem>>, vector<1x16xf32>,
        %add3A_452 = arith.constant 5 : i32
        %add3A_453 = arith.addi %add3A_233, %add3A_452 : i32
        %get3A_454 = arith.index_cast %add3A_453 : i32 to index
        %get3A_455 = arith.constant 0 : index
        %get3A_456 = tpu.vector_load %arg7[%get3A_454, %get3A_455] {strides = array<i32>} : memref<200x64xf32, #tpu.memory_space<vmem>>, vector<1x16xf32>,
        %get3A_457 = vector.shape_cast %get3A_456 : vector<1x16xf32> to vector<16xf32>
        %swap3A_458 = arith.index_cast %add3A_453 : i32 to index
        %swap3A_459 = arith.constant 0 : index
        %swap3A_460 = tpu.vector_load %arg9[%swap3A_458, %swap3A_459] {strides = array<i32>} : memref<200x64xf32, #tpu.memory_space<vmem>>, vector<1x16xf32>,
        %swap3A_461 = vector.shape_cast %swap3A_460 : vector<1x16xf32> to vector<16xf32>
        %swap3A_462 = vector.shape_cast %get3A_457 : vector<16xf32> to vector<1x16xf32>
        tpu.vector_store %arg9[%swap3A_458, %swap3A_459], %swap3A_462 {add = true, strides = array<i32>} : memref<200x64xf32, #tpu.memory_space<vmem>>, vector<1x16xf32>,
        %add3A_463 = arith.constant 5 : i32
        %add3A_464 = arith.addi %add3A_233, %add3A_463 : i32
        %get3A_465 = arith.index_cast %add3A_464 : i32 to index
        %get3A_466 = arith.constant 16 : index
        %get3A_467 = tpu.vector_load %arg7[%get3A_465, %get3A_466] {strides = array<i32>} : memref<200x64xf32, #tpu.memory_space<vmem>>, vector<1x16xf32>,
        %get3A_468 = vector.shape_cast %get3A_467 : vector<1x16xf32> to vector<16xf32>
        %swap3A_469 = arith.index_cast %add3A_464 : i32 to index
        %swap3A_470 = arith.constant 16 : index
        %swap3A_471 = tpu.vector_load %arg9[%swap3A_469, %swap3A_470] {strides = array<i32>} : memref<200x64xf32, #tpu.memory_space<vmem>>, vector<1x16xf32>,
        %swap3A_472 = vector.shape_cast %swap3A_471 : vector<1x16xf32> to vector<16xf32>
        %swap3A_473 = vector.shape_cast %get3A_468 : vector<16xf32> to vector<1x16xf32>
        tpu.vector_store %arg9[%swap3A_469, %swap3A_470], %swap3A_473 {add = true, strides = array<i32>} : memref<200x64xf32, #tpu.memory_space<vmem>>, vector<1x16xf32>,
        %add3A_474 = arith.constant 5 : i32
        %add3A_475 = arith.addi %add3A_233, %add3A_474 : i32
        %get3A_476 = arith.index_cast %add3A_475 : i32 to index
        %get3A_477 = arith.constant 32 : index
        %get3A_478 = tpu.vector_load %arg7[%get3A_476, %get3A_477] {strides = array<i32>} : memref<200x64xf32, #tpu.memory_space<vmem>>, vector<1x16xf32>,
        %get3A_479 = vector.shape_cast %get3A_478 : vector<1x16xf32> to vector<16xf32>
        %swap3A_480 = arith.index_cast %add3A_475 : i32 to index
        %swap3A_481 = arith.constant 32 : index
        %swap3A_482 = tpu.vector_load %arg9[%swap3A_480, %swap3A_481] {strides = array<i32>} : memref<200x64xf32, #tpu.memory_space<vmem>>, vector<1x16xf32>,
        %swap3A_483 = vector.shape_cast %swap3A_482 : vector<1x16xf32> to vector<16xf32>
        %swap3A_484 = vector.shape_cast %get3A_479 : vector<16xf32> to vector<1x16xf32>
        tpu.vector_store %arg9[%swap3A_480, %swap3A_481], %swap3A_484 {add = true, strides = array<i32>} : memref<200x64xf32, #tpu.memory_space<vmem>>, vector<1x16xf32>,
        %add3A_485 = arith.constant 5 : i32
        %add3A_486 = arith.addi %add3A_233, %add3A_485 : i32
        %get3A_487 = arith.index_cast %add3A_486 : i32 to index
        %get3A_488 = arith.constant 48 : index
        %get3A_489 = tpu.vector_load %arg7[%get3A_487, %get3A_488] {strides = array<i32>} : memref<200x64xf32, #tpu.memory_space<vmem>>, vector<1x16xf32>,
        %get3A_490 = vector.shape_cast %get3A_489 : vector<1x16xf32> to vector<16xf32>
        %swap3A_491 = arith.index_cast %add3A_486 : i32 to index
        %swap3A_492 = arith.constant 48 : index
        %swap3A_493 = tpu.vector_load %arg9[%swap3A_491, %swap3A_492] {strides = array<i32>} : memref<200x64xf32, #tpu.memory_space<vmem>>, vector<1x16xf32>,
        %swap3A_494 = vector.shape_cast %swap3A_493 : vector<1x16xf32> to vector<16xf32>
        %swap3A_495 = vector.shape_cast %get3A_490 : vector<16xf32> to vector<1x16xf32>
        tpu.vector_store %arg9[%swap3A_491, %swap3A_492], %swap3A_495 {add = true, strides = array<i32>} : memref<200x64xf32, #tpu.memory_space<vmem>>, vector<1x16xf32>,
        %add3A_496 = arith.constant 6 : i32
        %add3A_497 = arith.addi %add3A_233, %add3A_496 : i32
        %get3A_498 = arith.index_cast %add3A_497 : i32 to index
        %get3A_499 = arith.constant 0 : index
        %get3A_500 = tpu.vector_load %arg7[%get3A_498, %get3A_499] {strides = array<i32>} : memref<200x64xf32, #tpu.memory_space<vmem>>, vector<1x16xf32>,
        %get3A_501 = vector.shape_cast %get3A_500 : vector<1x16xf32> to vector<16xf32>
        %swap3A_502 = arith.index_cast %add3A_497 : i32 to index
        %swap3A_503 = arith.constant 0 : index
        %swap3A_504 = tpu.vector_load %arg9[%swap3A_502, %swap3A_503] {strides = array<i32>} : memref<200x64xf32, #tpu.memory_space<vmem>>, vector<1x16xf32>,
        %swap3A_505 = vector.shape_cast %swap3A_504 : vector<1x16xf32> to vector<16xf32>
        %swap3A_506 = vector.shape_cast %get3A_501 : vector<16xf32> to vector<1x16xf32>
        tpu.vector_store %arg9[%swap3A_502, %swap3A_503], %swap3A_506 {add = true, strides = array<i32>} : memref<200x64xf32, #tpu.memory_space<vmem>>, vector<1x16xf32>,
        %add3A_507 = arith.constant 6 : i32
        %add3A_508 = arith.addi %add3A_233, %add3A_507 : i32
        %get3A_509 = arith.index_cast %add3A_508 : i32 to index
        %get3A_510 = arith.constant 16 : index
        %get3A_511 = tpu.vector_load %arg7[%get3A_509, %get3A_510] {strides = array<i32>} : memref<200x64xf32, #tpu.memory_space<vmem>>, vector<1x16xf32>,
        %get3A_512 = vector.shape_cast %get3A_511 : vector<1x16xf32> to vector<16xf32>
        %swap3A_513 = arith.index_cast %add3A_508 : i32 to index
        %swap3A_514 = arith.constant 16 : index
        %swap3A_515 = tpu.vector_load %arg9[%swap3A_513, %swap3A_514] {strides = array<i32>} : memref<200x64xf32, #tpu.memory_space<vmem>>, vector<1x16xf32>,
        %swap3A_516 = vector.shape_cast %swap3A_515 : vector<1x16xf32> to vector<16xf32>
        %swap3A_517 = vector.shape_cast %get3A_512 : vector<16xf32> to vector<1x16xf32>
        tpu.vector_store %arg9[%swap3A_513, %swap3A_514], %swap3A_517 {add = true, strides = array<i32>} : memref<200x64xf32, #tpu.memory_space<vmem>>, vector<1x16xf32>,
        %add3A_518 = arith.constant 6 : i32
        %add3A_519 = arith.addi %add3A_233, %add3A_518 : i32
        %get3A_520 = arith.index_cast %add3A_519 : i32 to index
        %get3A_521 = arith.constant 32 : index
        %get3A_522 = tpu.vector_load %arg7[%get3A_520, %get3A_521] {strides = array<i32>} : memref<200x64xf32, #tpu.memory_space<vmem>>, vector<1x16xf32>,
        %get3A_523 = vector.shape_cast %get3A_522 : vector<1x16xf32> to vector<16xf32>
        %swap3A_524 = arith.index_cast %add3A_519 : i32 to index
        %swap3A_525 = arith.constant 32 : index
        %swap3A_526 = tpu.vector_load %arg9[%swap3A_524, %swap3A_525] {strides = array<i32>} : memref<200x64xf32, #tpu.memory_space<vmem>>, vector<1x16xf32>,
        %swap3A_527 = vector.shape_cast %swap3A_526 : vector<1x16xf32> to vector<16xf32>
        %swap3A_528 = vector.shape_cast %get3A_523 : vector<16xf32> to vector<1x16xf32>
        tpu.vector_store %arg9[%swap3A_524, %swap3A_525], %swap3A_528 {add = true, strides = array<i32>} : memref<200x64xf32, #tpu.memory_space<vmem>>, vector<1x16xf32>,
        %add3A_529 = arith.constant 6 : i32
        %add3A_530 = arith.addi %add3A_233, %add3A_529 : i32
        %get3A_531 = arith.index_cast %add3A_530 : i32 to index
        %get3A_532 = arith.constant 48 : index
        %get3A_533 = tpu.vector_load %arg7[%get3A_531, %get3A_532] {strides = array<i32>} : memref<200x64xf32, #tpu.memory_space<vmem>>, vector<1x16xf32>,
        %get3A_534 = vector.shape_cast %get3A_533 : vector<1x16xf32> to vector<16xf32>
        %swap3A_535 = arith.index_cast %add3A_530 : i32 to index
        %swap3A_536 = arith.constant 48 : index
        %swap3A_537 = tpu.vector_load %arg9[%swap3A_535, %swap3A_536] {strides = array<i32>} : memref<200x64xf32, #tpu.memory_space<vmem>>, vector<1x16xf32>,
        %swap3A_538 = vector.shape_cast %swap3A_537 : vector<1x16xf32> to vector<16xf32>
        %swap3A_539 = vector.shape_cast %get3A_534 : vector<16xf32> to vector<1x16xf32>
        tpu.vector_store %arg9[%swap3A_535, %swap3A_536], %swap3A_539 {add = true, strides = array<i32>} : memref<200x64xf32, #tpu.memory_space<vmem>>, vector<1x16xf32>,
        %add3A_540 = arith.constant 7 : i32
        %add3A_541 = arith.addi %add3A_233, %add3A_540 : i32
        %get3A_542 = arith.index_cast %add3A_541 : i32 to index
        %get3A_543 = arith.constant 0 : index
        %get3A_544 = tpu.vector_load %arg7[%get3A_542, %get3A_543] {strides = array<i32>} : memref<200x64xf32, #tpu.memory_space<vmem>>, vector<1x16xf32>,
        %get3A_545 = vector.shape_cast %get3A_544 : vector<1x16xf32> to vector<16xf32>
        %swap3A_546 = arith.index_cast %add3A_541 : i32 to index
        %swap3A_547 = arith.constant 0 : index
        %swap3A_548 = tpu.vector_load %arg9[%swap3A_546, %swap3A_547] {strides = array<i32>} : memref<200x64xf32, #tpu.memory_space<vmem>>, vector<1x16xf32>,
        %swap3A_549 = vector.shape_cast %swap3A_548 : vector<1x16xf32> to vector<16xf32>
        %swap3A_550 = vector.shape_cast %get3A_545 : vector<16xf32> to vector<1x16xf32>
        tpu.vector_store %arg9[%swap3A_546, %swap3A_547], %swap3A_550 {add = true, strides = array<i32>} : memref<200x64xf32, #tpu.memory_space<vmem>>, vector<1x16xf32>,
        %add3A_551 = arith.constant 7 : i32
        %add3A_552 = arith.addi %add3A_233, %add3A_551 : i32
        %get3A_553 = arith.index_cast %add3A_552 : i32 to index
        %get3A_554 = arith.constant 16 : index
        %get3A_555 = tpu.vector_load %arg7[%get3A_553, %get3A_554] {strides = array<i32>} : memref<200x64xf32, #tpu.memory_space<vmem>>, vector<1x16xf32>,
        %get3A_556 = vector.shape_cast %get3A_555 : vector<1x16xf32> to vector<16xf32>
        %swap3A_557 = arith.index_cast %add3A_552 : i32 to index
        %swap3A_558 = arith.constant 16 : index
        %swap3A_559 = tpu.vector_load %arg9[%swap3A_557, %swap3A_558] {strides = array<i32>} : memref<200x64xf32, #tpu.memory_space<vmem>>, vector<1x16xf32>,
        %swap3A_560 = vector.shape_cast %swap3A_559 : vector<1x16xf32> to vector<16xf32>
        %swap3A_561 = vector.shape_cast %get3A_556 : vector<16xf32> to vector<1x16xf32>
        tpu.vector_store %arg9[%swap3A_557, %swap3A_558], %swap3A_561 {add = true, strides = array<i32>} : memref<200x64xf32, #tpu.memory_space<vmem>>, vector<1x16xf32>,
        %add3A_562 = arith.constant 7 : i32
        %add3A_563 = arith.addi %add3A_233, %add3A_562 : i32
        %get3A_564 = arith.index_cast %add3A_563 : i32 to index
        %get3A_565 = arith.constant 32 : index
        %get3A_566 = tpu.vector_load %arg7[%get3A_564, %get3A_565] {strides = array<i32>} : memref<200x64xf32, #tpu.memory_space<vmem>>, vector<1x16xf32>,
        %get3A_567 = vector.shape_cast %get3A_566 : vector<1x16xf32> to vector<16xf32>
        %swap3A_568 = arith.index_cast %add3A_563 : i32 to index
        %swap3A_569 = arith.constant 32 : index
        %swap3A_570 = tpu.vector_load %arg9[%swap3A_568, %swap3A_569] {strides = array<i32>} : memref<200x64xf32, #tpu.memory_space<vmem>>, vector<1x16xf32>,
        %swap3A_571 = vector.shape_cast %swap3A_570 : vector<1x16xf32> to vector<16xf32>
        %swap3A_572 = vector.shape_cast %get3A_567 : vector<16xf32> to vector<1x16xf32>
        tpu.vector_store %arg9[%swap3A_568, %swap3A_569], %swap3A_572 {add = true, strides = array<i32>} : memref<200x64xf32, #tpu.memory_space<vmem>>, vector<1x16xf32>,
        %add3A_573 = arith.constant 7 : i32
        %add3A_574 = arith.addi %add3A_233, %add3A_573 : i32
        %get3A_575 = arith.index_cast %add3A_574 : i32 to index
        %get3A_576 = arith.constant 48 : index
        %get3A_577 = tpu.vector_load %arg7[%get3A_575, %get3A_576] {strides = array<i32>} : memref<200x64xf32, #tpu.memory_space<vmem>>, vector<1x16xf32>,
        %get3A_578 = vector.shape_cast %get3A_577 : vector<1x16xf32> to vector<16xf32>
        %swap3A_579 = arith.index_cast %add3A_574 : i32 to index
        %swap3A_580 = arith.constant 48 : index
        %swap3A_581 = tpu.vector_load %arg9[%swap3A_579, %swap3A_580] {strides = array<i32>} : memref<200x64xf32, #tpu.memory_space<vmem>>, vector<1x16xf32>,
        %swap3A_582 = vector.shape_cast %swap3A_581 : vector<1x16xf32> to vector<16xf32>
        %swap3A_583 = vector.shape_cast %get3A_578 : vector<16xf32> to vector<1x16xf32>
        tpu.vector_store %arg9[%swap3A_579, %swap3A_580], %swap3A_583 {add = true, strides = array<i32>} : memref<200x64xf32, #tpu.memory_space<vmem>>, vector<1x16xf32>,
      }
      %scan3A_161 = arith.constant 25 : i32
      %add3A_162 = arith.addi %mul3A_2, %add3A_140 : i32
      %mul3A_163 = arith.constant 200 : i32
      %mul3A_164 = arith.muli %add3A_162, %mul3A_163 : i32
      %dma_start3A_165 = arith.constant 0 : i32
      %dma_start3A_166 = tpu.memref_slice %arg5[%mul3A_164, %dma_start3A_165] : memref<819200x64xf32, #tpu.memory_space<hbm>> -> memref<200x64xf32, #tpu.memory_space<hbm>>
      %dma_start3A_167 = arith.constant 0 : i32
      %dma_start3A_168 = tpu.memref_slice %arg5[%mul3A_164, %dma_start3A_167] : memref<819200x64xf32, #tpu.memory_space<hbm>> -> memref<200x64xf32, #tpu.memory_space<hbm>>
      tpu.enqueue_dma source(%arg9 : memref<200x64xf32, #tpu.memory_space<vmem>>) target(%dma_start3A_168 : memref<200x64xf32, #tpu.memory_space<hbm>>) target_semaphore(%arg17 : memref<!tpu.dma_semaphore, #tpu.memory_space<semaphore_mem>>)
      %add3A_169 = arith.constant 2 : i32
      %add3A_170 = arith.addi %add3A_113, %add3A_169 : i32
      %ge3A_171 = arith.constant 2 : i32
      %ge3A_172 = arith.cmpi sge, %add3A_170, %ge3A_171 : i32
      %add3A_173 = arith.constant 2 : i32
      %add3A_174 = arith.addi %add3A_170, %add3A_173 : i32
      %lt3A_175 = arith.constant 128 : i32
      %lt3A_176 = arith.cmpi slt, %add3A_174, %lt3A_175 : i32
      %and3A_177 = arith.andi %ge3A_172, %lt3A_176 : i1
      %convert_element_type3A_178 = arith.extui %and3A_177 : i1 to i32
      %cond3A_179 = arith.constant 0 : i32
      %cond3A_180 = arith.cmpi ne, %convert_element_type3A_178, %cond3A_179 : i32
      scf.if %cond3A_180 {
        %dma_wait3A_229 = arith.constant 0 : i32
        %dma_wait3A_230 = arith.constant 0 : i32
        %dma_wait3A_231 = tpu.memref_slice %arg5[%dma_wait3A_229, %dma_wait3A_230] : memref<819200x64xf32, #tpu.memory_space<hbm>> -> memref<200x64xf32, #tpu.memory_space<hbm>>
        %dma_wait3A_232 = arith.constant 0 : i32
        %dma_wait3A_233 = arith.constant 0 : i32
        %dma_wait3A_234 = tpu.memref_slice %arg5[%dma_wait3A_232, %dma_wait3A_233] : memref<819200x64xf32, #tpu.memory_space<hbm>> -> memref<200x64xf32, #tpu.memory_space<hbm>>
        tpu.wait_dma2 semaphore(%arg16 : memref<!tpu.dma_semaphore, #tpu.memory_space<semaphore_mem>>) src(%arg8 : memref<200x64xf32, #tpu.memory_space<vmem>>) dst(%dma_wait3A_234 : memref<200x64xf32, #tpu.memory_space<hbm>>)
        %add3A_235 = arith.constant 2 : i32
        %add3A_236 = arith.addi %add3A_170, %add3A_235 : i32
        %dma_start3A_237 = arith.constant 0 : i32
        %dma_start3A_238 = arith.constant 0 : i32
        %dma_start3A_239 = tpu.memref_slice %arg8[%dma_start3A_237, %dma_start3A_238] : memref<200x64xf32, #tpu.memory_space<vmem>> -> memref<128x64xf32, #tpu.memory_space<vmem>>
        %dma_start3A_240 = arith.constant 0 : i32
        %dma_start3A_241 = tpu.memref_slice %arg6[%add3A_236, %dma_start3A_240] : memref<128x200xi32, #tpu.memory_space<vmem>> -> memref<1x128xi32, #tpu.memory_space<vmem>>
        %dma_start3A_242 = tpu.memref_squeeze %dma_start3A_241 : memref<1x128xi32, #tpu.memory_space<vmem>> -> memref<128xi32, #tpu.memory_space<vmem>>
        %dma_start3A_243 = arith.constant 0 : i32
        %dma_start3A_244 = arith.constant 0 : i32
        %dma_start3A_245 = tpu.memref_slice %arg3[%dma_start3A_243, %dma_start3A_244] : memref<1000000x64xf32, #tpu.memory_space<hbm>> -> memref<1000000x64xf32, #tpu.memory_space<hbm>>
        tpu.enqueue_indirect_dma source(%dma_start3A_245 : memref<1000000x64xf32, #tpu.memory_space<hbm>>) target(%dma_start3A_239 : memref<128x64xf32, #tpu.memory_space<vmem>>) offsets(%dma_start3A_242 : memref<128xi32, #tpu.memory_space<vmem>>) semaphore(%arg12 : memref<!tpu.dma_semaphore, #tpu.memory_space<semaphore_mem>>)
        %dma_start3A_246 = arith.constant 128 : i32
        %dma_start3A_247 = arith.constant 0 : i32
        %dma_start3A_248 = tpu.memref_slice %arg8[%dma_start3A_246, %dma_start3A_247] : memref<200x64xf32, #tpu.memory_space<vmem>> -> memref<72x64xf32, #tpu.memory_space<vmem>>
        %dma_start3A_249 = arith.constant 128 : i32
        %dma_start3A_250 = tpu.memref_slice %arg6[%add3A_236, %dma_start3A_249] : memref<128x200xi32, #tpu.memory_space<vmem>> -> memref<1x72xi32, #tpu.memory_space<vmem>>
        %dma_start3A_251 = tpu.memref_squeeze %dma_start3A_250 : memref<1x72xi32, #tpu.memory_space<vmem>> -> memref<72xi32, #tpu.memory_space<vmem>>
        %dma_start3A_252 = arith.constant 0 : i32
        %dma_start3A_253 = arith.constant 0 : i32
        %dma_start3A_254 = tpu.memref_slice %arg3[%dma_start3A_252, %dma_start3A_253] : memref<1000000x64xf32, #tpu.memory_space<hbm>> -> memref<1000000x64xf32, #tpu.memory_space<hbm>>
        tpu.enqueue_indirect_dma source(%dma_start3A_254 : memref<1000000x64xf32, #tpu.memory_space<hbm>>) target(%dma_start3A_248 : memref<72x64xf32, #tpu.memory_space<vmem>>) offsets(%dma_start3A_251 : memref<72xi32, #tpu.memory_space<vmem>>) semaphore(%arg12 : memref<!tpu.dma_semaphore, #tpu.memory_space<semaphore_mem>>)
      } else {
      }
      %dma_wait3A_181 = arith.constant 0 : i32
      %dma_wait3A_182 = arith.constant 0 : i32
      %dma_wait3A_183 = tpu.memref_slice %arg3[%dma_wait3A_181, %dma_wait3A_182] : memref<1000000x64xf32, #tpu.memory_space<hbm>> -> memref<200x64xf32, #tpu.memory_space<hbm>>
      %dma_wait3A_184 = arith.constant 0 : i32
      %dma_wait3A_185 = arith.constant 0 : i32
      %dma_wait3A_186 = tpu.memref_slice %arg3[%dma_wait3A_184, %dma_wait3A_185] : memref<1000000x64xf32, #tpu.memory_space<hbm>> -> memref<200x64xf32, #tpu.memory_space<hbm>>
      tpu.wait_dma2 semaphore(%arg14 : memref<!tpu.dma_semaphore, #tpu.memory_space<semaphore_mem>>) src(%dma_wait3A_186 : memref<200x64xf32, #tpu.memory_space<hbm>>) dst(%arg10 : memref<200x64xf32, #tpu.memory_space<vmem>>)
      %scan3A_187 = arith.constant 0 : i32
      %scan3A_188 = arith.constant 25 : i32
      %scan3A_189 = arith.addi %scan3A_187, %scan3A_188 : i32
      %scan3A_190 = arith.constant 1 : i32
      scf.for %scan3A_229 = %scan3A_187 to %scan3A_189 step %scan3A_190  : i32 {
        %mul3A_230 = arith.constant 8 : i32
        %mul3A_231 = arith.muli %scan3A_229, %mul3A_230 : i32
        %add3A_232 = arith.constant 0 : i32
        %add3A_233 = arith.addi %add3A_232, %mul3A_231 : i32
        %add3A_234 = arith.constant 0 : i32
        %add3A_235 = arith.addi %add3A_233, %add3A_234 : i32
        %get3A = arith.index_cast %add3A_235 : i32 to index
        %get3A_236 = arith.constant 0 : index
        %get3A_237 = tpu.vector_load %arg7[%get3A, %get3A_236] {strides = array<i32>} : memref<200x64xf32, #tpu.memory_space<vmem>>, vector<1x16xf32>,
        %get3A_238 = vector.shape_cast %get3A_237 : vector<1x16xf32> to vector<16xf32>
        %swap3A = arith.index_cast %add3A_235 : i32 to index
        %swap3A_239 = arith.constant 0 : index
        %swap3A_240 = tpu.vector_load %arg10[%swap3A, %swap3A_239] {strides = array<i32>} : memref<200x64xf32, #tpu.memory_space<vmem>>, vector<1x16xf32>,
        %swap3A_241 = vector.shape_cast %swap3A_240 : vector<1x16xf32> to vector<16xf32>
        %swap3A_242 = vector.shape_cast %get3A_238 : vector<16xf32> to vector<1x16xf32>
        tpu.vector_store %arg10[%swap3A, %swap3A_239], %swap3A_242 {add = true, strides = array<i32>} : memref<200x64xf32, #tpu.memory_space<vmem>>, vector<1x16xf32>,
        %add3A_243 = arith.constant 0 : i32
        %add3A_244 = arith.addi %add3A_233, %add3A_243 : i32
        %get3A_245 = arith.index_cast %add3A_244 : i32 to index
        %get3A_246 = arith.constant 16 : index
        %get3A_247 = tpu.vector_load %arg7[%get3A_245, %get3A_246] {strides = array<i32>} : memref<200x64xf32, #tpu.memory_space<vmem>>, vector<1x16xf32>,
        %get3A_248 = vector.shape_cast %get3A_247 : vector<1x16xf32> to vector<16xf32>
        %swap3A_249 = arith.index_cast %add3A_244 : i32 to index
        %swap3A_250 = arith.constant 16 : index
        %swap3A_251 = tpu.vector_load %arg10[%swap3A_249, %swap3A_250] {strides = array<i32>} : memref<200x64xf32, #tpu.memory_space<vmem>>, vector<1x16xf32>,
        %swap3A_252 = vector.shape_cast %swap3A_251 : vector<1x16xf32> to vector<16xf32>
        %swap3A_253 = vector.shape_cast %get3A_248 : vector<16xf32> to vector<1x16xf32>
        tpu.vector_store %arg10[%swap3A_249, %swap3A_250], %swap3A_253 {add = true, strides = array<i32>} : memref<200x64xf32, #tpu.memory_space<vmem>>, vector<1x16xf32>,
        %add3A_254 = arith.constant 0 : i32
        %add3A_255 = arith.addi %add3A_233, %add3A_254 : i32
        %get3A_256 = arith.index_cast %add3A_255 : i32 to index
        %get3A_257 = arith.constant 32 : index
        %get3A_258 = tpu.vector_load %arg7[%get3A_256, %get3A_257] {strides = array<i32>} : memref<200x64xf32, #tpu.memory_space<vmem>>, vector<1x16xf32>,
        %get3A_259 = vector.shape_cast %get3A_258 : vector<1x16xf32> to vector<16xf32>
        %swap3A_260 = arith.index_cast %add3A_255 : i32 to index
        %swap3A_261 = arith.constant 32 : index
        %swap3A_262 = tpu.vector_load %arg10[%swap3A_260, %swap3A_261] {strides = array<i32>} : memref<200x64xf32, #tpu.memory_space<vmem>>, vector<1x16xf32>,
        %swap3A_263 = vector.shape_cast %swap3A_262 : vector<1x16xf32> to vector<16xf32>
        %swap3A_264 = vector.shape_cast %get3A_259 : vector<16xf32> to vector<1x16xf32>
        tpu.vector_store %arg10[%swap3A_260, %swap3A_261], %swap3A_264 {add = true, strides = array<i32>} : memref<200x64xf32, #tpu.memory_space<vmem>>, vector<1x16xf32>,
        %add3A_265 = arith.constant 0 : i32
        %add3A_266 = arith.addi %add3A_233, %add3A_265 : i32
        %get3A_267 = arith.index_cast %add3A_266 : i32 to index
        %get3A_268 = arith.constant 48 : index
        %get3A_269 = tpu.vector_load %arg7[%get3A_267, %get3A_268] {strides = array<i32>} : memref<200x64xf32, #tpu.memory_space<vmem>>, vector<1x16xf32>,
        %get3A_270 = vector.shape_cast %get3A_269 : vector<1x16xf32> to vector<16xf32>
        %swap3A_271 = arith.index_cast %add3A_266 : i32 to index
        %swap3A_272 = arith.constant 48 : index
        %swap3A_273 = tpu.vector_load %arg10[%swap3A_271, %swap3A_272] {strides = array<i32>} : memref<200x64xf32, #tpu.memory_space<vmem>>, vector<1x16xf32>,
        %swap3A_274 = vector.shape_cast %swap3A_273 : vector<1x16xf32> to vector<16xf32>
        %swap3A_275 = vector.shape_cast %get3A_270 : vector<16xf32> to vector<1x16xf32>
        tpu.vector_store %arg10[%swap3A_271, %swap3A_272], %swap3A_275 {add = true, strides = array<i32>} : memref<200x64xf32, #tpu.memory_space<vmem>>, vector<1x16xf32>,
        %add3A_276 = arith.constant 1 : i32
        %add3A_277 = arith.addi %add3A_233, %add3A_276 : i32
        %get3A_278 = arith.index_cast %add3A_277 : i32 to index
        %get3A_279 = arith.constant 0 : index
        %get3A_280 = tpu.vector_load %arg7[%get3A_278, %get3A_279] {strides = array<i32>} : memref<200x64xf32, #tpu.memory_space<vmem>>, vector<1x16xf32>,
        %get3A_281 = vector.shape_cast %get3A_280 : vector<1x16xf32> to vector<16xf32>
        %swap3A_282 = arith.index_cast %add3A_277 : i32 to index
        %swap3A_283 = arith.constant 0 : index
        %swap3A_284 = tpu.vector_load %arg10[%swap3A_282, %swap3A_283] {strides = array<i32>} : memref<200x64xf32, #tpu.memory_space<vmem>>, vector<1x16xf32>,
        %swap3A_285 = vector.shape_cast %swap3A_284 : vector<1x16xf32> to vector<16xf32>
        %swap3A_286 = vector.shape_cast %get3A_281 : vector<16xf32> to vector<1x16xf32>
        tpu.vector_store %arg10[%swap3A_282, %swap3A_283], %swap3A_286 {add = true, strides = array<i32>} : memref<200x64xf32, #tpu.memory_space<vmem>>, vector<1x16xf32>,
        %add3A_287 = arith.constant 1 : i32
        %add3A_288 = arith.addi %add3A_233, %add3A_287 : i32
        %get3A_289 = arith.index_cast %add3A_288 : i32 to index
        %get3A_290 = arith.constant 16 : index
        %get3A_291 = tpu.vector_load %arg7[%get3A_289, %get3A_290] {strides = array<i32>} : memref<200x64xf32, #tpu.memory_space<vmem>>, vector<1x16xf32>,
        %get3A_292 = vector.shape_cast %get3A_291 : vector<1x16xf32> to vector<16xf32>
        %swap3A_293 = arith.index_cast %add3A_288 : i32 to index
        %swap3A_294 = arith.constant 16 : index
        %swap3A_295 = tpu.vector_load %arg10[%swap3A_293, %swap3A_294] {strides = array<i32>} : memref<200x64xf32, #tpu.memory_space<vmem>>, vector<1x16xf32>,
        %swap3A_296 = vector.shape_cast %swap3A_295 : vector<1x16xf32> to vector<16xf32>
        %swap3A_297 = vector.shape_cast %get3A_292 : vector<16xf32> to vector<1x16xf32>
        tpu.vector_store %arg10[%swap3A_293, %swap3A_294], %swap3A_297 {add = true, strides = array<i32>} : memref<200x64xf32, #tpu.memory_space<vmem>>, vector<1x16xf32>,
        %add3A_298 = arith.constant 1 : i32
        %add3A_299 = arith.addi %add3A_233, %add3A_298 : i32
        %get3A_300 = arith.index_cast %add3A_299 : i32 to index
        %get3A_301 = arith.constant 32 : index
        %get3A_302 = tpu.vector_load %arg7[%get3A_300, %get3A_301] {strides = array<i32>} : memref<200x64xf32, #tpu.memory_space<vmem>>, vector<1x16xf32>,
        %get3A_303 = vector.shape_cast %get3A_302 : vector<1x16xf32> to vector<16xf32>
        %swap3A_304 = arith.index_cast %add3A_299 : i32 to index
        %swap3A_305 = arith.constant 32 : index
        %swap3A_306 = tpu.vector_load %arg10[%swap3A_304, %swap3A_305] {strides = array<i32>} : memref<200x64xf32, #tpu.memory_space<vmem>>, vector<1x16xf32>,
        %swap3A_307 = vector.shape_cast %swap3A_306 : vector<1x16xf32> to vector<16xf32>
        %swap3A_308 = vector.shape_cast %get3A_303 : vector<16xf32> to vector<1x16xf32>
        tpu.vector_store %arg10[%swap3A_304, %swap3A_305], %swap3A_308 {add = true, strides = array<i32>} : memref<200x64xf32, #tpu.memory_space<vmem>>, vector<1x16xf32>,
        %add3A_309 = arith.constant 1 : i32
        %add3A_310 = arith.addi %add3A_233, %add3A_309 : i32
        %get3A_311 = arith.index_cast %add3A_310 : i32 to index
        %get3A_312 = arith.constant 48 : index
        %get3A_313 = tpu.vector_load %arg7[%get3A_311, %get3A_312] {strides = array<i32>} : memref<200x64xf32, #tpu.memory_space<vmem>>, vector<1x16xf32>,
        %get3A_314 = vector.shape_cast %get3A_313 : vector<1x16xf32> to vector<16xf32>
        %swap3A_315 = arith.index_cast %add3A_310 : i32 to index
        %swap3A_316 = arith.constant 48 : index
        %swap3A_317 = tpu.vector_load %arg10[%swap3A_315, %swap3A_316] {strides = array<i32>} : memref<200x64xf32, #tpu.memory_space<vmem>>, vector<1x16xf32>,
        %swap3A_318 = vector.shape_cast %swap3A_317 : vector<1x16xf32> to vector<16xf32>
        %swap3A_319 = vector.shape_cast %get3A_314 : vector<16xf32> to vector<1x16xf32>
        tpu.vector_store %arg10[%swap3A_315, %swap3A_316], %swap3A_319 {add = true, strides = array<i32>} : memref<200x64xf32, #tpu.memory_space<vmem>>, vector<1x16xf32>,
        %add3A_320 = arith.constant 2 : i32
        %add3A_321 = arith.addi %add3A_233, %add3A_320 : i32
        %get3A_322 = arith.index_cast %add3A_321 : i32 to index
        %get3A_323 = arith.constant 0 : index
        %get3A_324 = tpu.vector_load %arg7[%get3A_322, %get3A_323] {strides = array<i32>} : memref<200x64xf32, #tpu.memory_space<vmem>>, vector<1x16xf32>,
        %get3A_325 = vector.shape_cast %get3A_324 : vector<1x16xf32> to vector<16xf32>
        %swap3A_326 = arith.index_cast %add3A_321 : i32 to index
        %swap3A_327 = arith.constant 0 : index
        %swap3A_328 = tpu.vector_load %arg10[%swap3A_326, %swap3A_327] {strides = array<i32>} : memref<200x64xf32, #tpu.memory_space<vmem>>, vector<1x16xf32>,
        %swap3A_329 = vector.shape_cast %swap3A_328 : vector<1x16xf32> to vector<16xf32>
        %swap3A_330 = vector.shape_cast %get3A_325 : vector<16xf32> to vector<1x16xf32>
        tpu.vector_store %arg10[%swap3A_326, %swap3A_327], %swap3A_330 {add = true, strides = array<i32>} : memref<200x64xf32, #tpu.memory_space<vmem>>, vector<1x16xf32>,
        %add3A_331 = arith.constant 2 : i32
        %add3A_332 = arith.addi %add3A_233, %add3A_331 : i32
        %get3A_333 = arith.index_cast %add3A_332 : i32 to index
        %get3A_334 = arith.constant 16 : index
        %get3A_335 = tpu.vector_load %arg7[%get3A_333, %get3A_334] {strides = array<i32>} : memref<200x64xf32, #tpu.memory_space<vmem>>, vector<1x16xf32>,
        %get3A_336 = vector.shape_cast %get3A_335 : vector<1x16xf32> to vector<16xf32>
        %swap3A_337 = arith.index_cast %add3A_332 : i32 to index
        %swap3A_338 = arith.constant 16 : index
        %swap3A_339 = tpu.vector_load %arg10[%swap3A_337, %swap3A_338] {strides = array<i32>} : memref<200x64xf32, #tpu.memory_space<vmem>>, vector<1x16xf32>,
        %swap3A_340 = vector.shape_cast %swap3A_339 : vector<1x16xf32> to vector<16xf32>
        %swap3A_341 = vector.shape_cast %get3A_336 : vector<16xf32> to vector<1x16xf32>
        tpu.vector_store %arg10[%swap3A_337, %swap3A_338], %swap3A_341 {add = true, strides = array<i32>} : memref<200x64xf32, #tpu.memory_space<vmem>>, vector<1x16xf32>,
        %add3A_342 = arith.constant 2 : i32
        %add3A_343 = arith.addi %add3A_233, %add3A_342 : i32
        %get3A_344 = arith.index_cast %add3A_343 : i32 to index
        %get3A_345 = arith.constant 32 : index
        %get3A_346 = tpu.vector_load %arg7[%get3A_344, %get3A_345] {strides = array<i32>} : memref<200x64xf32, #tpu.memory_space<vmem>>, vector<1x16xf32>,
        %get3A_347 = vector.shape_cast %get3A_346 : vector<1x16xf32> to vector<16xf32>
        %swap3A_348 = arith.index_cast %add3A_343 : i32 to index
        %swap3A_349 = arith.constant 32 : index
        %swap3A_350 = tpu.vector_load %arg10[%swap3A_348, %swap3A_349] {strides = array<i32>} : memref<200x64xf32, #tpu.memory_space<vmem>>, vector<1x16xf32>,
        %swap3A_351 = vector.shape_cast %swap3A_350 : vector<1x16xf32> to vector<16xf32>
        %swap3A_352 = vector.shape_cast %get3A_347 : vector<16xf32> to vector<1x16xf32>
        tpu.vector_store %arg10[%swap3A_348, %swap3A_349], %swap3A_352 {add = true, strides = array<i32>} : memref<200x64xf32, #tpu.memory_space<vmem>>, vector<1x16xf32>,
        %add3A_353 = arith.constant 2 : i32
        %add3A_354 = arith.addi %add3A_233, %add3A_353 : i32
        %get3A_355 = arith.index_cast %add3A_354 : i32 to index
        %get3A_356 = arith.constant 48 : index
        %get3A_357 = tpu.vector_load %arg7[%get3A_355, %get3A_356] {strides = array<i32>} : memref<200x64xf32, #tpu.memory_space<vmem>>, vector<1x16xf32>,
        %get3A_358 = vector.shape_cast %get3A_357 : vector<1x16xf32> to vector<16xf32>
        %swap3A_359 = arith.index_cast %add3A_354 : i32 to index
        %swap3A_360 = arith.constant 48 : index
        %swap3A_361 = tpu.vector_load %arg10[%swap3A_359, %swap3A_360] {strides = array<i32>} : memref<200x64xf32, #tpu.memory_space<vmem>>, vector<1x16xf32>,
        %swap3A_362 = vector.shape_cast %swap3A_361 : vector<1x16xf32> to vector<16xf32>
        %swap3A_363 = vector.shape_cast %get3A_358 : vector<16xf32> to vector<1x16xf32>
        tpu.vector_store %arg10[%swap3A_359, %swap3A_360], %swap3A_363 {add = true, strides = array<i32>} : memref<200x64xf32, #tpu.memory_space<vmem>>, vector<1x16xf32>,
        %add3A_364 = arith.constant 3 : i32
        %add3A_365 = arith.addi %add3A_233, %add3A_364 : i32
        %get3A_366 = arith.index_cast %add3A_365 : i32 to index
        %get3A_367 = arith.constant 0 : index
        %get3A_368 = tpu.vector_load %arg7[%get3A_366, %get3A_367] {strides = array<i32>} : memref<200x64xf32, #tpu.memory_space<vmem>>, vector<1x16xf32>,
        %get3A_369 = vector.shape_cast %get3A_368 : vector<1x16xf32> to vector<16xf32>
        %swap3A_370 = arith.index_cast %add3A_365 : i32 to index
        %swap3A_371 = arith.constant 0 : index
        %swap3A_372 = tpu.vector_load %arg10[%swap3A_370, %swap3A_371] {strides = array<i32>} : memref<200x64xf32, #tpu.memory_space<vmem>>, vector<1x16xf32>,
        %swap3A_373 = vector.shape_cast %swap3A_372 : vector<1x16xf32> to vector<16xf32>
        %swap3A_374 = vector.shape_cast %get3A_369 : vector<16xf32> to vector<1x16xf32>
        tpu.vector_store %arg10[%swap3A_370, %swap3A_371], %swap3A_374 {add = true, strides = array<i32>} : memref<200x64xf32, #tpu.memory_space<vmem>>, vector<1x16xf32>,
        %add3A_375 = arith.constant 3 : i32
        %add3A_376 = arith.addi %add3A_233, %add3A_375 : i32
        %get3A_377 = arith.index_cast %add3A_376 : i32 to index
        %get3A_378 = arith.constant 16 : index
        %get3A_379 = tpu.vector_load %arg7[%get3A_377, %get3A_378] {strides = array<i32>} : memref<200x64xf32, #tpu.memory_space<vmem>>, vector<1x16xf32>,
        %get3A_380 = vector.shape_cast %get3A_379 : vector<1x16xf32> to vector<16xf32>
        %swap3A_381 = arith.index_cast %add3A_376 : i32 to index
        %swap3A_382 = arith.constant 16 : index
        %swap3A_383 = tpu.vector_load %arg10[%swap3A_381, %swap3A_382] {strides = array<i32>} : memref<200x64xf32, #tpu.memory_space<vmem>>, vector<1x16xf32>,
        %swap3A_384 = vector.shape_cast %swap3A_383 : vector<1x16xf32> to vector<16xf32>
        %swap3A_385 = vector.shape_cast %get3A_380 : vector<16xf32> to vector<1x16xf32>
        tpu.vector_store %arg10[%swap3A_381, %swap3A_382], %swap3A_385 {add = true, strides = array<i32>} : memref<200x64xf32, #tpu.memory_space<vmem>>, vector<1x16xf32>,
        %add3A_386 = arith.constant 3 : i32
        %add3A_387 = arith.addi %add3A_233, %add3A_386 : i32
        %get3A_388 = arith.index_cast %add3A_387 : i32 to index
        %get3A_389 = arith.constant 32 : index
        %get3A_390 = tpu.vector_load %arg7[%get3A_388, %get3A_389] {strides = array<i32>} : memref<200x64xf32, #tpu.memory_space<vmem>>, vector<1x16xf32>,
        %get3A_391 = vector.shape_cast %get3A_390 : vector<1x16xf32> to vector<16xf32>
        %swap3A_392 = arith.index_cast %add3A_387 : i32 to index
        %swap3A_393 = arith.constant 32 : index
        %swap3A_394 = tpu.vector_load %arg10[%swap3A_392, %swap3A_393] {strides = array<i32>} : memref<200x64xf32, #tpu.memory_space<vmem>>, vector<1x16xf32>,
        %swap3A_395 = vector.shape_cast %swap3A_394 : vector<1x16xf32> to vector<16xf32>
        %swap3A_396 = vector.shape_cast %get3A_391 : vector<16xf32> to vector<1x16xf32>
        tpu.vector_store %arg10[%swap3A_392, %swap3A_393], %swap3A_396 {add = true, strides = array<i32>} : memref<200x64xf32, #tpu.memory_space<vmem>>, vector<1x16xf32>,
        %add3A_397 = arith.constant 3 : i32
        %add3A_398 = arith.addi %add3A_233, %add3A_397 : i32
        %get3A_399 = arith.index_cast %add3A_398 : i32 to index
        %get3A_400 = arith.constant 48 : index
        %get3A_401 = tpu.vector_load %arg7[%get3A_399, %get3A_400] {strides = array<i32>} : memref<200x64xf32, #tpu.memory_space<vmem>>, vector<1x16xf32>,
        %get3A_402 = vector.shape_cast %get3A_401 : vector<1x16xf32> to vector<16xf32>
        %swap3A_403 = arith.index_cast %add3A_398 : i32 to index
        %swap3A_404 = arith.constant 48 : index
        %swap3A_405 = tpu.vector_load %arg10[%swap3A_403, %swap3A_404] {strides = array<i32>} : memref<200x64xf32, #tpu.memory_space<vmem>>, vector<1x16xf32>,
        %swap3A_406 = vector.shape_cast %swap3A_405 : vector<1x16xf32> to vector<16xf32>
        %swap3A_407 = vector.shape_cast %get3A_402 : vector<16xf32> to vector<1x16xf32>
        tpu.vector_store %arg10[%swap3A_403, %swap3A_404], %swap3A_407 {add = true, strides = array<i32>} : memref<200x64xf32, #tpu.memory_space<vmem>>, vector<1x16xf32>,
        %add3A_408 = arith.constant 4 : i32
        %add3A_409 = arith.addi %add3A_233, %add3A_408 : i32
        %get3A_410 = arith.index_cast %add3A_409 : i32 to index
        %get3A_411 = arith.constant 0 : index
        %get3A_412 = tpu.vector_load %arg7[%get3A_410, %get3A_411] {strides = array<i32>} : memref<200x64xf32, #tpu.memory_space<vmem>>, vector<1x16xf32>,
        %get3A_413 = vector.shape_cast %get3A_412 : vector<1x16xf32> to vector<16xf32>
        %swap3A_414 = arith.index_cast %add3A_409 : i32 to index
        %swap3A_415 = arith.constant 0 : index
        %swap3A_416 = tpu.vector_load %arg10[%swap3A_414, %swap3A_415] {strides = array<i32>} : memref<200x64xf32, #tpu.memory_space<vmem>>, vector<1x16xf32>,
        %swap3A_417 = vector.shape_cast %swap3A_416 : vector<1x16xf32> to vector<16xf32>
        %swap3A_418 = vector.shape_cast %get3A_413 : vector<16xf32> to vector<1x16xf32>
        tpu.vector_store %arg10[%swap3A_414, %swap3A_415], %swap3A_418 {add = true, strides = array<i32>} : memref<200x64xf32, #tpu.memory_space<vmem>>, vector<1x16xf32>,
        %add3A_419 = arith.constant 4 : i32
        %add3A_420 = arith.addi %add3A_233, %add3A_419 : i32
        %get3A_421 = arith.index_cast %add3A_420 : i32 to index
        %get3A_422 = arith.constant 16 : index
        %get3A_423 = tpu.vector_load %arg7[%get3A_421, %get3A_422] {strides = array<i32>} : memref<200x64xf32, #tpu.memory_space<vmem>>, vector<1x16xf32>,
        %get3A_424 = vector.shape_cast %get3A_423 : vector<1x16xf32> to vector<16xf32>
        %swap3A_425 = arith.index_cast %add3A_420 : i32 to index
        %swap3A_426 = arith.constant 16 : index
        %swap3A_427 = tpu.vector_load %arg10[%swap3A_425, %swap3A_426] {strides = array<i32>} : memref<200x64xf32, #tpu.memory_space<vmem>>, vector<1x16xf32>,
        %swap3A_428 = vector.shape_cast %swap3A_427 : vector<1x16xf32> to vector<16xf32>
        %swap3A_429 = vector.shape_cast %get3A_424 : vector<16xf32> to vector<1x16xf32>
        tpu.vector_store %arg10[%swap3A_425, %swap3A_426], %swap3A_429 {add = true, strides = array<i32>} : memref<200x64xf32, #tpu.memory_space<vmem>>, vector<1x16xf32>,
        %add3A_430 = arith.constant 4 : i32
        %add3A_431 = arith.addi %add3A_233, %add3A_430 : i32
        %get3A_432 = arith.index_cast %add3A_431 : i32 to index
        %get3A_433 = arith.constant 32 : index
        %get3A_434 = tpu.vector_load %arg7[%get3A_432, %get3A_433] {strides = array<i32>} : memref<200x64xf32, #tpu.memory_space<vmem>>, vector<1x16xf32>,
        %get3A_435 = vector.shape_cast %get3A_434 : vector<1x16xf32> to vector<16xf32>
        %swap3A_436 = arith.index_cast %add3A_431 : i32 to index
        %swap3A_437 = arith.constant 32 : index
        %swap3A_438 = tpu.vector_load %arg10[%swap3A_436, %swap3A_437] {strides = array<i32>} : memref<200x64xf32, #tpu.memory_space<vmem>>, vector<1x16xf32>,
        %swap3A_439 = vector.shape_cast %swap3A_438 : vector<1x16xf32> to vector<16xf32>
        %swap3A_440 = vector.shape_cast %get3A_435 : vector<16xf32> to vector<1x16xf32>
        tpu.vector_store %arg10[%swap3A_436, %swap3A_437], %swap3A_440 {add = true, strides = array<i32>} : memref<200x64xf32, #tpu.memory_space<vmem>>, vector<1x16xf32>,
        %add3A_441 = arith.constant 4 : i32
        %add3A_442 = arith.addi %add3A_233, %add3A_441 : i32
        %get3A_443 = arith.index_cast %add3A_442 : i32 to index
        %get3A_444 = arith.constant 48 : index
        %get3A_445 = tpu.vector_load %arg7[%get3A_443, %get3A_444] {strides = array<i32>} : memref<200x64xf32, #tpu.memory_space<vmem>>, vector<1x16xf32>,
        %get3A_446 = vector.shape_cast %get3A_445 : vector<1x16xf32> to vector<16xf32>
        %swap3A_447 = arith.index_cast %add3A_442 : i32 to index
        %swap3A_448 = arith.constant 48 : index
        %swap3A_449 = tpu.vector_load %arg10[%swap3A_447, %swap3A_448] {strides = array<i32>} : memref<200x64xf32, #tpu.memory_space<vmem>>, vector<1x16xf32>,
        %swap3A_450 = vector.shape_cast %swap3A_449 : vector<1x16xf32> to vector<16xf32>
        %swap3A_451 = vector.shape_cast %get3A_446 : vector<16xf32> to vector<1x16xf32>
        tpu.vector_store %arg10[%swap3A_447, %swap3A_448], %swap3A_451 {add = true, strides = array<i32>} : memref<200x64xf32, #tpu.memory_space<vmem>>, vector<1x16xf32>,
        %add3A_452 = arith.constant 5 : i32
        %add3A_453 = arith.addi %add3A_233, %add3A_452 : i32
        %get3A_454 = arith.index_cast %add3A_453 : i32 to index
        %get3A_455 = arith.constant 0 : index
        %get3A_456 = tpu.vector_load %arg7[%get3A_454, %get3A_455] {strides = array<i32>} : memref<200x64xf32, #tpu.memory_space<vmem>>, vector<1x16xf32>,
        %get3A_457 = vector.shape_cast %get3A_456 : vector<1x16xf32> to vector<16xf32>
        %swap3A_458 = arith.index_cast %add3A_453 : i32 to index
        %swap3A_459 = arith.constant 0 : index
        %swap3A_460 = tpu.vector_load %arg10[%swap3A_458, %swap3A_459] {strides = array<i32>} : memref<200x64xf32, #tpu.memory_space<vmem>>, vector<1x16xf32>,
        %swap3A_461 = vector.shape_cast %swap3A_460 : vector<1x16xf32> to vector<16xf32>
        %swap3A_462 = vector.shape_cast %get3A_457 : vector<16xf32> to vector<1x16xf32>
        tpu.vector_store %arg10[%swap3A_458, %swap3A_459], %swap3A_462 {add = true, strides = array<i32>} : memref<200x64xf32, #tpu.memory_space<vmem>>, vector<1x16xf32>,
        %add3A_463 = arith.constant 5 : i32
        %add3A_464 = arith.addi %add3A_233, %add3A_463 : i32
        %get3A_465 = arith.index_cast %add3A_464 : i32 to index
        %get3A_466 = arith.constant 16 : index
        %get3A_467 = tpu.vector_load %arg7[%get3A_465, %get3A_466] {strides = array<i32>} : memref<200x64xf32, #tpu.memory_space<vmem>>, vector<1x16xf32>,
        %get3A_468 = vector.shape_cast %get3A_467 : vector<1x16xf32> to vector<16xf32>
        %swap3A_469 = arith.index_cast %add3A_464 : i32 to index
        %swap3A_470 = arith.constant 16 : index
        %swap3A_471 = tpu.vector_load %arg10[%swap3A_469, %swap3A_470] {strides = array<i32>} : memref<200x64xf32, #tpu.memory_space<vmem>>, vector<1x16xf32>,
        %swap3A_472 = vector.shape_cast %swap3A_471 : vector<1x16xf32> to vector<16xf32>
        %swap3A_473 = vector.shape_cast %get3A_468 : vector<16xf32> to vector<1x16xf32>
        tpu.vector_store %arg10[%swap3A_469, %swap3A_470], %swap3A_473 {add = true, strides = array<i32>} : memref<200x64xf32, #tpu.memory_space<vmem>>, vector<1x16xf32>,
        %add3A_474 = arith.constant 5 : i32
        %add3A_475 = arith.addi %add3A_233, %add3A_474 : i32
        %get3A_476 = arith.index_cast %add3A_475 : i32 to index
        %get3A_477 = arith.constant 32 : index
        %get3A_478 = tpu.vector_load %arg7[%get3A_476, %get3A_477] {strides = array<i32>} : memref<200x64xf32, #tpu.memory_space<vmem>>, vector<1x16xf32>,
        %get3A_479 = vector.shape_cast %get3A_478 : vector<1x16xf32> to vector<16xf32>
        %swap3A_480 = arith.index_cast %add3A_475 : i32 to index
        %swap3A_481 = arith.constant 32 : index
        %swap3A_482 = tpu.vector_load %arg10[%swap3A_480, %swap3A_481] {strides = array<i32>} : memref<200x64xf32, #tpu.memory_space<vmem>>, vector<1x16xf32>,
        %swap3A_483 = vector.shape_cast %swap3A_482 : vector<1x16xf32> to vector<16xf32>
        %swap3A_484 = vector.shape_cast %get3A_479 : vector<16xf32> to vector<1x16xf32>
        tpu.vector_store %arg10[%swap3A_480, %swap3A_481], %swap3A_484 {add = true, strides = array<i32>} : memref<200x64xf32, #tpu.memory_space<vmem>>, vector<1x16xf32>,
        %add3A_485 = arith.constant 5 : i32
        %add3A_486 = arith.addi %add3A_233, %add3A_485 : i32
        %get3A_487 = arith.index_cast %add3A_486 : i32 to index
        %get3A_488 = arith.constant 48 : index
        %get3A_489 = tpu.vector_load %arg7[%get3A_487, %get3A_488] {strides = array<i32>} : memref<200x64xf32, #tpu.memory_space<vmem>>, vector<1x16xf32>,
        %get3A_490 = vector.shape_cast %get3A_489 : vector<1x16xf32> to vector<16xf32>
        %swap3A_491 = arith.index_cast %add3A_486 : i32 to index
        %swap3A_492 = arith.constant 48 : index
        %swap3A_493 = tpu.vector_load %arg10[%swap3A_491, %swap3A_492] {strides = array<i32>} : memref<200x64xf32, #tpu.memory_space<vmem>>, vector<1x16xf32>,
        %swap3A_494 = vector.shape_cast %swap3A_493 : vector<1x16xf32> to vector<16xf32>
        %swap3A_495 = vector.shape_cast %get3A_490 : vector<16xf32> to vector<1x16xf32>
        tpu.vector_store %arg10[%swap3A_491, %swap3A_492], %swap3A_495 {add = true, strides = array<i32>} : memref<200x64xf32, #tpu.memory_space<vmem>>, vector<1x16xf32>,
        %add3A_496 = arith.constant 6 : i32
        %add3A_497 = arith.addi %add3A_233, %add3A_496 : i32
        %get3A_498 = arith.index_cast %add3A_497 : i32 to index
        %get3A_499 = arith.constant 0 : index
        %get3A_500 = tpu.vector_load %arg7[%get3A_498, %get3A_499] {strides = array<i32>} : memref<200x64xf32, #tpu.memory_space<vmem>>, vector<1x16xf32>,
        %get3A_501 = vector.shape_cast %get3A_500 : vector<1x16xf32> to vector<16xf32>
        %swap3A_502 = arith.index_cast %add3A_497 : i32 to index
        %swap3A_503 = arith.constant 0 : index
        %swap3A_504 = tpu.vector_load %arg10[%swap3A_502, %swap3A_503] {strides = array<i32>} : memref<200x64xf32, #tpu.memory_space<vmem>>, vector<1x16xf32>,
        %swap3A_505 = vector.shape_cast %swap3A_504 : vector<1x16xf32> to vector<16xf32>
        %swap3A_506 = vector.shape_cast %get3A_501 : vector<16xf32> to vector<1x16xf32>
        tpu.vector_store %arg10[%swap3A_502, %swap3A_503], %swap3A_506 {add = true, strides = array<i32>} : memref<200x64xf32, #tpu.memory_space<vmem>>, vector<1x16xf32>,
        %add3A_507 = arith.constant 6 : i32
        %add3A_508 = arith.addi %add3A_233, %add3A_507 : i32
        %get3A_509 = arith.index_cast %add3A_508 : i32 to index
        %get3A_510 = arith.constant 16 : index
        %get3A_511 = tpu.vector_load %arg7[%get3A_509, %get3A_510] {strides = array<i32>} : memref<200x64xf32, #tpu.memory_space<vmem>>, vector<1x16xf32>,
        %get3A_512 = vector.shape_cast %get3A_511 : vector<1x16xf32> to vector<16xf32>
        %swap3A_513 = arith.index_cast %add3A_508 : i32 to index
        %swap3A_514 = arith.constant 16 : index
        %swap3A_515 = tpu.vector_load %arg10[%swap3A_513, %swap3A_514] {strides = array<i32>} : memref<200x64xf32, #tpu.memory_space<vmem>>, vector<1x16xf32>,
        %swap3A_516 = vector.shape_cast %swap3A_515 : vector<1x16xf32> to vector<16xf32>
        %swap3A_517 = vector.shape_cast %get3A_512 : vector<16xf32> to vector<1x16xf32>
        tpu.vector_store %arg10[%swap3A_513, %swap3A_514], %swap3A_517 {add = true, strides = array<i32>} : memref<200x64xf32, #tpu.memory_space<vmem>>, vector<1x16xf32>,
        %add3A_518 = arith.constant 6 : i32
        %add3A_519 = arith.addi %add3A_233, %add3A_518 : i32
        %get3A_520 = arith.index_cast %add3A_519 : i32 to index
        %get3A_521 = arith.constant 32 : index
        %get3A_522 = tpu.vector_load %arg7[%get3A_520, %get3A_521] {strides = array<i32>} : memref<200x64xf32, #tpu.memory_space<vmem>>, vector<1x16xf32>,
        %get3A_523 = vector.shape_cast %get3A_522 : vector<1x16xf32> to vector<16xf32>
        %swap3A_524 = arith.index_cast %add3A_519 : i32 to index
        %swap3A_525 = arith.constant 32 : index
        %swap3A_526 = tpu.vector_load %arg10[%swap3A_524, %swap3A_525] {strides = array<i32>} : memref<200x64xf32, #tpu.memory_space<vmem>>, vector<1x16xf32>,
        %swap3A_527 = vector.shape_cast %swap3A_526 : vector<1x16xf32> to vector<16xf32>
        %swap3A_528 = vector.shape_cast %get3A_523 : vector<16xf32> to vector<1x16xf32>
        tpu.vector_store %arg10[%swap3A_524, %swap3A_525], %swap3A_528 {add = true, strides = array<i32>} : memref<200x64xf32, #tpu.memory_space<vmem>>, vector<1x16xf32>,
        %add3A_529 = arith.constant 6 : i32
        %add3A_530 = arith.addi %add3A_233, %add3A_529 : i32
        %get3A_531 = arith.index_cast %add3A_530 : i32 to index
        %get3A_532 = arith.constant 48 : index
        %get3A_533 = tpu.vector_load %arg7[%get3A_531, %get3A_532] {strides = array<i32>} : memref<200x64xf32, #tpu.memory_space<vmem>>, vector<1x16xf32>,
        %get3A_534 = vector.shape_cast %get3A_533 : vector<1x16xf32> to vector<16xf32>
        %swap3A_535 = arith.index_cast %add3A_530 : i32 to index
        %swap3A_536 = arith.constant 48 : index
        %swap3A_537 = tpu.vector_load %arg10[%swap3A_535, %swap3A_536] {strides = array<i32>} : memref<200x64xf32, #tpu.memory_space<vmem>>, vector<1x16xf32>,
        %swap3A_538 = vector.shape_cast %swap3A_537 : vector<1x16xf32> to vector<16xf32>
        %swap3A_539 = vector.shape_cast %get3A_534 : vector<16xf32> to vector<1x16xf32>
        tpu.vector_store %arg10[%swap3A_535, %swap3A_536], %swap3A_539 {add = true, strides = array<i32>} : memref<200x64xf32, #tpu.memory_space<vmem>>, vector<1x16xf32>,
        %add3A_540 = arith.constant 7 : i32
        %add3A_541 = arith.addi %add3A_233, %add3A_540 : i32
        %get3A_542 = arith.index_cast %add3A_541 : i32 to index
        %get3A_543 = arith.constant 0 : index
        %get3A_544 = tpu.vector_load %arg7[%get3A_542, %get3A_543] {strides = array<i32>} : memref<200x64xf32, #tpu.memory_space<vmem>>, vector<1x16xf32>,
        %get3A_545 = vector.shape_cast %get3A_544 : vector<1x16xf32> to vector<16xf32>
        %swap3A_546 = arith.index_cast %add3A_541 : i32 to index
        %swap3A_547 = arith.constant 0 : index
        %swap3A_548 = tpu.vector_load %arg10[%swap3A_546, %swap3A_547] {strides = array<i32>} : memref<200x64xf32, #tpu.memory_space<vmem>>, vector<1x16xf32>,
        %swap3A_549 = vector.shape_cast %swap3A_548 : vector<1x16xf32> to vector<16xf32>
        %swap3A_550 = vector.shape_cast %get3A_545 : vector<16xf32> to vector<1x16xf32>
        tpu.vector_store %arg10[%swap3A_546, %swap3A_547], %swap3A_550 {add = true, strides = array<i32>} : memref<200x64xf32, #tpu.memory_space<vmem>>, vector<1x16xf32>,
        %add3A_551 = arith.constant 7 : i32
        %add3A_552 = arith.addi %add3A_233, %add3A_551 : i32
        %get3A_553 = arith.index_cast %add3A_552 : i32 to index
        %get3A_554 = arith.constant 16 : index
        %get3A_555 = tpu.vector_load %arg7[%get3A_553, %get3A_554] {strides = array<i32>} : memref<200x64xf32, #tpu.memory_space<vmem>>, vector<1x16xf32>,
        %get3A_556 = vector.shape_cast %get3A_555 : vector<1x16xf32> to vector<16xf32>
        %swap3A_557 = arith.index_cast %add3A_552 : i32 to index
        %swap3A_558 = arith.constant 16 : index
        %swap3A_559 = tpu.vector_load %arg10[%swap3A_557, %swap3A_558] {strides = array<i32>} : memref<200x64xf32, #tpu.memory_space<vmem>>, vector<1x16xf32>,
        %swap3A_560 = vector.shape_cast %swap3A_559 : vector<1x16xf32> to vector<16xf32>
        %swap3A_561 = vector.shape_cast %get3A_556 : vector<16xf32> to vector<1x16xf32>
        tpu.vector_store %arg10[%swap3A_557, %swap3A_558], %swap3A_561 {add = true, strides = array<i32>} : memref<200x64xf32, #tpu.memory_space<vmem>>, vector<1x16xf32>,
        %add3A_562 = arith.constant 7 : i32
        %add3A_563 = arith.addi %add3A_233, %add3A_562 : i32
        %get3A_564 = arith.index_cast %add3A_563 : i32 to index
        %get3A_565 = arith.constant 32 : index
        %get3A_566 = tpu.vector_load %arg7[%get3A_564, %get3A_565] {strides = array<i32>} : memref<200x64xf32, #tpu.memory_space<vmem>>, vector<1x16xf32>,
        %get3A_567 = vector.shape_cast %get3A_566 : vector<1x16xf32> to vector<16xf32>
        %swap3A_568 = arith.index_cast %add3A_563 : i32 to index
        %swap3A_569 = arith.constant 32 : index
        %swap3A_570 = tpu.vector_load %arg10[%swap3A_568, %swap3A_569] {strides = array<i32>} : memref<200x64xf32, #tpu.memory_space<vmem>>, vector<1x16xf32>,
        %swap3A_571 = vector.shape_cast %swap3A_570 : vector<1x16xf32> to vector<16xf32>
        %swap3A_572 = vector.shape_cast %get3A_567 : vector<16xf32> to vector<1x16xf32>
        tpu.vector_store %arg10[%swap3A_568, %swap3A_569], %swap3A_572 {add = true, strides = array<i32>} : memref<200x64xf32, #tpu.memory_space<vmem>>, vector<1x16xf32>,
        %add3A_573 = arith.constant 7 : i32
        %add3A_574 = arith.addi %add3A_233, %add3A_573 : i32
        %get3A_575 = arith.index_cast %add3A_574 : i32 to index
        %get3A_576 = arith.constant 48 : index
        %get3A_577 = tpu.vector_load %arg7[%get3A_575, %get3A_576] {strides = array<i32>} : memref<200x64xf32, #tpu.memory_space<vmem>>, vector<1x16xf32>,
        %get3A_578 = vector.shape_cast %get3A_577 : vector<1x16xf32> to vector<16xf32>
        %swap3A_579 = arith.index_cast %add3A_574 : i32 to index
        %swap3A_580 = arith.constant 48 : index
        %swap3A_581 = tpu.vector_load %arg10[%swap3A_579, %swap3A_580] {strides = array<i32>} : memref<200x64xf32, #tpu.memory_space<vmem>>, vector<1x16xf32>,
        %swap3A_582 = vector.shape_cast %swap3A_581 : vector<1x16xf32> to vector<16xf32>
        %swap3A_583 = vector.shape_cast %get3A_578 : vector<16xf32> to vector<1x16xf32>
        tpu.vector_store %arg10[%swap3A_579, %swap3A_580], %swap3A_583 {add = true, strides = array<i32>} : memref<200x64xf32, #tpu.memory_space<vmem>>, vector<1x16xf32>,
      }
      %scan3A_191 = arith.constant 25 : i32
      %add3A_192 = arith.addi %mul3A_2, %add3A_170 : i32
      %mul3A_193 = arith.constant 200 : i32
      %mul3A_194 = arith.muli %add3A_192, %mul3A_193 : i32
      %dma_start3A_195 = arith.constant 0 : i32
      %dma_start3A_196 = tpu.memref_slice %arg5[%mul3A_194, %dma_start3A_195] : memref<819200x64xf32, #tpu.memory_space<hbm>> -> memref<200x64xf32, #tpu.memory_space<hbm>>
      %dma_start3A_197 = arith.constant 0 : i32
      %dma_start3A_198 = tpu.memref_slice %arg5[%mul3A_194, %dma_start3A_197] : memref<819200x64xf32, #tpu.memory_space<hbm>> -> memref<200x64xf32, #tpu.memory_space<hbm>>
      tpu.enqueue_dma source(%arg10 : memref<200x64xf32, #tpu.memory_space<vmem>>) target(%dma_start3A_198 : memref<200x64xf32, #tpu.memory_space<hbm>>) target_semaphore(%arg18 : memref<!tpu.dma_semaphore, #tpu.memory_space<semaphore_mem>>)
      %add3A_199 = arith.constant 3 : i32
      %add3A_200 = arith.addi %add3A_113, %add3A_199 : i32
      %ge3A_201 = arith.constant 2 : i32
      %ge3A_202 = arith.cmpi sge, %add3A_200, %ge3A_201 : i32
      %add3A_203 = arith.constant 2 : i32
      %add3A_204 = arith.addi %add3A_200, %add3A_203 : i32
      %lt3A_205 = arith.constant 128 : i32
      %lt3A_206 = arith.cmpi slt, %add3A_204, %lt3A_205 : i32
      %and3A_207 = arith.andi %ge3A_202, %lt3A_206 : i1
      %convert_element_type3A_208 = arith.extui %and3A_207 : i1 to i32
      %cond3A_209 = arith.constant 0 : i32
      %cond3A_210 = arith.cmpi ne, %convert_element_type3A_208, %cond3A_209 : i32
      scf.if %cond3A_210 {
        %dma_wait3A_229 = arith.constant 0 : i32
        %dma_wait3A_230 = arith.constant 0 : i32
        %dma_wait3A_231 = tpu.memref_slice %arg5[%dma_wait3A_229, %dma_wait3A_230] : memref<819200x64xf32, #tpu.memory_space<hbm>> -> memref<200x64xf32, #tpu.memory_space<hbm>>
        %dma_wait3A_232 = arith.constant 0 : i32
        %dma_wait3A_233 = arith.constant 0 : i32
        %dma_wait3A_234 = tpu.memref_slice %arg5[%dma_wait3A_232, %dma_wait3A_233] : memref<819200x64xf32, #tpu.memory_space<hbm>> -> memref<200x64xf32, #tpu.memory_space<hbm>>
        tpu.wait_dma2 semaphore(%arg17 : memref<!tpu.dma_semaphore, #tpu.memory_space<semaphore_mem>>) src(%arg9 : memref<200x64xf32, #tpu.memory_space<vmem>>) dst(%dma_wait3A_234 : memref<200x64xf32, #tpu.memory_space<hbm>>)
        %add3A_235 = arith.constant 2 : i32
        %add3A_236 = arith.addi %add3A_200, %add3A_235 : i32
        %dma_start3A_237 = arith.constant 0 : i32
        %dma_start3A_238 = arith.constant 0 : i32
        %dma_start3A_239 = tpu.memref_slice %arg9[%dma_start3A_237, %dma_start3A_238] : memref<200x64xf32, #tpu.memory_space<vmem>> -> memref<128x64xf32, #tpu.memory_space<vmem>>
        %dma_start3A_240 = arith.constant 0 : i32
        %dma_start3A_241 = tpu.memref_slice %arg6[%add3A_236, %dma_start3A_240] : memref<128x200xi32, #tpu.memory_space<vmem>> -> memref<1x128xi32, #tpu.memory_space<vmem>>
        %dma_start3A_242 = tpu.memref_squeeze %dma_start3A_241 : memref<1x128xi32, #tpu.memory_space<vmem>> -> memref<128xi32, #tpu.memory_space<vmem>>
        %dma_start3A_243 = arith.constant 0 : i32
        %dma_start3A_244 = arith.constant 0 : i32
        %dma_start3A_245 = tpu.memref_slice %arg3[%dma_start3A_243, %dma_start3A_244] : memref<1000000x64xf32, #tpu.memory_space<hbm>> -> memref<1000000x64xf32, #tpu.memory_space<hbm>>
        tpu.enqueue_indirect_dma source(%dma_start3A_245 : memref<1000000x64xf32, #tpu.memory_space<hbm>>) target(%dma_start3A_239 : memref<128x64xf32, #tpu.memory_space<vmem>>) offsets(%dma_start3A_242 : memref<128xi32, #tpu.memory_space<vmem>>) semaphore(%arg13 : memref<!tpu.dma_semaphore, #tpu.memory_space<semaphore_mem>>)
        %dma_start3A_246 = arith.constant 128 : i32
        %dma_start3A_247 = arith.constant 0 : i32
        %dma_start3A_248 = tpu.memref_slice %arg9[%dma_start3A_246, %dma_start3A_247] : memref<200x64xf32, #tpu.memory_space<vmem>> -> memref<72x64xf32, #tpu.memory_space<vmem>>
        %dma_start3A_249 = arith.constant 128 : i32
        %dma_start3A_250 = tpu.memref_slice %arg6[%add3A_236, %dma_start3A_249] : memref<128x200xi32, #tpu.memory_space<vmem>> -> memref<1x72xi32, #tpu.memory_space<vmem>>
        %dma_start3A_251 = tpu.memref_squeeze %dma_start3A_250 : memref<1x72xi32, #tpu.memory_space<vmem>> -> memref<72xi32, #tpu.memory_space<vmem>>
        %dma_start3A_252 = arith.constant 0 : i32
        %dma_start3A_253 = arith.constant 0 : i32
        %dma_start3A_254 = tpu.memref_slice %arg3[%dma_start3A_252, %dma_start3A_253] : memref<1000000x64xf32, #tpu.memory_space<hbm>> -> memref<1000000x64xf32, #tpu.memory_space<hbm>>
        tpu.enqueue_indirect_dma source(%dma_start3A_254 : memref<1000000x64xf32, #tpu.memory_space<hbm>>) target(%dma_start3A_248 : memref<72x64xf32, #tpu.memory_space<vmem>>) offsets(%dma_start3A_251 : memref<72xi32, #tpu.memory_space<vmem>>) semaphore(%arg13 : memref<!tpu.dma_semaphore, #tpu.memory_space<semaphore_mem>>)
      } else {
      }
      %dma_wait3A_211 = arith.constant 0 : i32
      %dma_wait3A_212 = arith.constant 0 : i32
      %dma_wait3A_213 = tpu.memref_slice %arg3[%dma_wait3A_211, %dma_wait3A_212] : memref<1000000x64xf32, #tpu.memory_space<hbm>> -> memref<200x64xf32, #tpu.memory_space<hbm>>
      %dma_wait3A_214 = arith.constant 0 : i32
      %dma_wait3A_215 = arith.constant 0 : i32
      %dma_wait3A_216 = tpu.memref_slice %arg3[%dma_wait3A_214, %dma_wait3A_215] : memref<1000000x64xf32, #tpu.memory_space<hbm>> -> memref<200x64xf32, #tpu.memory_space<hbm>>
      tpu.wait_dma2 semaphore(%arg15 : memref<!tpu.dma_semaphore, #tpu.memory_space<semaphore_mem>>) src(%dma_wait3A_216 : memref<200x64xf32, #tpu.memory_space<hbm>>) dst(%arg11 : memref<200x64xf32, #tpu.memory_space<vmem>>)
      %scan3A_217 = arith.constant 0 : i32
      %scan3A_218 = arith.constant 25 : i32
      %scan3A_219 = arith.addi %scan3A_217, %scan3A_218 : i32
      %scan3A_220 = arith.constant 1 : i32
      scf.for %scan3A_229 = %scan3A_217 to %scan3A_219 step %scan3A_220  : i32 {
        %mul3A_230 = arith.constant 8 : i32
        %mul3A_231 = arith.muli %scan3A_229, %mul3A_230 : i32
        %add3A_232 = arith.constant 0 : i32
        %add3A_233 = arith.addi %add3A_232, %mul3A_231 : i32
        %add3A_234 = arith.constant 0 : i32
        %add3A_235 = arith.addi %add3A_233, %add3A_234 : i32
        %get3A = arith.index_cast %add3A_235 : i32 to index
        %get3A_236 = arith.constant 0 : index
        %get3A_237 = tpu.vector_load %arg7[%get3A, %get3A_236] {strides = array<i32>} : memref<200x64xf32, #tpu.memory_space<vmem>>, vector<1x16xf32>,
        %get3A_238 = vector.shape_cast %get3A_237 : vector<1x16xf32> to vector<16xf32>
        %swap3A = arith.index_cast %add3A_235 : i32 to index
        %swap3A_239 = arith.constant 0 : index
        %swap3A_240 = tpu.vector_load %arg11[%swap3A, %swap3A_239] {strides = array<i32>} : memref<200x64xf32, #tpu.memory_space<vmem>>, vector<1x16xf32>,
        %swap3A_241 = vector.shape_cast %swap3A_240 : vector<1x16xf32> to vector<16xf32>
        %swap3A_242 = vector.shape_cast %get3A_238 : vector<16xf32> to vector<1x16xf32>
        tpu.vector_store %arg11[%swap3A, %swap3A_239], %swap3A_242 {add = true, strides = array<i32>} : memref<200x64xf32, #tpu.memory_space<vmem>>, vector<1x16xf32>,
        %add3A_243 = arith.constant 0 : i32
        %add3A_244 = arith.addi %add3A_233, %add3A_243 : i32
        %get3A_245 = arith.index_cast %add3A_244 : i32 to index
        %get3A_246 = arith.constant 16 : index
        %get3A_247 = tpu.vector_load %arg7[%get3A_245, %get3A_246] {strides = array<i32>} : memref<200x64xf32, #tpu.memory_space<vmem>>, vector<1x16xf32>,
        %get3A_248 = vector.shape_cast %get3A_247 : vector<1x16xf32> to vector<16xf32>
        %swap3A_249 = arith.index_cast %add3A_244 : i32 to index
        %swap3A_250 = arith.constant 16 : index
        %swap3A_251 = tpu.vector_load %arg11[%swap3A_249, %swap3A_250] {strides = array<i32>} : memref<200x64xf32, #tpu.memory_space<vmem>>, vector<1x16xf32>,
        %swap3A_252 = vector.shape_cast %swap3A_251 : vector<1x16xf32> to vector<16xf32>
        %swap3A_253 = vector.shape_cast %get3A_248 : vector<16xf32> to vector<1x16xf32>
        tpu.vector_store %arg11[%swap3A_249, %swap3A_250], %swap3A_253 {add = true, strides = array<i32>} : memref<200x64xf32, #tpu.memory_space<vmem>>, vector<1x16xf32>,
        %add3A_254 = arith.constant 0 : i32
        %add3A_255 = arith.addi %add3A_233, %add3A_254 : i32
        %get3A_256 = arith.index_cast %add3A_255 : i32 to index
        %get3A_257 = arith.constant 32 : index
        %get3A_258 = tpu.vector_load %arg7[%get3A_256, %get3A_257] {strides = array<i32>} : memref<200x64xf32, #tpu.memory_space<vmem>>, vector<1x16xf32>,
        %get3A_259 = vector.shape_cast %get3A_258 : vector<1x16xf32> to vector<16xf32>
        %swap3A_260 = arith.index_cast %add3A_255 : i32 to index
        %swap3A_261 = arith.constant 32 : index
        %swap3A_262 = tpu.vector_load %arg11[%swap3A_260, %swap3A_261] {strides = array<i32>} : memref<200x64xf32, #tpu.memory_space<vmem>>, vector<1x16xf32>,
        %swap3A_263 = vector.shape_cast %swap3A_262 : vector<1x16xf32> to vector<16xf32>
        %swap3A_264 = vector.shape_cast %get3A_259 : vector<16xf32> to vector<1x16xf32>
        tpu.vector_store %arg11[%swap3A_260, %swap3A_261], %swap3A_264 {add = true, strides = array<i32>} : memref<200x64xf32, #tpu.memory_space<vmem>>, vector<1x16xf32>,
        %add3A_265 = arith.constant 0 : i32
        %add3A_266 = arith.addi %add3A_233, %add3A_265 : i32
        %get3A_267 = arith.index_cast %add3A_266 : i32 to index
        %get3A_268 = arith.constant 48 : index
        %get3A_269 = tpu.vector_load %arg7[%get3A_267, %get3A_268] {strides = array<i32>} : memref<200x64xf32, #tpu.memory_space<vmem>>, vector<1x16xf32>,
        %get3A_270 = vector.shape_cast %get3A_269 : vector<1x16xf32> to vector<16xf32>
        %swap3A_271 = arith.index_cast %add3A_266 : i32 to index
        %swap3A_272 = arith.constant 48 : index
        %swap3A_273 = tpu.vector_load %arg11[%swap3A_271, %swap3A_272] {strides = array<i32>} : memref<200x64xf32, #tpu.memory_space<vmem>>, vector<1x16xf32>,
        %swap3A_274 = vector.shape_cast %swap3A_273 : vector<1x16xf32> to vector<16xf32>
        %swap3A_275 = vector.shape_cast %get3A_270 : vector<16xf32> to vector<1x16xf32>
        tpu.vector_store %arg11[%swap3A_271, %swap3A_272], %swap3A_275 {add = true, strides = array<i32>} : memref<200x64xf32, #tpu.memory_space<vmem>>, vector<1x16xf32>,
        %add3A_276 = arith.constant 1 : i32
        %add3A_277 = arith.addi %add3A_233, %add3A_276 : i32
        %get3A_278 = arith.index_cast %add3A_277 : i32 to index
        %get3A_279 = arith.constant 0 : index
        %get3A_280 = tpu.vector_load %arg7[%get3A_278, %get3A_279] {strides = array<i32>} : memref<200x64xf32, #tpu.memory_space<vmem>>, vector<1x16xf32>,
        %get3A_281 = vector.shape_cast %get3A_280 : vector<1x16xf32> to vector<16xf32>
        %swap3A_282 = arith.index_cast %add3A_277 : i32 to index
        %swap3A_283 = arith.constant 0 : index
        %swap3A_284 = tpu.vector_load %arg11[%swap3A_282, %swap3A_283] {strides = array<i32>} : memref<200x64xf32, #tpu.memory_space<vmem>>, vector<1x16xf32>,
        %swap3A_285 = vector.shape_cast %swap3A_284 : vector<1x16xf32> to vector<16xf32>
        %swap3A_286 = vector.shape_cast %get3A_281 : vector<16xf32> to vector<1x16xf32>
        tpu.vector_store %arg11[%swap3A_282, %swap3A_283], %swap3A_286 {add = true, strides = array<i32>} : memref<200x64xf32, #tpu.memory_space<vmem>>, vector<1x16xf32>,
        %add3A_287 = arith.constant 1 : i32
        %add3A_288 = arith.addi %add3A_233, %add3A_287 : i32
        %get3A_289 = arith.index_cast %add3A_288 : i32 to index
        %get3A_290 = arith.constant 16 : index
        %get3A_291 = tpu.vector_load %arg7[%get3A_289, %get3A_290] {strides = array<i32>} : memref<200x64xf32, #tpu.memory_space<vmem>>, vector<1x16xf32>,
        %get3A_292 = vector.shape_cast %get3A_291 : vector<1x16xf32> to vector<16xf32>
        %swap3A_293 = arith.index_cast %add3A_288 : i32 to index
        %swap3A_294 = arith.constant 16 : index
        %swap3A_295 = tpu.vector_load %arg11[%swap3A_293, %swap3A_294] {strides = array<i32>} : memref<200x64xf32, #tpu.memory_space<vmem>>, vector<1x16xf32>,
        %swap3A_296 = vector.shape_cast %swap3A_295 : vector<1x16xf32> to vector<16xf32>
        %swap3A_297 = vector.shape_cast %get3A_292 : vector<16xf32> to vector<1x16xf32>
        tpu.vector_store %arg11[%swap3A_293, %swap3A_294], %swap3A_297 {add = true, strides = array<i32>} : memref<200x64xf32, #tpu.memory_space<vmem>>, vector<1x16xf32>,
        %add3A_298 = arith.constant 1 : i32
        %add3A_299 = arith.addi %add3A_233, %add3A_298 : i32
        %get3A_300 = arith.index_cast %add3A_299 : i32 to index
        %get3A_301 = arith.constant 32 : index
        %get3A_302 = tpu.vector_load %arg7[%get3A_300, %get3A_301] {strides = array<i32>} : memref<200x64xf32, #tpu.memory_space<vmem>>, vector<1x16xf32>,
        %get3A_303 = vector.shape_cast %get3A_302 : vector<1x16xf32> to vector<16xf32>
        %swap3A_304 = arith.index_cast %add3A_299 : i32 to index
        %swap3A_305 = arith.constant 32 : index
        %swap3A_306 = tpu.vector_load %arg11[%swap3A_304, %swap3A_305] {strides = array<i32>} : memref<200x64xf32, #tpu.memory_space<vmem>>, vector<1x16xf32>,
        %swap3A_307 = vector.shape_cast %swap3A_306 : vector<1x16xf32> to vector<16xf32>
        %swap3A_308 = vector.shape_cast %get3A_303 : vector<16xf32> to vector<1x16xf32>
        tpu.vector_store %arg11[%swap3A_304, %swap3A_305], %swap3A_308 {add = true, strides = array<i32>} : memref<200x64xf32, #tpu.memory_space<vmem>>, vector<1x16xf32>,
        %add3A_309 = arith.constant 1 : i32
        %add3A_310 = arith.addi %add3A_233, %add3A_309 : i32
        %get3A_311 = arith.index_cast %add3A_310 : i32 to index
        %get3A_312 = arith.constant 48 : index
        %get3A_313 = tpu.vector_load %arg7[%get3A_311, %get3A_312] {strides = array<i32>} : memref<200x64xf32, #tpu.memory_space<vmem>>, vector<1x16xf32>,
        %get3A_314 = vector.shape_cast %get3A_313 : vector<1x16xf32> to vector<16xf32>
        %swap3A_315 = arith.index_cast %add3A_310 : i32 to index
        %swap3A_316 = arith.constant 48 : index
        %swap3A_317 = tpu.vector_load %arg11[%swap3A_315, %swap3A_316] {strides = array<i32>} : memref<200x64xf32, #tpu.memory_space<vmem>>, vector<1x16xf32>,
        %swap3A_318 = vector.shape_cast %swap3A_317 : vector<1x16xf32> to vector<16xf32>
        %swap3A_319 = vector.shape_cast %get3A_314 : vector<16xf32> to vector<1x16xf32>
        tpu.vector_store %arg11[%swap3A_315, %swap3A_316], %swap3A_319 {add = true, strides = array<i32>} : memref<200x64xf32, #tpu.memory_space<vmem>>, vector<1x16xf32>,
        %add3A_320 = arith.constant 2 : i32
        %add3A_321 = arith.addi %add3A_233, %add3A_320 : i32
        %get3A_322 = arith.index_cast %add3A_321 : i32 to index
        %get3A_323 = arith.constant 0 : index
        %get3A_324 = tpu.vector_load %arg7[%get3A_322, %get3A_323] {strides = array<i32>} : memref<200x64xf32, #tpu.memory_space<vmem>>, vector<1x16xf32>,
        %get3A_325 = vector.shape_cast %get3A_324 : vector<1x16xf32> to vector<16xf32>
        %swap3A_326 = arith.index_cast %add3A_321 : i32 to index
        %swap3A_327 = arith.constant 0 : index
        %swap3A_328 = tpu.vector_load %arg11[%swap3A_326, %swap3A_327] {strides = array<i32>} : memref<200x64xf32, #tpu.memory_space<vmem>>, vector<1x16xf32>,
        %swap3A_329 = vector.shape_cast %swap3A_328 : vector<1x16xf32> to vector<16xf32>
        %swap3A_330 = vector.shape_cast %get3A_325 : vector<16xf32> to vector<1x16xf32>
        tpu.vector_store %arg11[%swap3A_326, %swap3A_327], %swap3A_330 {add = true, strides = array<i32>} : memref<200x64xf32, #tpu.memory_space<vmem>>, vector<1x16xf32>,
        %add3A_331 = arith.constant 2 : i32
        %add3A_332 = arith.addi %add3A_233, %add3A_331 : i32
        %get3A_333 = arith.index_cast %add3A_332 : i32 to index
        %get3A_334 = arith.constant 16 : index
        %get3A_335 = tpu.vector_load %arg7[%get3A_333, %get3A_334] {strides = array<i32>} : memref<200x64xf32, #tpu.memory_space<vmem>>, vector<1x16xf32>,
        %get3A_336 = vector.shape_cast %get3A_335 : vector<1x16xf32> to vector<16xf32>
        %swap3A_337 = arith.index_cast %add3A_332 : i32 to index
        %swap3A_338 = arith.constant 16 : index
        %swap3A_339 = tpu.vector_load %arg11[%swap3A_337, %swap3A_338] {strides = array<i32>} : memref<200x64xf32, #tpu.memory_space<vmem>>, vector<1x16xf32>,
        %swap3A_340 = vector.shape_cast %swap3A_339 : vector<1x16xf32> to vector<16xf32>
        %swap3A_341 = vector.shape_cast %get3A_336 : vector<16xf32> to vector<1x16xf32>
        tpu.vector_store %arg11[%swap3A_337, %swap3A_338], %swap3A_341 {add = true, strides = array<i32>} : memref<200x64xf32, #tpu.memory_space<vmem>>, vector<1x16xf32>,
        %add3A_342 = arith.constant 2 : i32
        %add3A_343 = arith.addi %add3A_233, %add3A_342 : i32
        %get3A_344 = arith.index_cast %add3A_343 : i32 to index
        %get3A_345 = arith.constant 32 : index
        %get3A_346 = tpu.vector_load %arg7[%get3A_344, %get3A_345] {strides = array<i32>} : memref<200x64xf32, #tpu.memory_space<vmem>>, vector<1x16xf32>,
        %get3A_347 = vector.shape_cast %get3A_346 : vector<1x16xf32> to vector<16xf32>
        %swap3A_348 = arith.index_cast %add3A_343 : i32 to index
        %swap3A_349 = arith.constant 32 : index
        %swap3A_350 = tpu.vector_load %arg11[%swap3A_348, %swap3A_349] {strides = array<i32>} : memref<200x64xf32, #tpu.memory_space<vmem>>, vector<1x16xf32>,
        %swap3A_351 = vector.shape_cast %swap3A_350 : vector<1x16xf32> to vector<16xf32>
        %swap3A_352 = vector.shape_cast %get3A_347 : vector<16xf32> to vector<1x16xf32>
        tpu.vector_store %arg11[%swap3A_348, %swap3A_349], %swap3A_352 {add = true, strides = array<i32>} : memref<200x64xf32, #tpu.memory_space<vmem>>, vector<1x16xf32>,
        %add3A_353 = arith.constant 2 : i32
        %add3A_354 = arith.addi %add3A_233, %add3A_353 : i32
        %get3A_355 = arith.index_cast %add3A_354 : i32 to index
        %get3A_356 = arith.constant 48 : index
        %get3A_357 = tpu.vector_load %arg7[%get3A_355, %get3A_356] {strides = array<i32>} : memref<200x64xf32, #tpu.memory_space<vmem>>, vector<1x16xf32>,
        %get3A_358 = vector.shape_cast %get3A_357 : vector<1x16xf32> to vector<16xf32>
        %swap3A_359 = arith.index_cast %add3A_354 : i32 to index
        %swap3A_360 = arith.constant 48 : index
        %swap3A_361 = tpu.vector_load %arg11[%swap3A_359, %swap3A_360] {strides = array<i32>} : memref<200x64xf32, #tpu.memory_space<vmem>>, vector<1x16xf32>,
        %swap3A_362 = vector.shape_cast %swap3A_361 : vector<1x16xf32> to vector<16xf32>
        %swap3A_363 = vector.shape_cast %get3A_358 : vector<16xf32> to vector<1x16xf32>
        tpu.vector_store %arg11[%swap3A_359, %swap3A_360], %swap3A_363 {add = true, strides = array<i32>} : memref<200x64xf32, #tpu.memory_space<vmem>>, vector<1x16xf32>,
        %add3A_364 = arith.constant 3 : i32
        %add3A_365 = arith.addi %add3A_233, %add3A_364 : i32
        %get3A_366 = arith.index_cast %add3A_365 : i32 to index
        %get3A_367 = arith.constant 0 : index
        %get3A_368 = tpu.vector_load %arg7[%get3A_366, %get3A_367] {strides = array<i32>} : memref<200x64xf32, #tpu.memory_space<vmem>>, vector<1x16xf32>,
        %get3A_369 = vector.shape_cast %get3A_368 : vector<1x16xf32> to vector<16xf32>
        %swap3A_370 = arith.index_cast %add3A_365 : i32 to index
        %swap3A_371 = arith.constant 0 : index
        %swap3A_372 = tpu.vector_load %arg11[%swap3A_370, %swap3A_371] {strides = array<i32>} : memref<200x64xf32, #tpu.memory_space<vmem>>, vector<1x16xf32>,
        %swap3A_373 = vector.shape_cast %swap3A_372 : vector<1x16xf32> to vector<16xf32>
        %swap3A_374 = vector.shape_cast %get3A_369 : vector<16xf32> to vector<1x16xf32>
        tpu.vector_store %arg11[%swap3A_370, %swap3A_371], %swap3A_374 {add = true, strides = array<i32>} : memref<200x64xf32, #tpu.memory_space<vmem>>, vector<1x16xf32>,
        %add3A_375 = arith.constant 3 : i32
        %add3A_376 = arith.addi %add3A_233, %add3A_375 : i32
        %get3A_377 = arith.index_cast %add3A_376 : i32 to index
        %get3A_378 = arith.constant 16 : index
        %get3A_379 = tpu.vector_load %arg7[%get3A_377, %get3A_378] {strides = array<i32>} : memref<200x64xf32, #tpu.memory_space<vmem>>, vector<1x16xf32>,
        %get3A_380 = vector.shape_cast %get3A_379 : vector<1x16xf32> to vector<16xf32>
        %swap3A_381 = arith.index_cast %add3A_376 : i32 to index
        %swap3A_382 = arith.constant 16 : index
        %swap3A_383 = tpu.vector_load %arg11[%swap3A_381, %swap3A_382] {strides = array<i32>} : memref<200x64xf32, #tpu.memory_space<vmem>>, vector<1x16xf32>,
        %swap3A_384 = vector.shape_cast %swap3A_383 : vector<1x16xf32> to vector<16xf32>
        %swap3A_385 = vector.shape_cast %get3A_380 : vector<16xf32> to vector<1x16xf32>
        tpu.vector_store %arg11[%swap3A_381, %swap3A_382], %swap3A_385 {add = true, strides = array<i32>} : memref<200x64xf32, #tpu.memory_space<vmem>>, vector<1x16xf32>,
        %add3A_386 = arith.constant 3 : i32
        %add3A_387 = arith.addi %add3A_233, %add3A_386 : i32
        %get3A_388 = arith.index_cast %add3A_387 : i32 to index
        %get3A_389 = arith.constant 32 : index
        %get3A_390 = tpu.vector_load %arg7[%get3A_388, %get3A_389] {strides = array<i32>} : memref<200x64xf32, #tpu.memory_space<vmem>>, vector<1x16xf32>,
        %get3A_391 = vector.shape_cast %get3A_390 : vector<1x16xf32> to vector<16xf32>
        %swap3A_392 = arith.index_cast %add3A_387 : i32 to index
        %swap3A_393 = arith.constant 32 : index
        %swap3A_394 = tpu.vector_load %arg11[%swap3A_392, %swap3A_393] {strides = array<i32>} : memref<200x64xf32, #tpu.memory_space<vmem>>, vector<1x16xf32>,
        %swap3A_395 = vector.shape_cast %swap3A_394 : vector<1x16xf32> to vector<16xf32>
        %swap3A_396 = vector.shape_cast %get3A_391 : vector<16xf32> to vector<1x16xf32>
        tpu.vector_store %arg11[%swap3A_392, %swap3A_393], %swap3A_396 {add = true, strides = array<i32>} : memref<200x64xf32, #tpu.memory_space<vmem>>, vector<1x16xf32>,
        %add3A_397 = arith.constant 3 : i32
        %add3A_398 = arith.addi %add3A_233, %add3A_397 : i32
        %get3A_399 = arith.index_cast %add3A_398 : i32 to index
        %get3A_400 = arith.constant 48 : index
        %get3A_401 = tpu.vector_load %arg7[%get3A_399, %get3A_400] {strides = array<i32>} : memref<200x64xf32, #tpu.memory_space<vmem>>, vector<1x16xf32>,
        %get3A_402 = vector.shape_cast %get3A_401 : vector<1x16xf32> to vector<16xf32>
        %swap3A_403 = arith.index_cast %add3A_398 : i32 to index
        %swap3A_404 = arith.constant 48 : index
        %swap3A_405 = tpu.vector_load %arg11[%swap3A_403, %swap3A_404] {strides = array<i32>} : memref<200x64xf32, #tpu.memory_space<vmem>>, vector<1x16xf32>,
        %swap3A_406 = vector.shape_cast %swap3A_405 : vector<1x16xf32> to vector<16xf32>
        %swap3A_407 = vector.shape_cast %get3A_402 : vector<16xf32> to vector<1x16xf32>
        tpu.vector_store %arg11[%swap3A_403, %swap3A_404], %swap3A_407 {add = true, strides = array<i32>} : memref<200x64xf32, #tpu.memory_space<vmem>>, vector<1x16xf32>,
        %add3A_408 = arith.constant 4 : i32
        %add3A_409 = arith.addi %add3A_233, %add3A_408 : i32
        %get3A_410 = arith.index_cast %add3A_409 : i32 to index
        %get3A_411 = arith.constant 0 : index
        %get3A_412 = tpu.vector_load %arg7[%get3A_410, %get3A_411] {strides = array<i32>} : memref<200x64xf32, #tpu.memory_space<vmem>>, vector<1x16xf32>,
        %get3A_413 = vector.shape_cast %get3A_412 : vector<1x16xf32> to vector<16xf32>
        %swap3A_414 = arith.index_cast %add3A_409 : i32 to index
        %swap3A_415 = arith.constant 0 : index
        %swap3A_416 = tpu.vector_load %arg11[%swap3A_414, %swap3A_415] {strides = array<i32>} : memref<200x64xf32, #tpu.memory_space<vmem>>, vector<1x16xf32>,
        %swap3A_417 = vector.shape_cast %swap3A_416 : vector<1x16xf32> to vector<16xf32>
        %swap3A_418 = vector.shape_cast %get3A_413 : vector<16xf32> to vector<1x16xf32>
        tpu.vector_store %arg11[%swap3A_414, %swap3A_415], %swap3A_418 {add = true, strides = array<i32>} : memref<200x64xf32, #tpu.memory_space<vmem>>, vector<1x16xf32>,
        %add3A_419 = arith.constant 4 : i32
        %add3A_420 = arith.addi %add3A_233, %add3A_419 : i32
        %get3A_421 = arith.index_cast %add3A_420 : i32 to index
        %get3A_422 = arith.constant 16 : index
        %get3A_423 = tpu.vector_load %arg7[%get3A_421, %get3A_422] {strides = array<i32>} : memref<200x64xf32, #tpu.memory_space<vmem>>, vector<1x16xf32>,
        %get3A_424 = vector.shape_cast %get3A_423 : vector<1x16xf32> to vector<16xf32>
        %swap3A_425 = arith.index_cast %add3A_420 : i32 to index
        %swap3A_426 = arith.constant 16 : index
        %swap3A_427 = tpu.vector_load %arg11[%swap3A_425, %swap3A_426] {strides = array<i32>} : memref<200x64xf32, #tpu.memory_space<vmem>>, vector<1x16xf32>,
        %swap3A_428 = vector.shape_cast %swap3A_427 : vector<1x16xf32> to vector<16xf32>
        %swap3A_429 = vector.shape_cast %get3A_424 : vector<16xf32> to vector<1x16xf32>
        tpu.vector_store %arg11[%swap3A_425, %swap3A_426], %swap3A_429 {add = true, strides = array<i32>} : memref<200x64xf32, #tpu.memory_space<vmem>>, vector<1x16xf32>,
        %add3A_430 = arith.constant 4 : i32
        %add3A_431 = arith.addi %add3A_233, %add3A_430 : i32
        %get3A_432 = arith.index_cast %add3A_431 : i32 to index
        %get3A_433 = arith.constant 32 : index
        %get3A_434 = tpu.vector_load %arg7[%get3A_432, %get3A_433] {strides = array<i32>} : memref<200x64xf32, #tpu.memory_space<vmem>>, vector<1x16xf32>,
        %get3A_435 = vector.shape_cast %get3A_434 : vector<1x16xf32> to vector<16xf32>
        %swap3A_436 = arith.index_cast %add3A_431 : i32 to index
        %swap3A_437 = arith.constant 32 : index
        %swap3A_438 = tpu.vector_load %arg11[%swap3A_436, %swap3A_437] {strides = array<i32>} : memref<200x64xf32, #tpu.memory_space<vmem>>, vector<1x16xf32>,
        %swap3A_439 = vector.shape_cast %swap3A_438 : vector<1x16xf32> to vector<16xf32>
        %swap3A_440 = vector.shape_cast %get3A_435 : vector<16xf32> to vector<1x16xf32>
        tpu.vector_store %arg11[%swap3A_436, %swap3A_437], %swap3A_440 {add = true, strides = array<i32>} : memref<200x64xf32, #tpu.memory_space<vmem>>, vector<1x16xf32>,
        %add3A_441 = arith.constant 4 : i32
        %add3A_442 = arith.addi %add3A_233, %add3A_441 : i32
        %get3A_443 = arith.index_cast %add3A_442 : i32 to index
        %get3A_444 = arith.constant 48 : index
        %get3A_445 = tpu.vector_load %arg7[%get3A_443, %get3A_444] {strides = array<i32>} : memref<200x64xf32, #tpu.memory_space<vmem>>, vector<1x16xf32>,
        %get3A_446 = vector.shape_cast %get3A_445 : vector<1x16xf32> to vector<16xf32>
        %swap3A_447 = arith.index_cast %add3A_442 : i32 to index
        %swap3A_448 = arith.constant 48 : index
        %swap3A_449 = tpu.vector_load %arg11[%swap3A_447, %swap3A_448] {strides = array<i32>} : memref<200x64xf32, #tpu.memory_space<vmem>>, vector<1x16xf32>,
        %swap3A_450 = vector.shape_cast %swap3A_449 : vector<1x16xf32> to vector<16xf32>
        %swap3A_451 = vector.shape_cast %get3A_446 : vector<16xf32> to vector<1x16xf32>
        tpu.vector_store %arg11[%swap3A_447, %swap3A_448], %swap3A_451 {add = true, strides = array<i32>} : memref<200x64xf32, #tpu.memory_space<vmem>>, vector<1x16xf32>,
        %add3A_452 = arith.constant 5 : i32
        %add3A_453 = arith.addi %add3A_233, %add3A_452 : i32
        %get3A_454 = arith.index_cast %add3A_453 : i32 to index
        %get3A_455 = arith.constant 0 : index
        %get3A_456 = tpu.vector_load %arg7[%get3A_454, %get3A_455] {strides = array<i32>} : memref<200x64xf32, #tpu.memory_space<vmem>>, vector<1x16xf32>,
        %get3A_457 = vector.shape_cast %get3A_456 : vector<1x16xf32> to vector<16xf32>
        %swap3A_458 = arith.index_cast %add3A_453 : i32 to index
        %swap3A_459 = arith.constant 0 : index
        %swap3A_460 = tpu.vector_load %arg11[%swap3A_458, %swap3A_459] {strides = array<i32>} : memref<200x64xf32, #tpu.memory_space<vmem>>, vector<1x16xf32>,
        %swap3A_461 = vector.shape_cast %swap3A_460 : vector<1x16xf32> to vector<16xf32>
        %swap3A_462 = vector.shape_cast %get3A_457 : vector<16xf32> to vector<1x16xf32>
        tpu.vector_store %arg11[%swap3A_458, %swap3A_459], %swap3A_462 {add = true, strides = array<i32>} : memref<200x64xf32, #tpu.memory_space<vmem>>, vector<1x16xf32>,
        %add3A_463 = arith.constant 5 : i32
        %add3A_464 = arith.addi %add3A_233, %add3A_463 : i32
        %get3A_465 = arith.index_cast %add3A_464 : i32 to index
        %get3A_466 = arith.constant 16 : index
        %get3A_467 = tpu.vector_load %arg7[%get3A_465, %get3A_466] {strides = array<i32>} : memref<200x64xf32, #tpu.memory_space<vmem>>, vector<1x16xf32>,
        %get3A_468 = vector.shape_cast %get3A_467 : vector<1x16xf32> to vector<16xf32>
        %swap3A_469 = arith.index_cast %add3A_464 : i32 to index
        %swap3A_470 = arith.constant 16 : index
        %swap3A_471 = tpu.vector_load %arg11[%swap3A_469, %swap3A_470] {strides = array<i32>} : memref<200x64xf32, #tpu.memory_space<vmem>>, vector<1x16xf32>,
        %swap3A_472 = vector.shape_cast %swap3A_471 : vector<1x16xf32> to vector<16xf32>
        %swap3A_473 = vector.shape_cast %get3A_468 : vector<16xf32> to vector<1x16xf32>
        tpu.vector_store %arg11[%swap3A_469, %swap3A_470], %swap3A_473 {add = true, strides = array<i32>} : memref<200x64xf32, #tpu.memory_space<vmem>>, vector<1x16xf32>,
        %add3A_474 = arith.constant 5 : i32
        %add3A_475 = arith.addi %add3A_233, %add3A_474 : i32
        %get3A_476 = arith.index_cast %add3A_475 : i32 to index
        %get3A_477 = arith.constant 32 : index
        %get3A_478 = tpu.vector_load %arg7[%get3A_476, %get3A_477] {strides = array<i32>} : memref<200x64xf32, #tpu.memory_space<vmem>>, vector<1x16xf32>,
        %get3A_479 = vector.shape_cast %get3A_478 : vector<1x16xf32> to vector<16xf32>
        %swap3A_480 = arith.index_cast %add3A_475 : i32 to index
        %swap3A_481 = arith.constant 32 : index
        %swap3A_482 = tpu.vector_load %arg11[%swap3A_480, %swap3A_481] {strides = array<i32>} : memref<200x64xf32, #tpu.memory_space<vmem>>, vector<1x16xf32>,
        %swap3A_483 = vector.shape_cast %swap3A_482 : vector<1x16xf32> to vector<16xf32>
        %swap3A_484 = vector.shape_cast %get3A_479 : vector<16xf32> to vector<1x16xf32>
        tpu.vector_store %arg11[%swap3A_480, %swap3A_481], %swap3A_484 {add = true, strides = array<i32>} : memref<200x64xf32, #tpu.memory_space<vmem>>, vector<1x16xf32>,
        %add3A_485 = arith.constant 5 : i32
        %add3A_486 = arith.addi %add3A_233, %add3A_485 : i32
        %get3A_487 = arith.index_cast %add3A_486 : i32 to index
        %get3A_488 = arith.constant 48 : index
        %get3A_489 = tpu.vector_load %arg7[%get3A_487, %get3A_488] {strides = array<i32>} : memref<200x64xf32, #tpu.memory_space<vmem>>, vector<1x16xf32>,
        %get3A_490 = vector.shape_cast %get3A_489 : vector<1x16xf32> to vector<16xf32>
        %swap3A_491 = arith.index_cast %add3A_486 : i32 to index
        %swap3A_492 = arith.constant 48 : index
        %swap3A_493 = tpu.vector_load %arg11[%swap3A_491, %swap3A_492] {strides = array<i32>} : memref<200x64xf32, #tpu.memory_space<vmem>>, vector<1x16xf32>,
        %swap3A_494 = vector.shape_cast %swap3A_493 : vector<1x16xf32> to vector<16xf32>
        %swap3A_495 = vector.shape_cast %get3A_490 : vector<16xf32> to vector<1x16xf32>
        tpu.vector_store %arg11[%swap3A_491, %swap3A_492], %swap3A_495 {add = true, strides = array<i32>} : memref<200x64xf32, #tpu.memory_space<vmem>>, vector<1x16xf32>,
        %add3A_496 = arith.constant 6 : i32
        %add3A_497 = arith.addi %add3A_233, %add3A_496 : i32
        %get3A_498 = arith.index_cast %add3A_497 : i32 to index
        %get3A_499 = arith.constant 0 : index
        %get3A_500 = tpu.vector_load %arg7[%get3A_498, %get3A_499] {strides = array<i32>} : memref<200x64xf32, #tpu.memory_space<vmem>>, vector<1x16xf32>,
        %get3A_501 = vector.shape_cast %get3A_500 : vector<1x16xf32> to vector<16xf32>
        %swap3A_502 = arith.index_cast %add3A_497 : i32 to index
        %swap3A_503 = arith.constant 0 : index
        %swap3A_504 = tpu.vector_load %arg11[%swap3A_502, %swap3A_503] {strides = array<i32>} : memref<200x64xf32, #tpu.memory_space<vmem>>, vector<1x16xf32>,
        %swap3A_505 = vector.shape_cast %swap3A_504 : vector<1x16xf32> to vector<16xf32>
        %swap3A_506 = vector.shape_cast %get3A_501 : vector<16xf32> to vector<1x16xf32>
        tpu.vector_store %arg11[%swap3A_502, %swap3A_503], %swap3A_506 {add = true, strides = array<i32>} : memref<200x64xf32, #tpu.memory_space<vmem>>, vector<1x16xf32>,
        %add3A_507 = arith.constant 6 : i32
        %add3A_508 = arith.addi %add3A_233, %add3A_507 : i32
        %get3A_509 = arith.index_cast %add3A_508 : i32 to index
        %get3A_510 = arith.constant 16 : index
        %get3A_511 = tpu.vector_load %arg7[%get3A_509, %get3A_510] {strides = array<i32>} : memref<200x64xf32, #tpu.memory_space<vmem>>, vector<1x16xf32>,
        %get3A_512 = vector.shape_cast %get3A_511 : vector<1x16xf32> to vector<16xf32>
        %swap3A_513 = arith.index_cast %add3A_508 : i32 to index
        %swap3A_514 = arith.constant 16 : index
        %swap3A_515 = tpu.vector_load %arg11[%swap3A_513, %swap3A_514] {strides = array<i32>} : memref<200x64xf32, #tpu.memory_space<vmem>>, vector<1x16xf32>,
        %swap3A_516 = vector.shape_cast %swap3A_515 : vector<1x16xf32> to vector<16xf32>
        %swap3A_517 = vector.shape_cast %get3A_512 : vector<16xf32> to vector<1x16xf32>
        tpu.vector_store %arg11[%swap3A_513, %swap3A_514], %swap3A_517 {add = true, strides = array<i32>} : memref<200x64xf32, #tpu.memory_space<vmem>>, vector<1x16xf32>,
        %add3A_518 = arith.constant 6 : i32
        %add3A_519 = arith.addi %add3A_233, %add3A_518 : i32
        %get3A_520 = arith.index_cast %add3A_519 : i32 to index
        %get3A_521 = arith.constant 32 : index
        %get3A_522 = tpu.vector_load %arg7[%get3A_520, %get3A_521] {strides = array<i32>} : memref<200x64xf32, #tpu.memory_space<vmem>>, vector<1x16xf32>,
        %get3A_523 = vector.shape_cast %get3A_522 : vector<1x16xf32> to vector<16xf32>
        %swap3A_524 = arith.index_cast %add3A_519 : i32 to index
        %swap3A_525 = arith.constant 32 : index
        %swap3A_526 = tpu.vector_load %arg11[%swap3A_524, %swap3A_525] {strides = array<i32>} : memref<200x64xf32, #tpu.memory_space<vmem>>, vector<1x16xf32>,
        %swap3A_527 = vector.shape_cast %swap3A_526 : vector<1x16xf32> to vector<16xf32>
        %swap3A_528 = vector.shape_cast %get3A_523 : vector<16xf32> to vector<1x16xf32>
        tpu.vector_store %arg11[%swap3A_524, %swap3A_525], %swap3A_528 {add = true, strides = array<i32>} : memref<200x64xf32, #tpu.memory_space<vmem>>, vector<1x16xf32>,
        %add3A_529 = arith.constant 6 : i32
        %add3A_530 = arith.addi %add3A_233, %add3A_529 : i32
        %get3A_531 = arith.index_cast %add3A_530 : i32 to index
        %get3A_532 = arith.constant 48 : index
        %get3A_533 = tpu.vector_load %arg7[%get3A_531, %get3A_532] {strides = array<i32>} : memref<200x64xf32, #tpu.memory_space<vmem>>, vector<1x16xf32>,
        %get3A_534 = vector.shape_cast %get3A_533 : vector<1x16xf32> to vector<16xf32>
        %swap3A_535 = arith.index_cast %add3A_530 : i32 to index
        %swap3A_536 = arith.constant 48 : index
        %swap3A_537 = tpu.vector_load %arg11[%swap3A_535, %swap3A_536] {strides = array<i32>} : memref<200x64xf32, #tpu.memory_space<vmem>>, vector<1x16xf32>,
        %swap3A_538 = vector.shape_cast %swap3A_537 : vector<1x16xf32> to vector<16xf32>
        %swap3A_539 = vector.shape_cast %get3A_534 : vector<16xf32> to vector<1x16xf32>
        tpu.vector_store %arg11[%swap3A_535, %swap3A_536], %swap3A_539 {add = true, strides = array<i32>} : memref<200x64xf32, #tpu.memory_space<vmem>>, vector<1x16xf32>,
        %add3A_540 = arith.constant 7 : i32
        %add3A_541 = arith.addi %add3A_233, %add3A_540 : i32
        %get3A_542 = arith.index_cast %add3A_541 : i32 to index
        %get3A_543 = arith.constant 0 : index
        %get3A_544 = tpu.vector_load %arg7[%get3A_542, %get3A_543] {strides = array<i32>} : memref<200x64xf32, #tpu.memory_space<vmem>>, vector<1x16xf32>,
        %get3A_545 = vector.shape_cast %get3A_544 : vector<1x16xf32> to vector<16xf32>
        %swap3A_546 = arith.index_cast %add3A_541 : i32 to index
        %swap3A_547 = arith.constant 0 : index
        %swap3A_548 = tpu.vector_load %arg11[%swap3A_546, %swap3A_547] {strides = array<i32>} : memref<200x64xf32, #tpu.memory_space<vmem>>, vector<1x16xf32>,
        %swap3A_549 = vector.shape_cast %swap3A_548 : vector<1x16xf32> to vector<16xf32>
        %swap3A_550 = vector.shape_cast %get3A_545 : vector<16xf32> to vector<1x16xf32>
        tpu.vector_store %arg11[%swap3A_546, %swap3A_547], %swap3A_550 {add = true, strides = array<i32>} : memref<200x64xf32, #tpu.memory_space<vmem>>, vector<1x16xf32>,
        %add3A_551 = arith.constant 7 : i32
        %add3A_552 = arith.addi %add3A_233, %add3A_551 : i32
        %get3A_553 = arith.index_cast %add3A_552 : i32 to index
        %get3A_554 = arith.constant 16 : index
        %get3A_555 = tpu.vector_load %arg7[%get3A_553, %get3A_554] {strides = array<i32>} : memref<200x64xf32, #tpu.memory_space<vmem>>, vector<1x16xf32>,
        %get3A_556 = vector.shape_cast %get3A_555 : vector<1x16xf32> to vector<16xf32>
        %swap3A_557 = arith.index_cast %add3A_552 : i32 to index
        %swap3A_558 = arith.constant 16 : index
        %swap3A_559 = tpu.vector_load %arg11[%swap3A_557, %swap3A_558] {strides = array<i32>} : memref<200x64xf32, #tpu.memory_space<vmem>>, vector<1x16xf32>,
        %swap3A_560 = vector.shape_cast %swap3A_559 : vector<1x16xf32> to vector<16xf32>
        %swap3A_561 = vector.shape_cast %get3A_556 : vector<16xf32> to vector<1x16xf32>
        tpu.vector_store %arg11[%swap3A_557, %swap3A_558], %swap3A_561 {add = true, strides = array<i32>} : memref<200x64xf32, #tpu.memory_space<vmem>>, vector<1x16xf32>,
        %add3A_562 = arith.constant 7 : i32
        %add3A_563 = arith.addi %add3A_233, %add3A_562 : i32
        %get3A_564 = arith.index_cast %add3A_563 : i32 to index
        %get3A_565 = arith.constant 32 : index
        %get3A_566 = tpu.vector_load %arg7[%get3A_564, %get3A_565] {strides = array<i32>} : memref<200x64xf32, #tpu.memory_space<vmem>>, vector<1x16xf32>,
        %get3A_567 = vector.shape_cast %get3A_566 : vector<1x16xf32> to vector<16xf32>
        %swap3A_568 = arith.index_cast %add3A_563 : i32 to index
        %swap3A_569 = arith.constant 32 : index
        %swap3A_570 = tpu.vector_load %arg11[%swap3A_568, %swap3A_569] {strides = array<i32>} : memref<200x64xf32, #tpu.memory_space<vmem>>, vector<1x16xf32>,
        %swap3A_571 = vector.shape_cast %swap3A_570 : vector<1x16xf32> to vector<16xf32>
        %swap3A_572 = vector.shape_cast %get3A_567 : vector<16xf32> to vector<1x16xf32>
        tpu.vector_store %arg11[%swap3A_568, %swap3A_569], %swap3A_572 {add = true, strides = array<i32>} : memref<200x64xf32, #tpu.memory_space<vmem>>, vector<1x16xf32>,
        %add3A_573 = arith.constant 7 : i32
        %add3A_574 = arith.addi %add3A_233, %add3A_573 : i32
        %get3A_575 = arith.index_cast %add3A_574 : i32 to index
        %get3A_576 = arith.constant 48 : index
        %get3A_577 = tpu.vector_load %arg7[%get3A_575, %get3A_576] {strides = array<i32>} : memref<200x64xf32, #tpu.memory_space<vmem>>, vector<1x16xf32>,
        %get3A_578 = vector.shape_cast %get3A_577 : vector<1x16xf32> to vector<16xf32>
        %swap3A_579 = arith.index_cast %add3A_574 : i32 to index
        %swap3A_580 = arith.constant 48 : index
        %swap3A_581 = tpu.vector_load %arg11[%swap3A_579, %swap3A_580] {strides = array<i32>} : memref<200x64xf32, #tpu.memory_space<vmem>>, vector<1x16xf32>,
        %swap3A_582 = vector.shape_cast %swap3A_581 : vector<1x16xf32> to vector<16xf32>
        %swap3A_583 = vector.shape_cast %get3A_578 : vector<16xf32> to vector<1x16xf32>
        tpu.vector_store %arg11[%swap3A_579, %swap3A_580], %swap3A_583 {add = true, strides = array<i32>} : memref<200x64xf32, #tpu.memory_space<vmem>>, vector<1x16xf32>,
      }
      %scan3A_221 = arith.constant 25 : i32
      %add3A_222 = arith.addi %mul3A_2, %add3A_200 : i32
      %mul3A_223 = arith.constant 200 : i32
      %mul3A_224 = arith.muli %add3A_222, %mul3A_223 : i32
      %dma_start3A_225 = arith.constant 0 : i32
      %dma_start3A_226 = tpu.memref_slice %arg5[%mul3A_224, %dma_start3A_225] : memref<819200x64xf32, #tpu.memory_space<hbm>> -> memref<200x64xf32, #tpu.memory_space<hbm>>
      %dma_start3A_227 = arith.constant 0 : i32
      %dma_start3A_228 = tpu.memref_slice %arg5[%mul3A_224, %dma_start3A_227] : memref<819200x64xf32, #tpu.memory_space<hbm>> -> memref<200x64xf32, #tpu.memory_space<hbm>>
      tpu.enqueue_dma source(%arg11 : memref<200x64xf32, #tpu.memory_space<vmem>>) target(%dma_start3A_228 : memref<200x64xf32, #tpu.memory_space<hbm>>) target_semaphore(%arg19 : memref<!tpu.dma_semaphore, #tpu.memory_space<semaphore_mem>>)
    }
    %scan3A_85 = arith.constant 32 : i32
    %dma_wait3A = arith.constant 0 : i32
    %dma_wait3A_86 = arith.constant 0 : i32
    %dma_wait3A_87 = tpu.memref_slice %arg5[%dma_wait3A, %dma_wait3A_86] : memref<819200x64xf32, #tpu.memory_space<hbm>> -> memref<200x64xf32, #tpu.memory_space<hbm>>
    %dma_wait3A_88 = arith.constant 0 : i32
    %dma_wait3A_89 = arith.constant 0 : i32
    %dma_wait3A_90 = tpu.memref_slice %arg5[%dma_wait3A_88, %dma_wait3A_89] : memref<819200x64xf32, #tpu.memory_space<hbm>> -> memref<200x64xf32, #tpu.memory_space<hbm>>
    tpu.wait_dma2 semaphore(%arg16 : memref<!tpu.dma_semaphore, #tpu.memory_space<semaphore_mem>>) src(%arg8 : memref<200x64xf32, #tpu.memory_space<vmem>>) dst(%dma_wait3A_90 : memref<200x64xf32, #tpu.memory_space<hbm>>)
    %dma_wait3A_91 = arith.constant 0 : i32
    %dma_wait3A_92 = arith.constant 0 : i32
    %dma_wait3A_93 = tpu.memref_slice %arg5[%dma_wait3A_91, %dma_wait3A_92] : memref<819200x64xf32, #tpu.memory_space<hbm>> -> memref<200x64xf32, #tpu.memory_space<hbm>>
    %dma_wait3A_94 = arith.constant 0 : i32
    %dma_wait3A_95 = arith.constant 0 : i32
    %dma_wait3A_96 = tpu.memref_slice %arg5[%dma_wait3A_94, %dma_wait3A_95] : memref<819200x64xf32, #tpu.memory_space<hbm>> -> memref<200x64xf32, #tpu.memory_space<hbm>>
    tpu.wait_dma2 semaphore(%arg17 : memref<!tpu.dma_semaphore, #tpu.memory_space<semaphore_mem>>) src(%arg9 : memref<200x64xf32, #tpu.memory_space<vmem>>) dst(%dma_wait3A_96 : memref<200x64xf32, #tpu.memory_space<hbm>>)
    %dma_wait3A_97 = arith.constant 0 : i32
    %dma_wait3A_98 = arith.constant 0 : i32
    %dma_wait3A_99 = tpu.memref_slice %arg5[%dma_wait3A_97, %dma_wait3A_98] : memref<819200x64xf32, #tpu.memory_space<hbm>> -> memref<200x64xf32, #tpu.memory_space<hbm>>
    %dma_wait3A_100 = arith.constant 0 : i32
    %dma_wait3A_101 = arith.constant 0 : i32
    %dma_wait3A_102 = tpu.memref_slice %arg5[%dma_wait3A_100, %dma_wait3A_101] : memref<819200x64xf32, #tpu.memory_space<hbm>> -> memref<200x64xf32, #tpu.memory_space<hbm>>
    tpu.wait_dma2 semaphore(%arg18 : memref<!tpu.dma_semaphore, #tpu.memory_space<semaphore_mem>>) src(%arg10 : memref<200x64xf32, #tpu.memory_space<vmem>>) dst(%dma_wait3A_102 : memref<200x64xf32, #tpu.memory_space<hbm>>)
    %dma_wait3A_103 = arith.constant 0 : i32
    %dma_wait3A_104 = arith.constant 0 : i32
    %dma_wait3A_105 = tpu.memref_slice %arg5[%dma_wait3A_103, %dma_wait3A_104] : memref<819200x64xf32, #tpu.memory_space<hbm>> -> memref<200x64xf32, #tpu.memory_space<hbm>>
    %dma_wait3A_106 = arith.constant 0 : i32
    %dma_wait3A_107 = arith.constant 0 : i32
    %dma_wait3A_108 = tpu.memref_slice %arg5[%dma_wait3A_106, %dma_wait3A_107] : memref<819200x64xf32, #tpu.memory_space<hbm>> -> memref<200x64xf32, #tpu.memory_space<hbm>>
    tpu.wait_dma2 semaphore(%arg19 : memref<!tpu.dma_semaphore, #tpu.memory_space<semaphore_mem>>) src(%arg11 : memref<200x64xf32, #tpu.memory_space<vmem>>) dst(%dma_wait3A_108 : memref<200x64xf32, #tpu.memory_space<hbm>>)
    return
  }
}

</mosaic_0001>

<sc_bundles>
// kernel: kernel.3.cloned.1.call-start
scs
__scs_entry_jumppad:
0x0: {  	(pc) =	sbr.rel $0x88, $3  }
0x1: {  	(tag) =	ssettag $0x0;
	lr =	simm.s32 $0x1  }
0x2: {  	[smem:$0x3F9E] =	sst lr;
	_ =	strace $0xD0000000  }
0x3: {  	_ = 	snop  }
0x4: {  	_ = 	snop  }
0x5: {  	_ = 	snop  }
0x6: {  	_ = 	snop  }
0x7: {  	_ = 	snop  }
__scs_overlays_trampoline_lowered:
0x8: {  	[smem:$0x3FAD] =	sst s0  }
0x9: {  	[smem:$0x3FAE] =	sst s1  }
0xa: {  	[smem:$0x3FAF] =	sst s2  }
0xb: {  	[smem:$0x3FB0] =	sst s3  }
0xc: {  	[smem:$0x3FB1] =	sst s4  }
0xd: {  	[smem:$0x3FB2] =	sst s5  }
0xe: {  	[smem:$0x3FB3] =	sst s6  }
0xf: {  	[smem:$0x3FB4] =	sst s7  }
0x10: {  	[smem:$0x3FB5] =	sst s8  }
0x11: {  	[smem:$0x3FB6] =	sst s9;
	s0 =	simm.s32 @!p0 $0x0  }
0x12: {  	s1 =	sld [smem:$0x3F9C];
	s0 =	simm.s32 @p0 $0x1  }
0x13: {  	[smem:$0x3FB7] =	sst s0;
	s0 =	simm.s32 @!p1 $0x0  }
0x14: {  	s2 =	sld [smem:$0x3F9B];
	s0 =	simm.s32 @p1 $0x1  }
0x15: {  	[smem:$0x3FB8] =	sst s0;
	s0 =	simm.s32 @!p2 $0x0  }
0x16: {  	s3 =	sld [smem:$0x3FDB];
	s0 =	simm.s32 @p2 $0x1  }
0x17: {  	s4 =	simm.s32 $0x1BF5;
	[smem:$0x3FBA] =	sst s0  }
0x18: {  	s0 =	sld [smem:$0x3F9D];
	_ =	swait.ge [sflag:s4], $0x0  }
0x19: {  	s7 =	sld [smem:$0x3F9E]  }
0x1a: {  	s8 =	sadd.s32 $0xFFFFE003, lr  }
0x1b: {  	s9 =	sadd.s32 $0xFFFFFEF7, lr;
	s5 =	simm.s32 $0xFFFFFFFF;
	p2 =	slt.u32 s8, $0xFFFFF086  }
0x1c: {  	p1 =	slt.u32 s9, $0xF7A;
	s5 =	simm.s32 @!p2 $0x0  }
0x1d: {  	s5 =	simm.s32 @p1 $0x1;
	p0 =	seq.s32 s7, s2  }
0x1e: {  	s7 =	smul.u32 @!p0 $0xF7A, s2;
	p2 =	seq.s32 @!p0 s5, $0x0  }
0x1f: {  	s9 =	smul.u32 $0xF7A, s1;
	s8 =	simm.s32 @!p0 $0x1BF5;
	p2 =	por !p2, p0  }
0x20: {  	[sflag:s8] =	ssyncset.s32 @!p0 $0xFFFFF086;
	s6 =	sadd.s32 @!p0 s3, s7;
	s7 =	simm.s32 @!p0 $0x108  }
0x21: {  	s3 =	sadd.s32 s3, s9;
	s6 =	sadd.s32 @!p0 $0x88, s6;
	s7 =	simm.s32 @p2 $0x1082  }
0x22: {  	[simem:s7], [sflag:s8] =	dma.local @!p0 [hbm:s6], $0xF7A  }
0x23: {  	s9 =	sor.u32 $0xD0000000, s2;
	s6 =	simm.s32 $0x108;
	_ =	swait.ge @!p0 [sflag:s8], $0x0  }
0x24: {  	s3 =	sadd.s32 $0x88, s3;
	s6 =	simm.s32 @!p1 $0x1082;
	[sflag:s4] =	ssyncset.s32 $0xFFFFF086  }
0x25: {  	[simem:s6], [sflag:s4] =	dma.local [hbm:s3], $0xF7A  }
0x26: {  	[smem:$0x3F9E] =	sst s1;
	(tag) =	ssettag s2;
	_ =	strace s9  }
0x27: {  	s1 =	sld [smem:$0x3FAE]  }
0x28: {  	s2 =	sld [smem:$0x3FAF]  }
0x29: {  	s4 =	sld [smem:$0x3FB1]  }
0x2a: {  	p0 =	seq.s32 s5, $0x0;
	s5 =	sld [smem:$0x3FB2]  }
0x2b: {  	s6 =	sld [smem:$0x3FB3]  }
0x2c: {  	s7 =	sld [smem:$0x3FB4]  }
0x2d: {  	s3 =	simm.s32 $0x108;
	s8 =	sld [smem:$0x3FB5]  }
0x2e: {  	s3 =	simm.s32 @!p0 $0x1082;
	s9 =	sld [smem:$0x3FB6]  }
0x2f: {  	lr =	sadd.s32 s0, s3;
	s0 =	sld [smem:$0x3FAD]  }
0x30: {  	s3 =	sld [smem:$0x3FB0]  }
0x31: {  	[smem:$0x3FB9] =	sst s10  }
0x32: {  	s10 =	sld [smem:$0x3FB7];
	_ =	sdelay $0x3  }
0x33: {  	p0 =	seq.s32 s10, $0x1;
	s10 =	sld [smem:$0x3FB9];
	_ =	sdelay $0x3  }
0x34: {  	[smem:$0x3FB9] =	sst s10  }
0x35: {  	s10 =	sld [smem:$0x3FB8];
	_ =	sdelay $0x3  }
0x36: {  	p1 =	seq.s32 s10, $0x1;
	s10 =	sld [smem:$0x3FB9];
	_ =	sdelay $0x3  }
0x37: {  	[smem:$0x3FB9] =	sst s10  }
0x38: {  	s10 =	sld [smem:$0x3FBA]  }
0x39: {  	_ = 	snop;
	(pc) =	sbr.ind lr, $3  }
0x3a: {  	_ = 	snop  }
0x3b: {  	_ = 	snop  }
0x3c: {  	p2 =	seq.s32 s10, $0x1;
	s10 =	sld [smem:$0x3FB9]  }
0x3d: {  	_ =	shalt  }
0x3e: {  	_ =	shalt  }
0x3f: {  	_ =	shalt  }
0x40: {  	_ =	shalt  }
0x41: {  	_ =	shalt  }
0x42: {  	_ =	shalt  }
0x43: {  	_ =	shalt  }
0x44: {  	_ =	shalt  }
0x45: {  	_ =	shalt  }
0x46: {  	_ =	shalt  }
0x47: {  	_ =	shalt  }
0x48: {  	_ =	shalt  }
0x49: {  	_ =	shalt  }
0x4a: {  	_ =	shalt  }
0x4b: {  	_ =	shalt  }
0x4c: {  	_ =	shalt  }
0x4d: {  	_ =	shalt  }
0x4e: {  	_ =	shalt  }
0x4f: {  	_ =	shalt  }
0x50: {  	_ =	shalt  }
0x51: {  	_ =	shalt  }
0x52: {  	_ =	shalt  }
0x53: {  	_ =	shalt  }
0x54: {  	_ =	shalt  }
0x55: {  	_ =	shalt  }
0x56: {  	_ =	shalt  }
0x57: {  	_ =	shalt  }
0x58: {  	_ =	shalt  }
0x59: {  	_ =	shalt  }
0x5a: {  	_ =	shalt  }
0x5b: {  	_ =	shalt  }
0x5c: {  	_ =	shalt  }
0x5d: {  	_ =	shalt  }
0x5e: {  	_ =	shalt  }
0x5f: {  	_ =	shalt  }
0x60: {  	_ =	shalt  }
0x61: {  	_ =	shalt  }
0x62: {  	_ =	shalt  }
0x63: {  	_ =	shalt  }
0x64: {  	_ =	shalt  }
0x65: {  	_ =	shalt  }
0x66: {  	_ =	shalt  }
0x67: {  	_ =	shalt  }
0x68: {  	_ =	shalt  }
0x69: {  	_ =	shalt  }
0x6a: {  	_ =	shalt  }
0x6b: {  	_ =	shalt  }
0x6c: {  	_ =	shalt  }
0x6d: {  	_ =	shalt  }
0x6e: {  	_ =	shalt  }
0x6f: {  	_ =	shalt  }
0x70: {  	_ =	shalt  }
0x71: {  	_ =	shalt  }
0x72: {  	_ =	shalt  }
0x73: {  	_ =	shalt  }
0x74: {  	_ =	shalt  }
0x75: {  	_ =	shalt  }
0x76: {  	_ =	shalt  }
0x77: {  	_ =	shalt  }
0x78: {  	_ =	shalt  }
0x79: {  	_ =	shalt  }
0x7a: {  	_ =	shalt  }
0x7b: {  	_ =	shalt  }
0x7c: {  	_ =	shalt  }
0x7d: {  	_ =	shalt  }
0x7e: {  	_ =	shalt  }
0x7f: {  	_ =	shalt  }
0x80: {  	_ =	shalt  }
0x81: {  	_ =	shalt  }
0x82: {  	_ =	shalt  }
0x83: {  	_ =	shalt  }
0x84: {  	_ =	shalt  }
0x85: {  	_ =	shalt  }
0x86: {  	_ =	shalt  }
0x87: {  	_ =	shalt  }
.Lfunc_end0:
.L_simem_size_0:
called_computation.1_lowered:
.L_overlay_start_0:
0x88: {  	s2 =	sld [smem:$0x3FD9]  }
0x89: {  	s3 =	sld [smem:$0x3FFE];
	_ =	sdelay $0x1  }
0x8a: {  	s1 =	srdreg.scid  }
0x8b: {  	s0 =	sand.u32 $0x1, s1  }
0x8c: {  	s17 =	sshll.u32 s0, $0xA;
	s2 =	sadd.s32 s3, s2  }
0x8d: {  	s2 =	sadd.s32 s2, s17  }
0x8e: {  	[smem:$0x3FC5] =	sst s2  }
0x8f: {  	_ = 	snop  }
0x90: {  	s2 =	sld [smem:$0x3FD0];
	(tm) =	ssettm $0x1  }
0x91: {  	s18 =	sld [smem:$0x3FFB];
	_ =	sdelay $0x3  }
0x92: {  	_ =	strace s18  }
0x93: {  	s3 =	sld [smem:$0x3FFC];
	_ =	sdelay $0x3  }
0x94: {  	_ =	strace s3  }
0x95: {  	s3 =	sld [smem:$0x3FFD];
	_ =	sdelay $0x3  }
0x96: {  	_ =	strace s3  }
0x97: {  	_ =	strace $0x8FFFFFFF  }
0x98: {  	s19 =	sld [smem:$0x3FDB];
	_ =	sdelay $0x1  }
0x99: {  	s4 =	simm.s32 $_scs_section_size  }
0x9a: {  	s5 =	simm.s32 $_size__tile_overlayer_lowered;
	s6 =	simm.s32 $_tile_overlayer_lowered  }
0x9b: {  	s22 =	simm.s32 $0x1BFF;
	s21 =	sshll.u32 s6, $0x1;
	s3 =	sadd.s32 s4, s19  }
0x9c: {  	s7 =	simm.s32 $0x0;
	s20 =	sshll.u32 s5, $0x1;
	s5 =	sadd.s32 s21, s3  }
0x9d: {  	[timem:s7], [sflag:s22] =	dma.local [hbm:s5], s20  }
0x9e: {  	_ =	swait.ge [sflag:s22], s20  }
0x9f: {  	s4 =	ssub.s32 $0x0, s20;
	[sflag:s22] =	ssyncset.done $0x0  }
0xa0: {  	[sflag:s22] =	ssyncadd.s32 s4;
	_ =	sdelay $0x1  }
0xa1: {  	s23 =	simm.s32 $0x1B8B  }
0xa2: {  	_ =	swait.ge [sflag:s23], $0x1  }
0xa3: {  	[sflag:s23] =	ssyncset.done $0x0  }
0xa4: {  	s25 =	simm.s32 $0x1B8E;
	s24 =	sld [smem:$0x3FFE];
	[sflag:s23] =	ssyncadd.s32 $0xFFFFFFFF  }
0xa5: {  	s26 =	simm.s32 $execute0_lowered;
	[smem:$0x3FD2] =	sst s25  }
0xa6: {  	s5 =	sshll.u32 s26, $0x1;
	_ =	strace $0x80000046;
	[dreg:$0x1] =	wrdreg $0xFFFFFFFF  }
0xa7: {  	s28 =	simm.s32 $_size_execute0_lowered;
	s3 =	sadd.s32 s3, s5;
	[dreg:$0x0] =	wrdreg $0x0  }
0xa8: {  	s5 =	sshll.u32 s28, $0x1;
	[dreg:$0x2] =	wrdreg s3  }
0xa9: {  	[dreg:$0x3] =	wrdreg s5  }
0xaa: {  	[dreg:$0x4] =	wrdreg $0xC0  }
0xab: {  	_ =	task [dreg:s7], $0x5FFFF  }
0xac: {  	[dreg:$0x1] =	wrdreg $0xFFFFFFFF  }
0xad: {  	[dreg:$0x0] =	wrdreg $0x60  }
0xae: {  	[dreg:$0x2] =	wrdreg s24  }
0xaf: {  	[dreg:$0x3] =	wrdreg s2  }
0xb0: {  	[dreg:$0x4] =	wrdreg $0x9  }
0xb1: {  	_ =	task.clear_ibuf [dreg:s7], $0x5FFFF;
	_ =	strace $0x90000046  }
0xb2: {  	s29 =	simm.s32 $0x9;
	_ =	strace $0x80000048  }
0xb3: {  	_ =	swait.ge [sflag:s29], $0x1  }
0xb4: {  	[sflag:s29] =	ssyncadd.s32 $0xFFFFFFFF  }
0xb5: {  	_ =	strace $0x90000048  }
0xb6: {  	_ =	sfence  }
0xb7: {  	s30 =	sld [smem:$0x0];
	_ =	sdelay $0x2  }
0xb8: {  	s31 =	sshll.u32 s1, $0xD;
	s1 =	sshrl.u32 s1, $0x2  }
0xb9: {  	s3 =	sand.u32 $0x4000, s31;
	s1 =	sadd.s32 s1, s30  }
0xba: {  	s0 =	sor.u32 s3, s0;
	s1 =	sshll.u32 s1, $0x11  }
0xbb: {  	s0 =	sor.u32 s1, s0  }
0xbc: {  	s0 =	sadd.s32 $0x8F2B, s0  }
0xbd: {  	[sflag:s0] =	ssyncadd.remote.s32 $0x1  }
0xbe: {  	_ =	sfence.sel $0xFFFF  }
0xbf: {  	[dreg:$0x0] =	wrdreg $0xFFFFFFFF;
	(pc) =	sbr.abs _section_cstart, $3  }
0xc0: {  	[dreg:$0x1] =	wrdreg $0xFFFFFFFF  }
0xc1: {  	_ =	task.clear_ibuf [dreg:s7], $0x2FFFF;
	_ =	strace $0x9FFFFFFF  }
0xc2: {  	(tm) =	ssettm $0x7FFFFFFF  }
0xc3: {  	_ =	shalt  }
tec
execute0_lowered:
.L_overlay_start_1:
0x0: {  	(tag) =	ssettag $0x1  }
0x1: {  	s0 =	srdreg.scid;
	s1 =	rddreg [dreg:$0x0]  }
0x2: {  	s3 =	stileid.u32;
	s2 =	rddreg [dreg:$0x1]  }
0x3: {  	s9 =	simm.s32 $0x9;
	s11 =	simm.s32 $0x80;
	s12 =	simm.s32 $0x9600  }
0x4: {  	s13 =	simm.s32 $0x48;
	s16 =	simm.s32 $0xC800;
	s20 =	simm.s32 $0xFA00  }
0x5: {  	s24 =	simm.s32 $0x12C00;
	s26 =	simm.s32 $0x14C00;
	s28 =	simm.s32 $0x1  }
0x6: {  	s29 =	simm.s32 $0x2;
	s30 =	simm.s32 $0x3;
	s31 =	simm.s32 $0x4  }
0x7: {  	s10 =	simm.s32 $0x7;
	s14 =	simm.s32 $0x8;
	s0 =	sand.u32 $0x1, s0  }
0x8: {  	s15 =	simm.s32 $0x0;
	s4 =	sshll.u32 s3, $0x8;
	s5 =	sshll.u32 s0, $0x7  }
0x9: {  	s3 =	simm.s32 $0x0;
	s0 =	ssub.s32 $0x2, s0;
	s4 =	sor.u32 s5, s4  }
0xa: {  	[smem:$0x7FF] =	sst s3;
	s6 =	sshrl.u32 s0, $0x1;
	s5 =	smul.u32 $0x19, s4  }
0xb: {  	_ =	strace $0x80000047;
	s0 =	ssub.s32 s0, s6;
	s6 =	sadd.s32 $0x19C00, s1  }
0xc: {  	s8 =	smax.u32 s0, $0x1;
	s0 =	simm.s32 $0x6;
	s7 =	sadd.s32 s5, s1  }
0xd: {  	s5 =	sadd.s32 $0xF43000, s1;
	s1 =	simm.s32 $0x5;
	s7 =	sadd.s32 $0xC00, s7  }
.LBB2_1:
0xe: {  	[tilespmem:s3], [sflag:$0x9] =	stream.linear.gather [hbm4b:s7+s3], $0x6400, $0x38;
	[tilespmem:$0x15E00] =	vst v63  }
0xf: {  	_ =	swait.ge [sflag:s9], $0x6400  }
0x10: {  	[sflag:s9] =	ssyncset.done $0x0  }
0x11: {  	s17 =	simm.s32 $0x6400;
	[sflag:s9] =	ssyncadd.s32 $0xFFFF9C00  }
0x12: {  	[tilespmem:s17], [sflag:$0x9] =	stream.linear.gather [hbm4b:s6+s3], $0x3200, $0x38;
	[tilespmem:$0x15E00] =	vst v63  }
0x13: {  	_ =	swait.ge [sflag:s9], $0x3200  }
0x14: {  	[sflag:s9] =	ssyncset.done $0x0  }
0x15: {  	[sflag:s9] =	ssyncadd.s32 $0xFFFFCE00  }
0x16: {  	[tilespmem:s12], [sflag:$0x1] =	stream.indirect.gather [hbm4b:s5+s11], $0x40, s3, s11, $0xb8;
	[tilespmem:$0x15E00] =	vst v63  }
0x17: {  	s22 =	simm.s32 $0xB600  }
0x18: {  	[tilespmem:s22], [sflag:$0x1] =	stream.indirect.gather [hbm4b:s5+s13], $0x40, s11, s13, $0xb8;
	[tilespmem:$0x15E00] =	vst v63  }
0x19: {  	s23 =	simm.s32 $0xC8  }
0x1a: {  	[tilespmem:s16], [sflag:$0x2] =	stream.indirect.gather [hbm4b:s5+s11], $0x40, s23, s11, $0xb8;
	[tilespmem:$0x15E00] =	vst v63  }
0x1b: {  	s25 =	simm.s32 $0x148;
	s18 =	simm.s32 $0xE800  }
0x1c: {  	[tilespmem:s18], [sflag:$0x2] =	stream.indirect.gather [hbm4b:s5+s13], $0x40, s25, s13, $0xb8;
	[tilespmem:$0x15E00] =	vst v63  }
0x1d: {  	s19 =	simm.s32 $0x190  }
0x1e: {  	[tilespmem:s20], [sflag:$0x3] =	stream.indirect.gather [hbm4b:s5+s11], $0x40, s19, s11, $0xb8;
	[tilespmem:$0x15E00] =	vst v63  }
0x1f: {  	s21 =	simm.s32 $0x210;
	s22 =	simm.s32 $0x11A00  }
0x20: {  	[tilespmem:s22], [sflag:$0x3] =	stream.indirect.gather [hbm4b:s5+s13], $0x40, s21, s13, $0xb8;
	[tilespmem:$0x15E00] =	vst v63  }
0x21: {  	s23 =	simm.s32 $0x258  }
0x22: {  	[tilespmem:s24], [sflag:$0x4] =	stream.indirect.gather [hbm4b:s5+s11], $0x40, s23, s11, $0xb8;
	[tilespmem:$0x15E00] =	vst v63  }
0x23: {  	s17 =	simm.s32 $0x0;
	s25 =	simm.s32 $0x2D8  }
0x24: {  	[tilespmem:s26], [sflag:$0x4] =	stream.indirect.gather [hbm4b:s5+s13], $0x40, s25, s13, $0xb8;
	[tilespmem:$0x15E00] =	vst v63  }
.LBB2_2:
0x25: {  	p0 =	seq.s32 s17, $0x0;
	s21 =	sshll.u32 s17, $0x2  }
0x26: {  	s19 =	simm.s32 @!p0 $0x7;
	s18 =	sor.u32 $0x2, s21  }
0x27: {  	_ =	swait.ge @!p0 [sflag:s19], $0x3200;
	s22 =	smul.u32 @!p0 $0x320, s18  }
0x28: {  	s23 =	simm.s32 @!p0 $0xFA00;
	[sflag:s19] =	ssyncset.done @!p0 $0x0  }
0x29: {  	[sflag:s19] =	ssyncadd.s32 @!p0 $0xFFFFCE00;
	s19 =	sshra.s32 @!p0 s22, $0x2;
	s22 =	simm.s32 @!p0 $0x80  }
0x2a: {  	[tilespmem:s23], [sflag:$0x3] =	stream.indirect.gather @!p0 [hbm4b:s5+s22], $0x40, s19, s22, $0xb8;
	[tilespmem:$0x15E00] =	vst v63  }
0x2b: {  	s19 =	sadd.s32 @!p0 $0x80, s19;
	s22 =	simm.s32 @!p0 $0x48;
	s23 =	simm.s32 @!p0 $0x11A00  }
0x2c: {  	[tilespmem:s23], [sflag:$0x3] =	stream.indirect.gather @!p0 [hbm4b:s5+s22], $0x40, s19, s22, $0xb8;
	[tilespmem:$0x15E00] =	vst v63  }
0x2d: {  	_ =	swait.ge [sflag:s28], $0x3200  }
0x2e: {  	[sflag:s28] =	ssyncset.done $0x0  }
0x2f: {  	s19 =	simm.s32 $0x0;
	s22 =	simm.s32 $0x800;
	[sflag:s28] =	ssyncadd.s32 $0xFFFFCE00  }
.LBB2_3:
0x30: {  	p1 =	sne.s32 s22, $0xC000;
	v0 =	vld [tilespmem:s19+$0x65F0]  }
0x31: {  	v1 =	vld [tilespmem:s19+$0x6400]  }
0x32: {  	v2 =	vld [tilespmem:s19+$0x6410]  }
0x33: {  	v3 =	vld [tilespmem:s19+$0x6420]  }
0x34: {  	v4 =	vld [tilespmem:s19+$0x6430]  }
0x35: {  	[tilespmem:s19+$0x97F0] =	vst.add.f32.msk $0xffff, v0  }
0x36: {  	v0 =	vld [tilespmem:s19+$0x6440]  }
0x37: {  	v5 =	vld [tilespmem:s19+$0x6450]  }
0x38: {  	v6 =	vld [tilespmem:s19+$0x6460]  }
0x39: {  	v7 =	vld [tilespmem:s19+$0x6470]  }
0x3a: {  	v8 =	vld [tilespmem:s19+$0x6480]  }
0x3b: {  	v9 =	vld [tilespmem:s19+$0x6490]  }
0x3c: {  	v10 =	vld [tilespmem:s19+$0x64A0]  }
0x3d: {  	v11 =	vld [tilespmem:s19+$0x64B0]  }
0x3e: {  	v12 =	vld [tilespmem:s19+$0x64C0]  }
0x3f: {  	v13 =	vld [tilespmem:s19+$0x64D0]  }
0x40: {  	v14 =	vld [tilespmem:s19+$0x64E0]  }
0x41: {  	v15 =	vld [tilespmem:s19+$0x64F0]  }
0x42: {  	v16 =	vld [tilespmem:s19+$0x6500]  }
0x43: {  	v17 =	vld [tilespmem:s19+$0x6510]  }
0x44: {  	v18 =	vld [tilespmem:s19+$0x6520]  }
0x45: {  	v19 =	vld [tilespmem:s19+$0x6530]  }
0x46: {  	v20 =	vld [tilespmem:s19+$0x6540]  }
0x47: {  	v21 =	vld [tilespmem:s19+$0x6550]  }
0x48: {  	v22 =	vld [tilespmem:s19+$0x6560]  }
0x49: {  	v23 =	vld [tilespmem:s19+$0x6570]  }
0x4a: {  	v24 =	vld [tilespmem:s19+$0x6580]  }
0x4b: {  	v25 =	vld [tilespmem:s19+$0x6590]  }
0x4c: {  	v26 =	vld [tilespmem:s19+$0x65A0]  }
0x4d: {  	v27 =	vld [tilespmem:s19+$0x65B0]  }
0x4e: {  	v28 =	vld [tilespmem:s19+$0x65C0]  }
0x4f: {  	v29 =	vld [tilespmem:s19+$0x65D0]  }
0x50: {  	v30 =	vld [tilespmem:s19+$0x65E0]  }
0x51: {  	[tilespmem:s19+$0x9600] =	vst.add.f32.msk $0xffff, v1  }
0x52: {  	[tilespmem:s19+$0x9610] =	vst.add.f32.msk $0xffff, v2  }
0x53: {  	[tilespmem:s19+$0x9620] =	vst.add.f32.msk $0xffff, v3  }
0x54: {  	[tilespmem:s19+$0x9630] =	vst.add.f32.msk $0xffff, v4  }
0x55: {  	[tilespmem:s19+$0x9640] =	vst.add.f32.msk $0xffff, v0  }
0x56: {  	[tilespmem:s19+$0x9650] =	vst.add.f32.msk $0xffff, v5  }
0x57: {  	[tilespmem:s19+$0x9660] =	vst.add.f32.msk $0xffff, v6  }
0x58: {  	[tilespmem:s19+$0x9670] =	vst.add.f32.msk $0xffff, v7  }
0x59: {  	[tilespmem:s19+$0x9680] =	vst.add.f32.msk $0xffff, v8  }
0x5a: {  	[tilespmem:s19+$0x9690] =	vst.add.f32.msk $0xffff, v9  }
0x5b: {  	[tilespmem:s19+$0x96A0] =	vst.add.f32.msk $0xffff, v10  }
0x5c: {  	[tilespmem:s19+$0x96B0] =	vst.add.f32.msk $0xffff, v11  }
0x5d: {  	[tilespmem:s19+$0x96C0] =	vst.add.f32.msk $0xffff, v12  }
0x5e: {  	[tilespmem:s19+$0x96D0] =	vst.add.f32.msk $0xffff, v13  }
0x5f: {  	[tilespmem:s19+$0x96E0] =	vst.add.f32.msk $0xffff, v14  }
0x60: {  	[tilespmem:s19+$0x96F0] =	vst.add.f32.msk $0xffff, v15  }
0x61: {  	[tilespmem:s19+$0x9700] =	vst.add.f32.msk $0xffff, v16  }
0x62: {  	[tilespmem:s19+$0x9710] =	vst.add.f32.msk $0xffff, v17  }
0x63: {  	[tilespmem:s19+$0x9720] =	vst.add.f32.msk $0xffff, v18  }
0x64: {  	[tilespmem:s19+$0x9730] =	vst.add.f32.msk $0xffff, v19  }
0x65: {  	[tilespmem:s19+$0x9740] =	vst.add.f32.msk $0xffff, v20  }
0x66: {  	[tilespmem:s19+$0x9750] =	vst.add.f32.msk $0xffff, v21  }
0x67: {  	[tilespmem:s19+$0x9760] =	vst.add.f32.msk $0xffff, v22  }
0x68: {  	[tilespmem:s19+$0x9770] =	vst.add.f32.msk $0xffff, v23  }
0x69: {  	[tilespmem:s19+$0x9780] =	vst.add.f32.msk $0xffff, v24  }
0x6a: {  	[tilespmem:s19+$0x9790] =	vst.add.f32.msk $0xffff, v25  }
.Ltmp0:
0x6b: {  	[tilespmem:s19+$0x97A0] =	vst.add.f32.msk $0xffff, v26;
	(pc) =	sbr.rel @p1 .LBB2_3-.Ltmp0, $4  }
0x6c: {  	[tilespmem:s19+$0x97B0] =	vst.add.f32.msk $0xffff, v27  }
0x6d: {  	[tilespmem:s19+$0x97C0] =	vst.add.f32.msk $0xffff, v28  }
0x6e: {  	[tilespmem:s19+$0x97D0] =	vst.add.f32.msk $0xffff, v29  }
0x6f: {  	[tilespmem:s19+$0x97E0] =	vst.add.f32.msk $0xffff, v30;
	s19 =	sshra.s32 s22, $0x2;
	s22 =	sadd.s32 $0x800, s22  }
0x70: {  	v0 =	vld [tilespmem:s19+$0x65F0]  }
0x71: {  	v1 =	vld [tilespmem:s19+$0x6400]  }
0x72: {  	v2 =	vld [tilespmem:s19+$0x6410]  }
0x73: {  	v3 =	vld [tilespmem:s19+$0x6420]  }
0x74: {  	v4 =	vld [tilespmem:s19+$0x6430]  }
0x75: {  	v63 =	vld [tilespmem:s19+$0x6440]  }
0x76: {  	v5 =	vld [tilespmem:s19+$0x6450]  }
0x77: {  	v6 =	vld [tilespmem:s19+$0x6460]  }
0x78: {  	v7 =	vld [tilespmem:s19+$0x6470]  }
0x79: {  	v8 =	vld [tilespmem:s19+$0x6480]  }
0x7a: {  	v9 =	vld [tilespmem:s19+$0x6490]  }
0x7b: {  	v10 =	vld [tilespmem:s19+$0x64A0]  }
0x7c: {  	v11 =	vld [tilespmem:s19+$0x64B0]  }
0x7d: {  	v12 =	vld [tilespmem:s19+$0x64C0]  }
0x7e: {  	v13 =	vld [tilespmem:s19+$0x64D0]  }
0x7f: {  	v14 =	vld [tilespmem:s19+$0x64E0]  }
0x80: {  	v15 =	vld [tilespmem:s19+$0x64F0]  }
0x81: {  	v16 =	vld [tilespmem:s19+$0x6500]  }
0x82: {  	v17 =	vld [tilespmem:s19+$0x6510]  }
0x83: {  	v18 =	vld [tilespmem:s19+$0x6520]  }
0x84: {  	v19 =	vld [tilespmem:s19+$0x6530]  }
0x85: {  	v20 =	vld [tilespmem:s19+$0x6540]  }
0x86: {  	v21 =	vld [tilespmem:s19+$0x6550]  }
0x87: {  	v22 =	vld [tilespmem:s19+$0x6560]  }
0x88: {  	v23 =	vld [tilespmem:s19+$0x6570]  }
0x89: {  	v24 =	vld [tilespmem:s19+$0x6580]  }
0x8a: {  	v25 =	vld [tilespmem:s19+$0x6590]  }
0x8b: {  	v26 =	vld [tilespmem:s19+$0x65A0]  }
0x8c: {  	v27 =	vld [tilespmem:s19+$0x65B0]  }
0x8d: {  	v28 =	vld [tilespmem:s19+$0x65C0]  }
0x8e: {  	v29 =	vld [tilespmem:s19+$0x65D0]  }
0x8f: {  	v30 =	vld [tilespmem:s19+$0x65E0]  }
0x90: {  	[tilespmem:s19+$0x97F0] =	vst.add.f32.msk $0xffff, v0  }
0x91: {  	[tilespmem:s19+$0x9600] =	vst.add.f32.msk $0xffff, v1  }
0x92: {  	[tilespmem:s19+$0x9610] =	vst.add.f32.msk $0xffff, v2  }
0x93: {  	[tilespmem:s19+$0x9620] =	vst.add.f32.msk $0xffff, v3  }
0x94: {  	[tilespmem:s19+$0x9630] =	vst.add.f32.msk $0xffff, v4  }
0x95: {  	[tilespmem:s19+$0x9640] =	vst.add.f32.msk $0xffff, v63  }
0x96: {  	[tilespmem:s19+$0x9650] =	vst.add.f32.msk $0xffff, v5  }
0x97: {  	[tilespmem:s19+$0x9660] =	vst.add.f32.msk $0xffff, v6  }
0x98: {  	[tilespmem:s19+$0x9670] =	vst.add.f32.msk $0xffff, v7  }
0x99: {  	[tilespmem:s19+$0x9680] =	vst.add.f32.msk $0xffff, v8  }
0x9a: {  	[tilespmem:s19+$0x9690] =	vst.add.f32.msk $0xffff, v9  }
0x9b: {  	[tilespmem:s19+$0x96A0] =	vst.add.f32.msk $0xffff, v10  }
0x9c: {  	[tilespmem:s19+$0x96B0] =	vst.add.f32.msk $0xffff, v11  }
0x9d: {  	[tilespmem:s19+$0x96C0] =	vst.add.f32.msk $0xffff, v12  }
0x9e: {  	[tilespmem:s19+$0x96D0] =	vst.add.f32.msk $0xffff, v13  }
0x9f: {  	[tilespmem:s19+$0x96E0] =	vst.add.f32.msk $0xffff, v14  }
0xa0: {  	[tilespmem:s19+$0x96F0] =	vst.add.f32.msk $0xffff, v15  }
0xa1: {  	[tilespmem:s19+$0x9700] =	vst.add.f32.msk $0xffff, v16  }
0xa2: {  	[tilespmem:s19+$0x9710] =	vst.add.f32.msk $0xffff, v17  }
0xa3: {  	[tilespmem:s19+$0x9720] =	vst.add.f32.msk $0xffff, v18  }
0xa4: {  	[tilespmem:s19+$0x9730] =	vst.add.f32.msk $0xffff, v19  }
0xa5: {  	[tilespmem:s19+$0x9740] =	vst.add.f32.msk $0xffff, v20  }
0xa6: {  	[tilespmem:s19+$0x9750] =	vst.add.f32.msk $0xffff, v21  }
0xa7: {  	[tilespmem:s19+$0x9760] =	vst.add.f32.msk $0xffff, v22  }
0xa8: {  	[tilespmem:s19+$0x9770] =	vst.add.f32.msk $0xffff, v23  }
0xa9: {  	[tilespmem:s19+$0x9780] =	vst.add.f32.msk $0xffff, v24  }
0xaa: {  	[tilespmem:s19+$0x9790] =	vst.add.f32.msk $0xffff, v25  }
0xab: {  	[tilespmem:s19+$0x97A0] =	vst.add.f32.msk $0xffff, v26  }
0xac: {  	s22 =	sadd.s32 s4, s21;
	[tilespmem:s19+$0x97B0] =	vst.add.f32.msk $0xffff, v27  }
0xad: {  	s22 =	smul.u32 $0x640, s22;
	[tilespmem:s19+$0x97C0] =	vst.add.f32.msk $0xffff, v28  }
0xae: {  	[tilespmem:s19+$0x97D0] =	vst.add.f32.msk $0xffff, v29  }
0xaf: {  	s25 =	sadd.s32 s2, s22;
	s22 =	simm.s32 @!p0 $0x8;
	[tilespmem:s19+$0x97E0] =	vst.add.f32.msk $0xffff, v30;
	s19 =	sor.u32 $0x3, s21  }
0xb0: {  	[hbm4b:s25+s3] =	stream.linear.scatter [tilespmem:s12], [sflag:$0x5], $0x3200, $0x38;
	[tilespmem:$0x15E00] =	vst v63  }
0xb1: {  	s23 =	smul.u32 @!p0 $0x320, s19;
	_ =	swait.ge @!p0 [sflag:s22], $0x3200  }
0xb2: {  	s25 =	simm.s32 @!p0 $0x12C00;
	[sflag:s22] =	ssyncset.done @!p0 $0x0  }
0xb3: {  	[sflag:s22] =	ssyncadd.s32 @!p0 $0xFFFFCE00;
	s22 =	sshra.s32 @!p0 s23, $0x2;
	s23 =	simm.s32 @!p0 $0x80  }
0xb4: {  	[tilespmem:s25], [sflag:$0x4] =	stream.indirect.gather @!p0 [hbm4b:s5+s23], $0x40, s22, s23, $0xb8;
	[tilespmem:$0x15E00] =	vst v63  }
0xb5: {  	s22 =	sadd.s32 @!p0 $0x80, s22;
	s23 =	simm.s32 @!p0 $0x48;
	s25 =	simm.s32 @!p0 $0x14C00  }
0xb6: {  	[tilespmem:s25], [sflag:$0x4] =	stream.indirect.gather @!p0 [hbm4b:s5+s23], $0x40, s22, s23, $0xb8;
	[tilespmem:$0x15E00] =	vst v63  }
0xb7: {  	_ =	swait.ge [sflag:s29], $0x3200  }
0xb8: {  	s21 =	sor.u32 $0x1, s21;
	[sflag:s29] =	ssyncset.done $0x0  }
0xb9: {  	s22 =	simm.s32 $0x0;
	s23 =	simm.s32 $0x800;
	[sflag:s29] =	ssyncadd.s32 $0xFFFFCE00  }
.LBB2_5:
0xba: {  	p0 =	sne.s32 s23, $0xC000;
	v0 =	vld [tilespmem:s22+$0x65F0]  }
0xbb: {  	v1 =	vld [tilespmem:s22+$0x6400]  }
0xbc: {  	v2 =	vld [tilespmem:s22+$0x6410]  }
0xbd: {  	v3 =	vld [tilespmem:s22+$0x6420]  }
0xbe: {  	v4 =	vld [tilespmem:s22+$0x6430]  }
0xbf: {  	[tilespmem:s22+$0xC9F0] =	vst.add.f32.msk $0xffff, v0  }
0xc0: {  	v0 =	vld [tilespmem:s22+$0x6440]  }
0xc1: {  	v5 =	vld [tilespmem:s22+$0x6450]  }
0xc2: {  	v6 =	vld [tilespmem:s22+$0x6460]  }
0xc3: {  	v7 =	vld [tilespmem:s22+$0x6470]  }
0xc4: {  	v8 =	vld [tilespmem:s22+$0x6480]  }
0xc5: {  	v9 =	vld [tilespmem:s22+$0x6490]  }
0xc6: {  	v10 =	vld [tilespmem:s22+$0x64A0]  }
0xc7: {  	v11 =	vld [tilespmem:s22+$0x64B0]  }
0xc8: {  	v12 =	vld [tilespmem:s22+$0x64C0]  }
0xc9: {  	v13 =	vld [tilespmem:s22+$0x64D0]  }
0xca: {  	v14 =	vld [tilespmem:s22+$0x64E0]  }
0xcb: {  	v15 =	vld [tilespmem:s22+$0x64F0]  }
0xcc: {  	v16 =	vld [tilespmem:s22+$0x6500]  }
0xcd: {  	v17 =	vld [tilespmem:s22+$0x6510]  }
0xce: {  	v18 =	vld [tilespmem:s22+$0x6520]  }
0xcf: {  	v19 =	vld [tilespmem:s22+$0x6530]  }
0xd0: {  	v20 =	vld [tilespmem:s22+$0x6540]  }
0xd1: {  	v21 =	vld [tilespmem:s22+$0x6550]  }
0xd2: {  	v22 =	vld [tilespmem:s22+$0x6560]  }
0xd3: {  	v23 =	vld [tilespmem:s22+$0x6570]  }
0xd4: {  	v24 =	vld [tilespmem:s22+$0x6580]  }
0xd5: {  	v25 =	vld [tilespmem:s22+$0x6590]  }
0xd6: {  	v26 =	vld [tilespmem:s22+$0x65A0]  }
0xd7: {  	v27 =	vld [tilespmem:s22+$0x65B0]  }
0xd8: {  	v28 =	vld [tilespmem:s22+$0x65C0]  }
0xd9: {  	v29 =	vld [tilespmem:s22+$0x65D0]  }
0xda: {  	v30 =	vld [tilespmem:s22+$0x65E0]  }
0xdb: {  	[tilespmem:s22+$0xC800] =	vst.add.f32.msk $0xffff, v1  }
0xdc: {  	[tilespmem:s22+$0xC810] =	vst.add.f32.msk $0xffff, v2  }
0xdd: {  	[tilespmem:s22+$0xC820] =	vst.add.f32.msk $0xffff, v3  }
0xde: {  	[tilespmem:s22+$0xC830] =	vst.add.f32.msk $0xffff, v4  }
0xdf: {  	[tilespmem:s22+$0xC840] =	vst.add.f32.msk $0xffff, v0  }
0xe0: {  	[tilespmem:s22+$0xC850] =	vst.add.f32.msk $0xffff, v5  }
0xe1: {  	[tilespmem:s22+$0xC860] =	vst.add.f32.msk $0xffff, v6  }
0xe2: {  	[tilespmem:s22+$0xC870] =	vst.add.f32.msk $0xffff, v7  }
0xe3: {  	[tilespmem:s22+$0xC880] =	vst.add.f32.msk $0xffff, v8  }
0xe4: {  	[tilespmem:s22+$0xC890] =	vst.add.f32.msk $0xffff, v9  }
0xe5: {  	[tilespmem:s22+$0xC8A0] =	vst.add.f32.msk $0xffff, v10  }
0xe6: {  	[tilespmem:s22+$0xC8B0] =	vst.add.f32.msk $0xffff, v11  }
0xe7: {  	[tilespmem:s22+$0xC8C0] =	vst.add.f32.msk $0xffff, v12  }
0xe8: {  	[tilespmem:s22+$0xC8D0] =	vst.add.f32.msk $0xffff, v13  }
0xe9: {  	[tilespmem:s22+$0xC8E0] =	vst.add.f32.msk $0xffff, v14  }
0xea: {  	[tilespmem:s22+$0xC8F0] =	vst.add.f32.msk $0xffff, v15  }
0xeb: {  	[tilespmem:s22+$0xC900] =	vst.add.f32.msk $0xffff, v16  }
0xec: {  	[tilespmem:s22+$0xC910] =	vst.add.f32.msk $0xffff, v17  }
0xed: {  	[tilespmem:s22+$0xC920] =	vst.add.f32.msk $0xffff, v18  }
0xee: {  	[tilespmem:s22+$0xC930] =	vst.add.f32.msk $0xffff, v19  }
0xef: {  	[tilespmem:s22+$0xC940] =	vst.add.f32.msk $0xffff, v20  }
0xf0: {  	[tilespmem:s22+$0xC950] =	vst.add.f32.msk $0xffff, v21  }
0xf1: {  	[tilespmem:s22+$0xC960] =	vst.add.f32.msk $0xffff, v22  }
0xf2: {  	[tilespmem:s22+$0xC970] =	vst.add.f32.msk $0xffff, v23  }
0xf3: {  	[tilespmem:s22+$0xC980] =	vst.add.f32.msk $0xffff, v24  }
0xf4: {  	[tilespmem:s22+$0xC990] =	vst.add.f32.msk $0xffff, v25  }
.Ltmp1:
0xf5: {  	[tilespmem:s22+$0xC9A0] =	vst.add.f32.msk $0xffff, v26;
	(pc) =	sbr.rel @p0 .LBB2_5-.Ltmp1, $4  }
0xf6: {  	[tilespmem:s22+$0xC9B0] =	vst.add.f32.msk $0xffff, v27  }
0xf7: {  	[tilespmem:s22+$0xC9C0] =	vst.add.f32.msk $0xffff, v28  }
0xf8: {  	[tilespmem:s22+$0xC9D0] =	vst.add.f32.msk $0xffff, v29  }
0xf9: {  	[tilespmem:s22+$0xC9E0] =	vst.add.f32.msk $0xffff, v30;
	s22 =	sshra.s32 s23, $0x2;
	s23 =	sadd.s32 $0x800, s23  }
0xfa: {  	v0 =	vld [tilespmem:s22+$0x65F0]  }
0xfb: {  	v1 =	vld [tilespmem:s22+$0x6400]  }
0xfc: {  	v2 =	vld [tilespmem:s22+$0x6410]  }
0xfd: {  	v3 =	vld [tilespmem:s22+$0x6420]  }
0xfe: {  	v4 =	vld [tilespmem:s22+$0x6430]  }
0xff: {  	v63 =	vld [tilespmem:s22+$0x6440]  }
0x100: {  	v5 =	vld [tilespmem:s22+$0x6450]  }
0x101: {  	v6 =	vld [tilespmem:s22+$0x6460]  }
0x102: {  	v7 =	vld [tilespmem:s22+$0x6470]  }
0x103: {  	v8 =	vld [tilespmem:s22+$0x6480]  }
0x104: {  	v9 =	vld [tilespmem:s22+$0x6490]  }
0x105: {  	v10 =	vld [tilespmem:s22+$0x64A0]  }
0x106: {  	v11 =	vld [tilespmem:s22+$0x64B0]  }
0x107: {  	v12 =	vld [tilespmem:s22+$0x64C0]  }
0x108: {  	v13 =	vld [tilespmem:s22+$0x64D0]  }
0x109: {  	v14 =	vld [tilespmem:s22+$0x64E0]  }
0x10a: {  	v15 =	vld [tilespmem:s22+$0x64F0]  }
0x10b: {  	v16 =	vld [tilespmem:s22+$0x6500]  }
0x10c: {  	v17 =	vld [tilespmem:s22+$0x6510]  }
0x10d: {  	v18 =	vld [tilespmem:s22+$0x6520]  }
0x10e: {  	v19 =	vld [tilespmem:s22+$0x6530]  }
0x10f: {  	v20 =	vld [tilespmem:s22+$0x6540]  }
0x110: {  	v21 =	vld [tilespmem:s22+$0x6550]  }
0x111: {  	v22 =	vld [tilespmem:s22+$0x6560]  }
0x112: {  	v23 =	vld [tilespmem:s22+$0x6570]  }
0x113: {  	v24 =	vld [tilespmem:s22+$0x6580]  }
0x114: {  	v25 =	vld [tilespmem:s22+$0x6590]  }
0x115: {  	v26 =	vld [tilespmem:s22+$0x65A0]  }
0x116: {  	v27 =	vld [tilespmem:s22+$0x65B0]  }
0x117: {  	v28 =	vld [tilespmem:s22+$0x65C0]  }
0x118: {  	v29 =	vld [tilespmem:s22+$0x65D0]  }
0x119: {  	v30 =	vld [tilespmem:s22+$0x65E0]  }
0x11a: {  	[tilespmem:s22+$0xC9F0] =	vst.add.f32.msk $0xffff, v0  }
0x11b: {  	[tilespmem:s22+$0xC800] =	vst.add.f32.msk $0xffff, v1  }
0x11c: {  	[tilespmem:s22+$0xC810] =	vst.add.f32.msk $0xffff, v2  }
0x11d: {  	[tilespmem:s22+$0xC820] =	vst.add.f32.msk $0xffff, v3  }
0x11e: {  	[tilespmem:s22+$0xC830] =	vst.add.f32.msk $0xffff, v4  }
0x11f: {  	[tilespmem:s22+$0xC840] =	vst.add.f32.msk $0xffff, v63  }
0x120: {  	[tilespmem:s22+$0xC850] =	vst.add.f32.msk $0xffff, v5  }
0x121: {  	[tilespmem:s22+$0xC860] =	vst.add.f32.msk $0xffff, v6  }
0x122: {  	[tilespmem:s22+$0xC870] =	vst.add.f32.msk $0xffff, v7  }
0x123: {  	[tilespmem:s22+$0xC880] =	vst.add.f32.msk $0xffff, v8  }
0x124: {  	[tilespmem:s22+$0xC890] =	vst.add.f32.msk $0xffff, v9  }
0x125: {  	[tilespmem:s22+$0xC8A0] =	vst.add.f32.msk $0xffff, v10  }
0x126: {  	[tilespmem:s22+$0xC8B0] =	vst.add.f32.msk $0xffff, v11  }
0x127: {  	[tilespmem:s22+$0xC8C0] =	vst.add.f32.msk $0xffff, v12  }
0x128: {  	[tilespmem:s22+$0xC8D0] =	vst.add.f32.msk $0xffff, v13  }
0x129: {  	[tilespmem:s22+$0xC8E0] =	vst.add.f32.msk $0xffff, v14  }
0x12a: {  	[tilespmem:s22+$0xC8F0] =	vst.add.f32.msk $0xffff, v15  }
0x12b: {  	[tilespmem:s22+$0xC900] =	vst.add.f32.msk $0xffff, v16  }
0x12c: {  	[tilespmem:s22+$0xC910] =	vst.add.f32.msk $0xffff, v17  }
0x12d: {  	[tilespmem:s22+$0xC920] =	vst.add.f32.msk $0xffff, v18  }
0x12e: {  	[tilespmem:s22+$0xC930] =	vst.add.f32.msk $0xffff, v19  }
0x12f: {  	[tilespmem:s22+$0xC940] =	vst.add.f32.msk $0xffff, v20  }
0x130: {  	[tilespmem:s22+$0xC950] =	vst.add.f32.msk $0xffff, v21  }
0x131: {  	[tilespmem:s22+$0xC960] =	vst.add.f32.msk $0xffff, v22  }
0x132: {  	[tilespmem:s22+$0xC970] =	vst.add.f32.msk $0xffff, v23  }
0x133: {  	[tilespmem:s22+$0xC980] =	vst.add.f32.msk $0xffff, v24  }
0x134: {  	[tilespmem:s22+$0xC990] =	vst.add.f32.msk $0xffff, v25  }
0x135: {  	[tilespmem:s22+$0xC9A0] =	vst.add.f32.msk $0xffff, v26  }
0x136: {  	s21 =	sadd.s32 s4, s21;
	[tilespmem:s22+$0xC9B0] =	vst.add.f32.msk $0xffff, v27  }
0x137: {  	s21 =	smul.u32 $0x640, s21;
	[tilespmem:s22+$0xC9C0] =	vst.add.f32.msk $0xffff, v28  }
0x138: {  	[tilespmem:s22+$0xC9D0] =	vst.add.f32.msk $0xffff, v29  }
0x139: {  	p0 =	seq.s32 s17, $0x1F;
	s21 =	sadd.s32 s2, s21;
	[tilespmem:s22+$0xC9E0] =	vst.add.f32.msk $0xffff, v30  }
0x13a: {  	[hbm4b:s21+s3] =	stream.linear.scatter [tilespmem:s16], [sflag:$0x6], $0x3200, $0x38;
	[tilespmem:$0x15E00] =	vst v63  }
0x13b: {  	s21 =	simm.s32 @!p0 $0x5  }
0x13c: {  	s22 =	smul.u32 @!p0 $0xC80, s17;
	_ =	swait.ge @!p0 [sflag:s21], $0x3200  }
0x13d: {  	[sflag:s21] =	ssyncset.done @!p0 $0x0  }
0x13e: {  	[sflag:s21] =	ssyncadd.s32 @!p0 $0xFFFFCE00;
	s21 =	sshra.s32 @!p0 s22, $0x2  }
0x13f: {  	s23 =	simm.s32 @!p0 $0x80;
	s25 =	simm.s32 @!p0 $0x9600;
	s22 =	sadd.s32 @!p0 $0x320, s21  }
0x140: {  	[tilespmem:s25], [sflag:$0x1] =	stream.indirect.gather @!p0 [hbm4b:s5+s23], $0x40, s22, s23, $0xb8;
	[tilespmem:$0x15E00] =	vst v63  }
0x141: {  	s22 =	sadd.s32 @!p0 $0x3A0, s21;
	s23 =	simm.s32 @!p0 $0x48;
	s25 =	simm.s32 @!p0 $0xB600  }
0x142: {  	[tilespmem:s25], [sflag:$0x1] =	stream.indirect.gather @!p0 [hbm4b:s5+s23], $0x40, s22, s23, $0xb8;
	[tilespmem:$0x15E00] =	vst v63  }
0x143: {  	_ =	swait.ge [sflag:s30], $0x3200  }
0x144: {  	[sflag:s30] =	ssyncset.done $0x0  }
0x145: {  	s22 =	simm.s32 $0x0;
	s23 =	simm.s32 $0x800;
	[sflag:s30] =	ssyncadd.s32 $0xFFFFCE00  }
.LBB2_7:
0x146: {  	p1 =	sne.s32 s23, $0xC000;
	v0 =	vld [tilespmem:s22+$0x65F0]  }
0x147: {  	v1 =	vld [tilespmem:s22+$0x6400]  }
0x148: {  	v2 =	vld [tilespmem:s22+$0x6410]  }
0x149: {  	v3 =	vld [tilespmem:s22+$0x6420]  }
0x14a: {  	v4 =	vld [tilespmem:s22+$0x6430]  }
0x14b: {  	[tilespmem:s22+$0xFBF0] =	vst.add.f32.msk $0xffff, v0  }
0x14c: {  	v0 =	vld [tilespmem:s22+$0x6440]  }
0x14d: {  	v5 =	vld [tilespmem:s22+$0x6450]  }
0x14e: {  	v6 =	vld [tilespmem:s22+$0x6460]  }
0x14f: {  	v7 =	vld [tilespmem:s22+$0x6470]  }
0x150: {  	v8 =	vld [tilespmem:s22+$0x6480]  }
0x151: {  	v9 =	vld [tilespmem:s22+$0x6490]  }
0x152: {  	v10 =	vld [tilespmem:s22+$0x64A0]  }
0x153: {  	v11 =	vld [tilespmem:s22+$0x64B0]  }
0x154: {  	v12 =	vld [tilespmem:s22+$0x64C0]  }
0x155: {  	v13 =	vld [tilespmem:s22+$0x64D0]  }
0x156: {  	v14 =	vld [tilespmem:s22+$0x64E0]  }
0x157: {  	v15 =	vld [tilespmem:s22+$0x64F0]  }
0x158: {  	v16 =	vld [tilespmem:s22+$0x6500]  }
0x159: {  	v17 =	vld [tilespmem:s22+$0x6510]  }
0x15a: {  	v18 =	vld [tilespmem:s22+$0x6520]  }
0x15b: {  	v19 =	vld [tilespmem:s22+$0x6530]  }
0x15c: {  	v20 =	vld [tilespmem:s22+$0x6540]  }
0x15d: {  	v21 =	vld [tilespmem:s22+$0x6550]  }
0x15e: {  	v22 =	vld [tilespmem:s22+$0x6560]  }
0x15f: {  	v23 =	vld [tilespmem:s22+$0x6570]  }
0x160: {  	v24 =	vld [tilespmem:s22+$0x6580]  }
0x161: {  	v25 =	vld [tilespmem:s22+$0x6590]  }
0x162: {  	v26 =	vld [tilespmem:s22+$0x65A0]  }
0x163: {  	v27 =	vld [tilespmem:s22+$0x65B0]  }
0x164: {  	v28 =	vld [tilespmem:s22+$0x65C0]  }
0x165: {  	v29 =	vld [tilespmem:s22+$0x65D0]  }
0x166: {  	v30 =	vld [tilespmem:s22+$0x65E0]  }
0x167: {  	[tilespmem:s22+$0xFA00] =	vst.add.f32.msk $0xffff, v1  }
0x168: {  	[tilespmem:s22+$0xFA10] =	vst.add.f32.msk $0xffff, v2  }
0x169: {  	[tilespmem:s22+$0xFA20] =	vst.add.f32.msk $0xffff, v3  }
0x16a: {  	[tilespmem:s22+$0xFA30] =	vst.add.f32.msk $0xffff, v4  }
0x16b: {  	[tilespmem:s22+$0xFA40] =	vst.add.f32.msk $0xffff, v0  }
0x16c: {  	[tilespmem:s22+$0xFA50] =	vst.add.f32.msk $0xffff, v5  }
0x16d: {  	[tilespmem:s22+$0xFA60] =	vst.add.f32.msk $0xffff, v6  }
0x16e: {  	[tilespmem:s22+$0xFA70] =	vst.add.f32.msk $0xffff, v7  }
0x16f: {  	[tilespmem:s22+$0xFA80] =	vst.add.f32.msk $0xffff, v8  }
0x170: {  	[tilespmem:s22+$0xFA90] =	vst.add.f32.msk $0xffff, v9  }
0x171: {  	[tilespmem:s22+$0xFAA0] =	vst.add.f32.msk $0xffff, v10  }
0x172: {  	[tilespmem:s22+$0xFAB0] =	vst.add.f32.msk $0xffff, v11  }
0x173: {  	[tilespmem:s22+$0xFAC0] =	vst.add.f32.msk $0xffff, v12  }
0x174: {  	[tilespmem:s22+$0xFAD0] =	vst.add.f32.msk $0xffff, v13  }
0x175: {  	[tilespmem:s22+$0xFAE0] =	vst.add.f32.msk $0xffff, v14  }
0x176: {  	[tilespmem:s22+$0xFAF0] =	vst.add.f32.msk $0xffff, v15  }
0x177: {  	[tilespmem:s22+$0xFB00] =	vst.add.f32.msk $0xffff, v16  }
0x178: {  	[tilespmem:s22+$0xFB10] =	vst.add.f32.msk $0xffff, v17  }
0x179: {  	[tilespmem:s22+$0xFB20] =	vst.add.f32.msk $0xffff, v18  }
0x17a: {  	[tilespmem:s22+$0xFB30] =	vst.add.f32.msk $0xffff, v19  }
0x17b: {  	[tilespmem:s22+$0xFB40] =	vst.add.f32.msk $0xffff, v20  }
0x17c: {  	[tilespmem:s22+$0xFB50] =	vst.add.f32.msk $0xffff, v21  }
0x17d: {  	[tilespmem:s22+$0xFB60] =	vst.add.f32.msk $0xffff, v22  }
0x17e: {  	[tilespmem:s22+$0xFB70] =	vst.add.f32.msk $0xffff, v23  }
0x17f: {  	[tilespmem:s22+$0xFB80] =	vst.add.f32.msk $0xffff, v24  }
0x180: {  	[tilespmem:s22+$0xFB90] =	vst.add.f32.msk $0xffff, v25  }
.Ltmp2:
0x181: {  	[tilespmem:s22+$0xFBA0] =	vst.add.f32.msk $0xffff, v26;
	(pc) =	sbr.rel @p1 .LBB2_7-.Ltmp2, $4  }
0x182: {  	[tilespmem:s22+$0xFBB0] =	vst.add.f32.msk $0xffff, v27  }
0x183: {  	[tilespmem:s22+$0xFBC0] =	vst.add.f32.msk $0xffff, v28  }
0x184: {  	[tilespmem:s22+$0xFBD0] =	vst.add.f32.msk $0xffff, v29  }
0x185: {  	[tilespmem:s22+$0xFBE0] =	vst.add.f32.msk $0xffff, v30;
	s22 =	sshra.s32 s23, $0x2;
	s23 =	sadd.s32 $0x800, s23  }
0x186: {  	v0 =	vld [tilespmem:s22+$0x65F0]  }
0x187: {  	v1 =	vld [tilespmem:s22+$0x6400]  }
0x188: {  	v2 =	vld [tilespmem:s22+$0x6410]  }
0x189: {  	v3 =	vld [tilespmem:s22+$0x6420]  }
0x18a: {  	v4 =	vld [tilespmem:s22+$0x6430]  }
0x18b: {  	v63 =	vld [tilespmem:s22+$0x6440]  }
0x18c: {  	v5 =	vld [tilespmem:s22+$0x6450]  }
0x18d: {  	v6 =	vld [tilespmem:s22+$0x6460]  }
0x18e: {  	v7 =	vld [tilespmem:s22+$0x6470]  }
0x18f: {  	v8 =	vld [tilespmem:s22+$0x6480]  }
0x190: {  	v9 =	vld [tilespmem:s22+$0x6490]  }
0x191: {  	v10 =	vld [tilespmem:s22+$0x64A0]  }
0x192: {  	v11 =	vld [tilespmem:s22+$0x64B0]  }
0x193: {  	v12 =	vld [tilespmem:s22+$0x64C0]  }
0x194: {  	v13 =	vld [tilespmem:s22+$0x64D0]  }
0x195: {  	v14 =	vld [tilespmem:s22+$0x64E0]  }
0x196: {  	v15 =	vld [tilespmem:s22+$0x64F0]  }
0x197: {  	v16 =	vld [tilespmem:s22+$0x6500]  }
0x198: {  	v17 =	vld [tilespmem:s22+$0x6510]  }
0x199: {  	v18 =	vld [tilespmem:s22+$0x6520]  }
0x19a: {  	v19 =	vld [tilespmem:s22+$0x6530]  }
0x19b: {  	v20 =	vld [tilespmem:s22+$0x6540]  }
0x19c: {  	v21 =	vld [tilespmem:s22+$0x6550]  }
0x19d: {  	v22 =	vld [tilespmem:s22+$0x6560]  }
0x19e: {  	v23 =	vld [tilespmem:s22+$0x6570]  }
0x19f: {  	v24 =	vld [tilespmem:s22+$0x6580]  }
0x1a0: {  	v25 =	vld [tilespmem:s22+$0x6590]  }
0x1a1: {  	v26 =	vld [tilespmem:s22+$0x65A0]  }
0x1a2: {  	v27 =	vld [tilespmem:s22+$0x65B0]  }
0x1a3: {  	v28 =	vld [tilespmem:s22+$0x65C0]  }
0x1a4: {  	v29 =	vld [tilespmem:s22+$0x65D0]  }
0x1a5: {  	v30 =	vld [tilespmem:s22+$0x65E0]  }
0x1a6: {  	[tilespmem:s22+$0xFBF0] =	vst.add.f32.msk $0xffff, v0  }
0x1a7: {  	[tilespmem:s22+$0xFA00] =	vst.add.f32.msk $0xffff, v1  }
0x1a8: {  	[tilespmem:s22+$0xFA10] =	vst.add.f32.msk $0xffff, v2  }
0x1a9: {  	[tilespmem:s22+$0xFA20] =	vst.add.f32.msk $0xffff, v3  }
0x1aa: {  	[tilespmem:s22+$0xFA30] =	vst.add.f32.msk $0xffff, v4  }
0x1ab: {  	[tilespmem:s22+$0xFA40] =	vst.add.f32.msk $0xffff, v63  }
0x1ac: {  	[tilespmem:s22+$0xFA50] =	vst.add.f32.msk $0xffff, v5  }
0x1ad: {  	[tilespmem:s22+$0xFA60] =	vst.add.f32.msk $0xffff, v6  }
0x1ae: {  	[tilespmem:s22+$0xFA70] =	vst.add.f32.msk $0xffff, v7  }
0x1af: {  	[tilespmem:s22+$0xFA80] =	vst.add.f32.msk $0xffff, v8  }
0x1b0: {  	[tilespmem:s22+$0xFA90] =	vst.add.f32.msk $0xffff, v9  }
0x1b1: {  	[tilespmem:s22+$0xFAA0] =	vst.add.f32.msk $0xffff, v10  }
0x1b2: {  	[tilespmem:s22+$0xFAB0] =	vst.add.f32.msk $0xffff, v11  }
0x1b3: {  	[tilespmem:s22+$0xFAC0] =	vst.add.f32.msk $0xffff, v12  }
0x1b4: {  	[tilespmem:s22+$0xFAD0] =	vst.add.f32.msk $0xffff, v13  }
0x1b5: {  	[tilespmem:s22+$0xFAE0] =	vst.add.f32.msk $0xffff, v14  }
0x1b6: {  	[tilespmem:s22+$0xFAF0] =	vst.add.f32.msk $0xffff, v15  }
0x1b7: {  	[tilespmem:s22+$0xFB00] =	vst.add.f32.msk $0xffff, v16  }
0x1b8: {  	[tilespmem:s22+$0xFB10] =	vst.add.f32.msk $0xffff, v17  }
0x1b9: {  	[tilespmem:s22+$0xFB20] =	vst.add.f32.msk $0xffff, v18  }
0x1ba: {  	[tilespmem:s22+$0xFB30] =	vst.add.f32.msk $0xffff, v19  }
0x1bb: {  	[tilespmem:s22+$0xFB40] =	vst.add.f32.msk $0xffff, v20  }
0x1bc: {  	[tilespmem:s22+$0xFB50] =	vst.add.f32.msk $0xffff, v21  }
0x1bd: {  	[tilespmem:s22+$0xFB60] =	vst.add.f32.msk $0xffff, v22  }
0x1be: {  	[tilespmem:s22+$0xFB70] =	vst.add.f32.msk $0xffff, v23  }
0x1bf: {  	[tilespmem:s22+$0xFB80] =	vst.add.f32.msk $0xffff, v24  }
0x1c0: {  	[tilespmem:s22+$0xFB90] =	vst.add.f32.msk $0xffff, v25  }
0x1c1: {  	[tilespmem:s22+$0xFBA0] =	vst.add.f32.msk $0xffff, v26  }
0x1c2: {  	s18 =	sadd.s32 s4, s18;
	[tilespmem:s22+$0xFBB0] =	vst.add.f32.msk $0xffff, v27  }
0x1c3: {  	s18 =	smul.u32 $0x640, s18;
	[tilespmem:s22+$0xFBC0] =	vst.add.f32.msk $0xffff, v28  }
0x1c4: {  	[tilespmem:s22+$0xFBD0] =	vst.add.f32.msk $0xffff, v29  }
0x1c5: {  	s18 =	sadd.s32 s2, s18;
	[tilespmem:s22+$0xFBE0] =	vst.add.f32.msk $0xffff, v30  }
0x1c6: {  	[hbm4b:s18+s3] =	stream.linear.scatter [tilespmem:s20], [sflag:$0x7], $0x3200, $0x38;
	[tilespmem:$0x15E00] =	vst v63  }
0x1c7: {  	s18 =	simm.s32 @!p0 $0x6  }
0x1c8: {  	_ =	swait.ge @!p0 [sflag:s18], $0x3200  }
0x1c9: {  	s23 =	simm.s32 @!p0 $0xC800;
	[sflag:s18] =	ssyncset.done @!p0 $0x0  }
0x1ca: {  	s22 =	simm.s32 @!p0 $0x80;
	[sflag:s18] =	ssyncadd.s32 @!p0 $0xFFFFCE00;
	s18 =	sadd.s32 @!p0 $0x3E8, s21  }
0x1cb: {  	[tilespmem:s23], [sflag:$0x2] =	stream.indirect.gather @!p0 [hbm4b:s5+s22], $0x40, s18, s22, $0xb8;
	[tilespmem:$0x15E00] =	vst v63  }
0x1cc: {  	s18 =	sadd.s32 @!p0 $0x468, s21;
	s21 =	simm.s32 @!p0 $0x48;
	s22 =	simm.s32 @!p0 $0xE800  }
0x1cd: {  	[tilespmem:s22], [sflag:$0x2] =	stream.indirect.gather @!p0 [hbm4b:s5+s21], $0x40, s18, s21, $0xb8;
	[tilespmem:$0x15E00] =	vst v63  }
0x1ce: {  	_ =	swait.ge [sflag:s31], $0x3200  }
0x1cf: {  	[sflag:s31] =	ssyncset.done $0x0  }
0x1d0: {  	s18 =	simm.s32 $0x0;
	s21 =	simm.s32 $0x800;
	[sflag:s31] =	ssyncadd.s32 $0xFFFFCE00  }
.LBB2_9:
0x1d1: {  	p0 =	sne.s32 s21, $0xC000;
	v0 =	vld [tilespmem:s18+$0x65F0]  }
0x1d2: {  	v1 =	vld [tilespmem:s18+$0x6400]  }
0x1d3: {  	v2 =	vld [tilespmem:s18+$0x6410]  }
0x1d4: {  	v3 =	vld [tilespmem:s18+$0x6420]  }
0x1d5: {  	v4 =	vld [tilespmem:s18+$0x6430]  }
0x1d6: {  	[tilespmem:s18+$0x12DF0] =	vst.add.f32.msk $0xffff, v0  }
0x1d7: {  	v0 =	vld [tilespmem:s18+$0x6440]  }
0x1d8: {  	v5 =	vld [tilespmem:s18+$0x6450]  }
0x1d9: {  	v6 =	vld [tilespmem:s18+$0x6460]  }
0x1da: {  	v7 =	vld [tilespmem:s18+$0x6470]  }
0x1db: {  	v8 =	vld [tilespmem:s18+$0x6480]  }
0x1dc: {  	v9 =	vld [tilespmem:s18+$0x6490]  }
0x1dd: {  	v10 =	vld [tilespmem:s18+$0x64A0]  }
0x1de: {  	v11 =	vld [tilespmem:s18+$0x64B0]  }
0x1df: {  	v12 =	vld [tilespmem:s18+$0x64C0]  }
0x1e0: {  	v13 =	vld [tilespmem:s18+$0x64D0]  }
0x1e1: {  	v14 =	vld [tilespmem:s18+$0x64E0]  }
0x1e2: {  	v15 =	vld [tilespmem:s18+$0x64F0]  }
0x1e3: {  	v16 =	vld [tilespmem:s18+$0x6500]  }
0x1e4: {  	v17 =	vld [tilespmem:s18+$0x6510]  }
0x1e5: {  	v18 =	vld [tilespmem:s18+$0x6520]  }
0x1e6: {  	v19 =	vld [tilespmem:s18+$0x6530]  }
0x1e7: {  	v20 =	vld [tilespmem:s18+$0x6540]  }
0x1e8: {  	v21 =	vld [tilespmem:s18+$0x6550]  }
0x1e9: {  	v22 =	vld [tilespmem:s18+$0x6560]  }
0x1ea: {  	v23 =	vld [tilespmem:s18+$0x6570]  }
0x1eb: {  	v24 =	vld [tilespmem:s18+$0x6580]  }
0x1ec: {  	v25 =	vld [tilespmem:s18+$0x6590]  }
0x1ed: {  	v26 =	vld [tilespmem:s18+$0x65A0]  }
0x1ee: {  	v27 =	vld [tilespmem:s18+$0x65B0]  }
0x1ef: {  	v28 =	vld [tilespmem:s18+$0x65C0]  }
0x1f0: {  	v29 =	vld [tilespmem:s18+$0x65D0]  }
0x1f1: {  	v30 =	vld [tilespmem:s18+$0x65E0]  }
0x1f2: {  	[tilespmem:s18+$0x12C00] =	vst.add.f32.msk $0xffff, v1  }
0x1f3: {  	[tilespmem:s18+$0x12C10] =	vst.add.f32.msk $0xffff, v2  }
0x1f4: {  	[tilespmem:s18+$0x12C20] =	vst.add.f32.msk $0xffff, v3  }
0x1f5: {  	[tilespmem:s18+$0x12C30] =	vst.add.f32.msk $0xffff, v4  }
0x1f6: {  	[tilespmem:s18+$0x12C40] =	vst.add.f32.msk $0xffff, v0  }
0x1f7: {  	[tilespmem:s18+$0x12C50] =	vst.add.f32.msk $0xffff, v5  }
0x1f8: {  	[tilespmem:s18+$0x12C60] =	vst.add.f32.msk $0xffff, v6  }
0x1f9: {  	[tilespmem:s18+$0x12C70] =	vst.add.f32.msk $0xffff, v7  }
0x1fa: {  	[tilespmem:s18+$0x12C80] =	vst.add.f32.msk $0xffff, v8  }
0x1fb: {  	[tilespmem:s18+$0x12C90] =	vst.add.f32.msk $0xffff, v9  }
0x1fc: {  	[tilespmem:s18+$0x12CA0] =	vst.add.f32.msk $0xffff, v10  }
0x1fd: {  	[tilespmem:s18+$0x12CB0] =	vst.add.f32.msk $0xffff, v11  }
0x1fe: {  	[tilespmem:s18+$0x12CC0] =	vst.add.f32.msk $0xffff, v12  }
0x1ff: {  	[tilespmem:s18+$0x12CD0] =	vst.add.f32.msk $0xffff, v13  }
0x200: {  	[tilespmem:s18+$0x12CE0] =	vst.add.f32.msk $0xffff, v14  }
0x201: {  	[tilespmem:s18+$0x12CF0] =	vst.add.f32.msk $0xffff, v15  }
0x202: {  	[tilespmem:s18+$0x12D00] =	vst.add.f32.msk $0xffff, v16  }
0x203: {  	[tilespmem:s18+$0x12D10] =	vst.add.f32.msk $0xffff, v17  }
0x204: {  	[tilespmem:s18+$0x12D20] =	vst.add.f32.msk $0xffff, v18  }
0x205: {  	[tilespmem:s18+$0x12D30] =	vst.add.f32.msk $0xffff, v19  }
0x206: {  	[tilespmem:s18+$0x12D40] =	vst.add.f32.msk $0xffff, v20  }
0x207: {  	[tilespmem:s18+$0x12D50] =	vst.add.f32.msk $0xffff, v21  }
0x208: {  	[tilespmem:s18+$0x12D60] =	vst.add.f32.msk $0xffff, v22  }
0x209: {  	[tilespmem:s18+$0x12D70] =	vst.add.f32.msk $0xffff, v23  }
0x20a: {  	[tilespmem:s18+$0x12D80] =	vst.add.f32.msk $0xffff, v24  }
0x20b: {  	[tilespmem:s18+$0x12D90] =	vst.add.f32.msk $0xffff, v25  }
.Ltmp3:
0x20c: {  	[tilespmem:s18+$0x12DA0] =	vst.add.f32.msk $0xffff, v26;
	(pc) =	sbr.rel @p0 .LBB2_9-.Ltmp3, $4  }
0x20d: {  	[tilespmem:s18+$0x12DB0] =	vst.add.f32.msk $0xffff, v27  }
0x20e: {  	[tilespmem:s18+$0x12DC0] =	vst.add.f32.msk $0xffff, v28  }
0x20f: {  	[tilespmem:s18+$0x12DD0] =	vst.add.f32.msk $0xffff, v29  }
0x210: {  	[tilespmem:s18+$0x12DE0] =	vst.add.f32.msk $0xffff, v30;
	s18 =	sshra.s32 s21, $0x2;
	s21 =	sadd.s32 $0x800, s21  }
0x211: {  	v0 =	vld [tilespmem:s18+$0x65F0]  }
0x212: {  	v1 =	vld [tilespmem:s18+$0x6400]  }
0x213: {  	v2 =	vld [tilespmem:s18+$0x6410]  }
0x214: {  	v3 =	vld [tilespmem:s18+$0x6420]  }
0x215: {  	v4 =	vld [tilespmem:s18+$0x6430]  }
0x216: {  	v63 =	vld [tilespmem:s18+$0x6440]  }
0x217: {  	v5 =	vld [tilespmem:s18+$0x6450]  }
0x218: {  	v6 =	vld [tilespmem:s18+$0x6460]  }
0x219: {  	v7 =	vld [tilespmem:s18+$0x6470]  }
0x21a: {  	v8 =	vld [tilespmem:s18+$0x6480]  }
0x21b: {  	v9 =	vld [tilespmem:s18+$0x6490]  }
0x21c: {  	v10 =	vld [tilespmem:s18+$0x64A0]  }
0x21d: {  	v11 =	vld [tilespmem:s18+$0x64B0]  }
0x21e: {  	v12 =	vld [tilespmem:s18+$0x64C0]  }
0x21f: {  	v13 =	vld [tilespmem:s18+$0x64D0]  }
0x220: {  	v14 =	vld [tilespmem:s18+$0x64E0]  }
0x221: {  	v15 =	vld [tilespmem:s18+$0x64F0]  }
0x222: {  	v16 =	vld [tilespmem:s18+$0x6500]  }
0x223: {  	v17 =	vld [tilespmem:s18+$0x6510]  }
0x224: {  	v18 =	vld [tilespmem:s18+$0x6520]  }
0x225: {  	v19 =	vld [tilespmem:s18+$0x6530]  }
0x226: {  	v20 =	vld [tilespmem:s18+$0x6540]  }
0x227: {  	v21 =	vld [tilespmem:s18+$0x6550]  }
0x228: {  	v22 =	vld [tilespmem:s18+$0x6560]  }
0x229: {  	v23 =	vld [tilespmem:s18+$0x6570]  }
0x22a: {  	v24 =	vld [tilespmem:s18+$0x6580]  }
0x22b: {  	v25 =	vld [tilespmem:s18+$0x6590]  }
0x22c: {  	v26 =	vld [tilespmem:s18+$0x65A0]  }
0x22d: {  	v27 =	vld [tilespmem:s18+$0x65B0]  }
0x22e: {  	v28 =	vld [tilespmem:s18+$0x65C0]  }
0x22f: {  	v29 =	vld [tilespmem:s18+$0x65D0]  }
0x230: {  	v30 =	vld [tilespmem:s18+$0x65E0]  }
0x231: {  	[tilespmem:s18+$0x12DF0] =	vst.add.f32.msk $0xffff, v0  }
0x232: {  	[tilespmem:s18+$0x12C00] =	vst.add.f32.msk $0xffff, v1  }
0x233: {  	[tilespmem:s18+$0x12C10] =	vst.add.f32.msk $0xffff, v2  }
0x234: {  	[tilespmem:s18+$0x12C20] =	vst.add.f32.msk $0xffff, v3  }
0x235: {  	[tilespmem:s18+$0x12C30] =	vst.add.f32.msk $0xffff, v4  }
0x236: {  	[tilespmem:s18+$0x12C40] =	vst.add.f32.msk $0xffff, v63  }
0x237: {  	[tilespmem:s18+$0x12C50] =	vst.add.f32.msk $0xffff, v5  }
0x238: {  	[tilespmem:s18+$0x12C60] =	vst.add.f32.msk $0xffff, v6  }
0x239: {  	[tilespmem:s18+$0x12C70] =	vst.add.f32.msk $0xffff, v7  }
0x23a: {  	[tilespmem:s18+$0x12C80] =	vst.add.f32.msk $0xffff, v8  }
0x23b: {  	[tilespmem:s18+$0x12C90] =	vst.add.f32.msk $0xffff, v9  }
0x23c: {  	[tilespmem:s18+$0x12CA0] =	vst.add.f32.msk $0xffff, v10  }
0x23d: {  	[tilespmem:s18+$0x12CB0] =	vst.add.f32.msk $0xffff, v11  }
0x23e: {  	[tilespmem:s18+$0x12CC0] =	vst.add.f32.msk $0xffff, v12  }
0x23f: {  	[tilespmem:s18+$0x12CD0] =	vst.add.f32.msk $0xffff, v13  }
0x240: {  	[tilespmem:s18+$0x12CE0] =	vst.add.f32.msk $0xffff, v14  }
0x241: {  	[tilespmem:s18+$0x12CF0] =	vst.add.f32.msk $0xffff, v15  }
0x242: {  	[tilespmem:s18+$0x12D00] =	vst.add.f32.msk $0xffff, v16  }
0x243: {  	[tilespmem:s18+$0x12D10] =	vst.add.f32.msk $0xffff, v17  }
0x244: {  	[tilespmem:s18+$0x12D20] =	vst.add.f32.msk $0xffff, v18  }
0x245: {  	[tilespmem:s18+$0x12D30] =	vst.add.f32.msk $0xffff, v19  }
0x246: {  	[tilespmem:s18+$0x12D40] =	vst.add.f32.msk $0xffff, v20  }
0x247: {  	[tilespmem:s18+$0x12D50] =	vst.add.f32.msk $0xffff, v21  }
0x248: {  	[tilespmem:s18+$0x12D60] =	vst.add.f32.msk $0xffff, v22  }
0x249: {  	[tilespmem:s18+$0x12D70] =	vst.add.f32.msk $0xffff, v23  }
0x24a: {  	[tilespmem:s18+$0x12D80] =	vst.add.f32.msk $0xffff, v24  }
0x24b: {  	s17 =	sadd.s32 $0x1, s17;
	[tilespmem:s18+$0x12D90] =	vst.add.f32.msk $0xffff, v25  }
0x24c: {  	p0 =	sne.s32 s17, $0x20;
	[tilespmem:s18+$0x12DA0] =	vst.add.f32.msk $0xffff, v26  }
.Ltmp4:
0x24d: {  	s19 =	sadd.s32 s4, s19;
	[tilespmem:s18+$0x12DB0] =	vst.add.f32.msk $0xffff, v27;
	(pc) =	sbr.rel @p0 .LBB2_2-.Ltmp4, $4  }
0x24e: {  	s19 =	smul.u32 $0x640, s19;
	[tilespmem:s18+$0x12DC0] =	vst.add.f32.msk $0xffff, v28  }
0x24f: {  	[tilespmem:s18+$0x12DD0] =	vst.add.f32.msk $0xffff, v29  }
0x250: {  	s25 =	sadd.s32 s2, s19;
	[tilespmem:s18+$0x12DE0] =	vst.add.f32.msk $0xffff, v30  }
0x251: {  	[hbm4b:s25+s3] =	stream.linear.scatter [tilespmem:s24], [sflag:$0x8], $0x3200, $0x38;
	[tilespmem:$0x15E00] =	vst v63  }
0x252: {  	_ =	swait.ge [sflag:s1], $0x3200  }
0x253: {  	[sflag:s1] =	ssyncset.done $0x0  }
0x254: {  	[sflag:s1] =	ssyncadd.s32 $0xFFFFCE00  }
0x255: {  	_ =	swait.ge [sflag:s0], $0x3200  }
0x256: {  	[sflag:s0] =	ssyncset.done $0x0  }
0x257: {  	s15 =	sadd.s32 $0x1, s15;
	[sflag:s0] =	ssyncadd.s32 $0xFFFFCE00  }
0x258: {  	p0 =	sne.s32 s15, s8;
	_ =	swait.ge [sflag:s10], $0x3200  }
.Ltmp5:
0x259: {  	[sflag:s10] =	ssyncset.done $0x0;
	(pc) =	sbr.rel @p0 .LBB2_1-.Ltmp5, $4  }
0x25a: {  	[sflag:s10] =	ssyncadd.s32 $0xFFFFCE00  }
0x25b: {  	_ =	swait.ge [sflag:s14], $0x3200  }
0x25c: {  	[sflag:s14] =	ssyncset.done $0x0  }
0x25d: {  	[sflag:s14] =	ssyncadd.s32 $0xFFFFCE00  }
0x25e: {  	_ =	sfence.sel $0x180000  }
0x25f: {  	[bflag:$0x0] =	sbarrier.arrive $0xFFFF  }
0x260: {  	_ =	strace $0x90000047  }
0x261: {  	s0 =	stileid.u32;
	[bflag:$0x2] =	sbarrier.arrive $0xFFFF  }
0x262: {  	p0 =	sne.s32 s0, $0x0;
	s0 =	rddreg [dreg:$0x2]  }
0x263: {  	s0 =	sadd.s32 @!p0 $0x100000, s0  }
0x264: {  	[sflag:s0] =	ssyncadd.tile.s32 @!p0 $0x1;
	_ =	shalt  }
.Lfunc_end2:
_tile_overlayer_lowered:
.L_overlay_start_2:
0x265: {  	(tag) =	ssettag $0x2  }
0x266: {  	s0 =	rddreg [dreg:$0x0];
	s2 =	stileid.u32  }
0x267: {  	s1 =	rddreg [dreg:$0x1];
	p0 =	sne.s32 s2, $0x0  }
0x268: {  	s3 =	rddreg [dreg:$0x2];
	[bflag:$0x3] =	sbarrier.arrive $0xFFFF;
	s2 =	simm.s32 @!p0 $0x1C09  }
0x269: {  	[timem:s3], [sflag:s2] =	dma.local @!p0 [hbm:s0], s1  }
0x26a: {  	s0 =	simm.s32 @!p0 $0x9  }
0x26b: {  	_ =	swait.ge @!p0 [sflag:s0], s1  }
0x26c: {  	s1 =	ssub.s32 @!p0 $0x0, s1;
	[sflag:s0] =	ssyncset.done @!p0 $0x0  }
0x26d: {  	[sflag:s0] =	ssyncadd.s32 @!p0 s1  }
0x26e: {  	[bflag:$0x3] =	sbarrier.arrive $0xFFFF  }
0x26f: {  	_ =	shalt  }

// kernel: sparse-core-data-format-call.cloned.1.call-start
scs
called_computation_lowered:
.L_overlay_start_0:
0x0: {  	s2 =	sld [smem:$0x3FD9]  }
0x1: {  	s3 =	sld [smem:$0x3FFE];
	_ =	sdelay $0x1  }
0x2: {  	s1 =	srdreg.scid  }
0x3: {  	s0 =	sand.u32 $0x1, s1  }
0x4: {  	s18 =	sshll.u32 s0, $0xA;
	s2 =	sadd.s32 s3, s2  }
0x5: {  	s2 =	sadd.s32 s2, s18  }
0x6: {  	[smem:$0x3FC5] =	sst s2  }
0x7: {  	_ = 	snop  }
0x8: {  	s2 =	sld [smem:$0x3FD0];
	(tm) =	ssettm $0x1  }
0x9: {  	s19 =	sld [smem:$0x3FFB];
	_ =	sdelay $0x3  }
0xa: {  	_ =	strace s19  }
0xb: {  	s3 =	sld [smem:$0x3FFC];
	_ =	sdelay $0x3  }
0xc: {  	_ =	strace s3  }
0xd: {  	s3 =	sld [smem:$0x3FFD];
	_ =	sdelay $0x3  }
0xe: {  	_ =	strace s3  }
0xf: {  	_ =	strace $0x8FFFFFFF  }
0x10: {  	s20 =	sld [smem:$0x3FDB];
	_ =	sdelay $0x1  }
0x11: {  	s4 =	simm.s32 $_scs_section_size  }
0x12: {  	s5 =	simm.s32 $_size__tile_overlayer_lowered;
	s6 =	simm.s32 $_tile_overlayer_lowered  }
0x13: {  	s23 =	simm.s32 $0x1BFF;
	s22 =	sshll.u32 s6, $0x1;
	s3 =	sadd.s32 s4, s20  }
0x14: {  	s7 =	simm.s32 $0x0;
	s21 =	sshll.u32 s5, $0x1;
	s5 =	sadd.s32 s22, s3  }
0x15: {  	[timem:s7], [sflag:s23] =	dma.local [hbm:s5], s21  }
0x16: {  	_ =	swait.ge [sflag:s23], s21  }
0x17: {  	s4 =	ssub.s32 $0x0, s21;
	[sflag:s23] =	ssyncset.done $0x0  }
0x18: {  	[sflag:s23] =	ssyncadd.s32 s4;
	_ =	sdelay $0x1  }
0x19: {  	s24 =	simm.s32 $0x1B8B  }
0x1a: {  	_ =	swait.ge [sflag:s24], $0x1  }
0x1b: {  	[sflag:s24] =	ssyncset.done $0x0  }
0x1c: {  	s26 =	simm.s32 $0x1B8E;
	s25 =	sld [smem:$0x3FFE];
	[sflag:s24] =	ssyncadd.s32 $0xFFFFFFFF  }
0x1d: {  	s27 =	simm.s32 $execute0_lowered;
	[smem:$0x3FD2] =	sst s26  }
0x1e: {  	s5 =	sshll.u32 s27, $0x1;
	_ =	strace $0x80000049;
	[dreg:$0x1] =	wrdreg $0xFFFFFFFF  }
0x1f: {  	s28 =	simm.s32 $_size_execute0_lowered;
	s3 =	sadd.s32 s3, s5;
	[dreg:$0x0] =	wrdreg $0x0  }
0x20: {  	s5 =	sshll.u32 s28, $0x1;
	[dreg:$0x2] =	wrdreg s3  }
0x21: {  	[dreg:$0x3] =	wrdreg s5  }
0x22: {  	[dreg:$0x4] =	wrdreg $0xC0  }
0x23: {  	_ =	task [dreg:s7], $0x5FFFF  }
0x24: {  	[dreg:$0x1] =	wrdreg $0xFFFFFFFF  }
0x25: {  	[dreg:$0x0] =	wrdreg $0x60  }
0x26: {  	[dreg:$0x2] =	wrdreg s25  }
0x27: {  	[dreg:$0x3] =	wrdreg s2  }
0x28: {  	[dreg:$0x4] =	wrdreg $0x9  }
0x29: {  	_ =	task.clear_ibuf [dreg:s7], $0x5FFFF;
	_ =	strace $0x90000049  }
0x2a: {  	s29 =	simm.s32 $0x9;
	_ =	strace $0x8000004B  }
0x2b: {  	_ =	swait.ge [sflag:s29], $0x1  }
0x2c: {  	[sflag:s29] =	ssyncadd.s32 $0xFFFFFFFF  }
0x2d: {  	_ =	strace $0x9000004B  }
0x2e: {  	_ =	sfence  }
0x2f: {  	s30 =	sld [smem:$0x0];
	_ =	sdelay $0x2  }
0x30: {  	s31 =	sshll.u32 s1, $0xD;
	s1 =	sshrl.u32 s1, $0x2  }
0x31: {  	s3 =	sand.u32 $0x4000, s31;
	s1 =	sadd.s32 s1, s30  }
0x32: {  	s0 =	sor.u32 s3, s0;
	s1 =	sshll.u32 s1, $0x11  }
0x33: {  	s0 =	sor.u32 s1, s0  }
0x34: {  	s0 =	sadd.s32 $0x8F2B, s0  }
0x35: {  	[sflag:s0] =	ssyncadd.remote.s32 $0x1  }
0x36: {  	_ =	sfence.sel $0xFFFF  }
0x37: {  	[dreg:$0x0] =	wrdreg $0xFFFFFFFF;
	(pc) =	sbr.abs _section_cstart, $3  }
0x38: {  	[dreg:$0x1] =	wrdreg $0xFFFFFFFF  }
0x39: {  	_ =	task.clear_ibuf [dreg:s7], $0x2FFFF;
	_ =	strace $0x9FFFFFFF  }
0x3a: {  	(tm) =	ssettm $0x7FFFFFFF  }
0x3b: {  	_ =	shalt  }
tec
execute0_lowered:
.L_overlay_start_1:
0x0: {  	(tag) =	ssettag $0x1  }
0x1: {  	s0 =	srdreg.scid  }
0x2: {  	s1 =	sshll.u32 s0, $0x4  }
0x3: {  	s0 =	stileid.u32;
	s1 =	sand.u32 $0x10, s1  }
0x4: {  	s1 =	sor.u32 s0, s1  }
0x5: {  	s6 =	rddreg [dreg:$0x0];
	s4 =	simm.s32 $0x1;
	s2 =	sshll.u32 s1, $0x7  }
0x6: {  	s7 =	simm.s32 $0x2;
	s12 =	simm.s32 $0x0;
	s1 =	ssub.s32 $0x1000, s2  }
0x7: {  	s8 =	simm.s32 $0x8000;
	s13 =	simm.s32 $0x0;
	s3 =	sand.u32 $0xF80, s1  }
0x8: {  	s9 =	simm.s32 $0x0;
	s5 =	sshrl.u32 s1, $0xC;
	p0 =	sne.s32 s3, $0x0  }
.Ltmp0:
0x9: {  	s1 =	rddreg [dreg:$0x2];
	s4 =	simm.s32 @!p0 $0x0;
	(pc) =	sbr.rel .LBB1_1-.Ltmp0, $4  }
0xa: {  	s11 =	simm.s32 $0x0;
	s3 =	rddreg [dreg:$0x1];
	s5 =	sadd.s32 s4, s5  }
0xb: {  	_ =	strace $0x8000004A;
	s4 =	simm.s32 $0x1;
	s5 =	smul.u32 $0xC8, s5  }
0xc: {  	s6 =	sadd.s32 $0xC00, s6;
	s10 =	smov.u32 s2;
	[sflag:s4] =	ssyncpa.u1 $0x0  }
0xd: {  	p0 =	por $0x0, $0x0;
	[sflag:s7] =	ssyncpa.u1 $0x0;
	s7 =	sor.u32 $0x1, s5  }
.LBB1_4:
0xe: {  	s16 =	sshll.u32 s13, $0x3;
	s17 =	sand.u32 $0x78, s13  }
0xf: {  	s30 =	sand.u32 $0x7E00, s13;
	s12 =	sshll.u32 s12, $0xF;
	s16 =	sand.u32 $0xC00, s16  }
0x10: {  	[tilespmem:s15+$0x810 ss:$0x81] =	vst.msk $0xffff, v2;
	s31 =	sand.u32 $0x7, s13;
	s16 =	sor.u32 s17, s16;
	s17 =	sadd.s32 s3, s30  }
0x11: {  	[tilespmem:s15+$0x1020 ss:$0x81] =	vst.msk $0xffff, v0;
	s13 =	sshll.u32 s31, $0x12;
	s12 =	sadd.s32 s12, s17;
	s16 =	sshrl.u32 s16, $0x3  }
0x12: {  	[tilespmem:s15+$0x0 ss:$0x81] =	vst.msk $0xffff, v1;
	s13 =	sor.u32 $0x400, s13;
	s12 =	sadd.s32 s16, s12  }
0x13: {  	[hbm4b:s12+s13] =	stream.strided.scatter [tilespmem:s14], [sflag:$0x2], $0x2000, s8, s13, $0x20;
	[tilespmem:$0x8080] =	vst v63  }
.LBB1_5:
0x14: {  	s14 =	sadd.s32 $0x1, s9  }
0x15: {  	s12 =	sadd.s32 $0x1000, s10;
	s16 =	smov.u32 s10;
	p2 =	sgt.s32 s14, $0xC7  }
0x16: {  	s16 =	smov.u32 @p2 s12  }
0x17: {  	s14 =	simm.s32 @p2 $0x0;
	p2 =	sgt.s32 s16, $0xFFF  }
0x18: {  	s16 =	smov.u32 @p2 s2;
	p2 =	sne.s32 s11, s7  }
.Ltmp1:
0x19: {  	p1 =	slt.u32 s11, $0x2;
	(pc) =	sbr.rel @!p2 .LBB1_6-.Ltmp1, $4  }
0x1a: {  	s15 =	simm.s32 @!p1 $0x2  }
0x1b: {  	s13 =	smov.u32 s10;
	p0 =	por !p0, !p0;
	_ =	swait.ge @!p1 [sflag:s15], $0x2000  }
0x1c: {  	s12 =	smov.u32 s9;
	[sflag:s15] =	ssyncset.done @!p1 $0x0;
	s9 =	smov.u32 s14  }
0x1d: {  	s11 =	sadd.s32 $0x1, s11;
	[sflag:s15] =	ssyncadd.s32 @!p1 $0xFFFFE000;
	s10 =	smov.u32 s16  }
.LBB1_1:
0x1e: {  	p1 =	sge.u32 s11, s5  }
0x1f: {  	s14 =	sand.u32 @!p1 $0x1FFFFFF, s9  }
0x20: {  	s15 =	smulhi.u32 @!p1 $0x147AE15, s14;
	_ =	sdelay $0x1  }
0x21: {  	s15 =	smul.u32 @!p1 $0xC8, s15  }
0x22: {  	s16 =	sxor.u32 @!p1 $0xFFFFFFFF, s11;
	s17 =	smul.u32 @!p1 $0xC80, s10  }
0x23: {  	s31 =	sadd.s32 $0xFFFFFFFF, s11;
	s16 =	sshll.u32 @!p1 s16, $0xD;
	s14 =	ssub.s32 @!p1 s14, s15  }
0x24: {  	s15 =	sand.u32 @!p1 $0x2000, s16;
	s16 =	sadd.s32 @!p1 s6, s17;
	s14 =	sshll.u32 @!p1 s14, $0x4  }
0x25: {  	s17 =	simm.s32 @!p1 $0x6400;
	s14 =	sadd.s32 @!p1 s14, s16;
	s16 =	simm.s32 @!p1 $0x40  }
0x26: {  	[tilespmem:s15], [sflag:$0x1] =	stream.strided.gather @!p1 [hbm4b:s14+s16], $0x2000, s17, s16, $0x38;
	[tilespmem:$0x8080] =	vst v63  }
0x27: {  	p1 =	sge.u32 s31, s5  }
.Ltmp2:
0x28: {  	_ = 	snop;
	(pc) =	sbr.rel @p1 .LBB1_5-.Ltmp2, $1  }
0x29: {  	_ =	sdelay $0x3  }
0x2a: {  	s14 =	simm.s32 $0x1  }
0x2b: {  	_ =	swait.ge [sflag:s4], $0x2000;
	s14 =	simm.s32 @!p0 $0x0  }
0x2c: {  	[sflag:s4] =	ssyncset.done $0x0;
	s15 =	sshll.u32 s14, $0xD  }
0x2d: {  	[sflag:s4] =	ssyncadd.s32 $0xFFFFE000;
	s18 =	sor.u32 $0x20, s15  }
0x2e: {  	s14 =	smul.u32 $0x8100, s14;
	v3 =	vld [tilespmem:s18+$0x10]  }
0x2f: {  	s30 =	sand.u32 $0x1, s11;
	v2 =	vld [tilespmem:s18+$0xFFFFFFF0]  }
0x30: {  	s15 =	smul.u32 $0x8100, s30;
	s14 =	sshrl.u32 s14, $0x2;
	v0 =	vld [tilespmem:s18+$0x0]  }
0x31: {  	v1 =	vld [tilespmem:s18+$0xFFFFFFE0];
	s16 =	sor.u32 $0x4000, s14  }
0x32: {  	s31 =	sshrl.u32 s15, $0x2;
	s15 =	sadd.s32 $0x0, s16  }
0x33: {  	s17 =	simm.s32 $0x4;
	s18 =	sadd.s32 $0x40, s18;
	s14 =	sor.u32 $0x4000, s31;
	[tilespmem:s15+$0x1830 ss:$0x81] =	vst.msk $0xffff, v3  }
.LBB1_3:
0x34: {  	v3 =	vld [tilespmem:s18+$0x10];
	p1 =	sne.s32 s17, $0x1FC;
	[tilespmem:s15+$0x810 ss:$0x81] =	vst.msk $0xffff, v2;
	s19 =	smov.u32 s17;
	s17 =	sadd.s32 $0x4, s17  }
.Ltmp3:
0x35: {  	v2 =	vld [tilespmem:s18+$0xFFFFFFF0];
	[tilespmem:s15+$0x1020 ss:$0x81] =	vst.msk $0xffff, v0;
	(pc) =	sbr.rel @p1 .LBB1_3-.Ltmp3, $4  }
0x36: {  	v0 =	vld [tilespmem:s18+$0x0];
	[tilespmem:s15+$0x0 ss:$0x81] =	vst.msk $0xffff, v1  }
0x37: {  	s15 =	sshra.s32 s19, $0x2;
	v1 =	vld [tilespmem:s18+$0xFFFFFFE0]  }
0x38: {  	s15 =	sadd.s32 s15, s16  }
0x39: {  	s18 =	sadd.s32 $0x40, s18;
	[tilespmem:s15+$0x1830 ss:$0x81] =	vst.msk $0xffff, v3  }
.Ltmp4:
0x3a: {  	_ = 	snop;
	(pc) =	sbr.rel .LBB1_4-.Ltmp4, $1  }
0x3b: {  	_ =	sdelay $0x3  }
.LBB1_6:
0x3c: {  	_ =	sfence.sel $0x180000  }
0x3d: {  	s2 =	simm.s32 $0x1;
	[bflag:$0x0] =	sbarrier.arrive $0xFFFF  }
0x3e: {  	s31 =	simm.s32 $0x2;
	[sflag:s2] =	ssyncpa.u1 $0x1  }
0x3f: {  	[sflag:s31] =	ssyncpa.u1 $0x1  }
0x40: {  	p0 =	sne.s32 s0, $0x0;
	_ =	strace $0x9000004A  }
0x41: {  	s0 =	sadd.s32 @!p0 $0x100000, s1;
	[bflag:$0x2] =	sbarrier.arrive $0xFFFF  }
0x42: {  	[sflag:s0] =	ssyncadd.tile.s32 @!p0 $0x1;
	_ =	shalt  }
.Lfunc_end1:
_tile_overlayer_lowered:
.L_overlay_start_2:
0x43: {  	(tag) =	ssettag $0x2  }
0x44: {  	s0 =	rddreg [dreg:$0x0];
	s2 =	stileid.u32  }
0x45: {  	s1 =	rddreg [dreg:$0x1];
	p0 =	sne.s32 s2, $0x0  }
0x46: {  	s3 =	rddreg [dreg:$0x2];
	[bflag:$0x3] =	sbarrier.arrive $0xFFFF;
	s2 =	simm.s32 @!p0 $0x1C01  }
0x47: {  	[timem:s3], [sflag:s2] =	dma.local @!p0 [hbm:s0], s1  }
0x48: {  	s0 =	simm.s32 @!p0 $0x1  }
0x49: {  	_ =	swait.ge @!p0 [sflag:s0], s1  }
0x4a: {  	s1 =	ssub.s32 @!p0 $0x0, s1;
	[sflag:s0] =	ssyncset.done @!p0 $0x0  }
0x4b: {  	[sflag:s0] =	ssyncadd.s32 @!p0 s1  }
0x4c: {  	[bflag:$0x3] =	sbarrier.arrive $0xFFFF  }
0x4d: {  	_ =	shalt  }

</sc_bundles>
